<compile_context>
chip_gen: v7x
topology: tpu7x:2x2x1
jax: 0.10.2.dev20260603
libtpu: 0.0.44.dev20260713+nightly
codegen_flags: <defaults>
</compile_context>

<pallas_src>
import functools

import jax
import jax.numpy as jnp
from jax import lax
from jax.experimental import pallas as pl
from jax.experimental.pallas import tpu as pltpu
from jax.experimental.pallas import tpu_sc as plsc

NUM_FRAMES = 1024
NUM_TYPES = 4
NUM_ACTIONS = 128
TOTAL_CLS = 256
ROW = NUM_ACTIONS * TOTAL_CLS
NW = 32
FPW = NUM_FRAMES // NW
AW = NUM_TYPES * NUM_ACTIONS
NBUF = 2


def _sc_body(a_hbm, z_hbm, out_hbm, a_v, b0, b1, s0, s1, sz):
    wid = lax.axis_index("s") * 2 + lax.axis_index("c")
    fbase = wid * FPW
    bufs = (b0, b1)
    sems = (s0, s1)
    ca = pltpu.async_copy(a_hbm.at[pl.ds(fbase * AW, FPW * AW)], a_v, sz)
    cz = [
        pltpu.async_copy(z_hbm, bufs[b], sems[b]) for b in range(NBUF)
    ]
    ca.wait()
    for c in cz:
        c.wait()

    siota = lax.iota(jnp.int32, 16) * TOTAL_CLS
    ones = jnp.ones((16,), jnp.float32)
    zeros = jnp.zeros((16,), jnp.float32)

    def put(buf, i, val):
        for t in range(NUM_TYPES):
            for ch in range(NUM_ACTIONS // 16):
                av = a_v[pl.ds(i * AW + t * NUM_ACTIONS + ch * 16, 16)]
                idx = av + (siota + (ch * 16 * TOTAL_CLS + t * 64))
                plsc.store_scatter(buf, [idx], val)

    def advance(b, i):
        pltpu.make_async_copy(
            bufs[b], out_hbm.at[fbase + i - NBUF], sems[b]
        ).wait()
        put(bufs[b], i - NBUF, zeros)
        put(bufs[b], i, ones)
        pltpu.async_copy(bufs[b], out_hbm.at[fbase + i], sems[b])

    for b in range(NBUF):
        put(bufs[b], b, ones)
        pltpu.async_copy(bufs[b], out_hbm.at[fbase + b], sems[b])

    def step(k, _):
        g = NBUF * k
        for b in range(NBUF):
            advance(b, g + b)
        return _

    nfull = (FPW - NBUF) // NBUF
    lax.fori_loop(1, 1 + nfull, step, 0)

    done = NBUF + nfull * NBUF
    for i in range(done, FPW):
        advance(i % NBUF, i)
    for i in range(FPW - NBUF, FPW):
        pltpu.make_async_copy(
            bufs[i % NBUF], out_hbm.at[fbase + i], sems[i % NBUF]
        ).wait()


def kernel(actions):
    mesh = plsc.VectorSubcoreMesh(core_axis_name="c", subcore_axis_name="s")
    sck = functools.partial(
        pl.kernel,
        out_type=jax.ShapeDtypeStruct((NUM_FRAMES, ROW), jnp.float32),
        mesh=mesh,
        scratch_types=[
            pltpu.VMEM((FPW * AW,), jnp.int32),
            pltpu.VMEM((ROW,), jnp.float32),
            pltpu.VMEM((ROW,), jnp.float32),
            pltpu.SemaphoreType.DMA,
            pltpu.SemaphoreType.DMA,
            pltpu.SemaphoreType.DMA,
        ],
        compiler_params=pltpu.CompilerParams(needs_layout_passes=False),
    )(_sc_body)
    af = actions.reshape(NUM_FRAMES * AW)
    zrow = jnp.zeros((ROW,), jnp.float32)
    out = sck(af, zrow)
    return out.reshape(NUM_FRAMES, NUM_ACTIONS, TOTAL_CLS)

# --- scband reference (transcript-rebuilt; emitter-appended) ---
"""Pipeline reference for scband-dynamics-base-64501818851839 (READ-ONLY COPY).

The authoritative reference and input builder live on the scoring server;
editing this copy changes nothing except your own understanding.
"""

import jax, jax.numpy as jnp
import numpy as np

# action_descriptor = [MultiDiscrete(nvec=[64,64,64,64])] flattened per the torch module
ACTION_NUM_PER_TYPE = [64, 64, 64, 64]
START_IDX = np.cumsum([0] + ACTION_NUM_PER_TYPE[:-1])  # [0, 64, 128, 192]
TOTAL = int(np.sum(ACTION_NUM_PER_TYPE))               # 256

NUM_FRAMES = 1024
NUM_ACTION_TYPES = 4
NUM_ACTIONS = 128


def setup_inputs(seed: int = 0) -> dict:
    key = jax.random.key(seed)
    actions = jax.random.randint(
        key, (NUM_FRAMES, NUM_ACTION_TYPES, NUM_ACTIONS), 0, 64, dtype=jnp.int32
    )
    return {"actions": actions}


def reference(actions):
    # Faithful vectorized translation of DynamicsBase._actions2onehot:
    # for each (frame, action_type, action_slot):
    #   one_hot[frame, action_slot, start_idx[action_type] + actions[frame, action_type, action_slot]] = 1
    num_frames, num_action_types, num_actions = actions.shape
    start = jnp.asarray(START_IDX, dtype=actions.dtype)          # [T]
    offsets = actions + start[None, :, None]                      # [F, T, A]
    frame_ids = jnp.broadcast_to(
        jnp.arange(num_frames)[:, None, None],
        (num_frames, num_action_types, num_actions),
    )
    slot_ids = jnp.broadcast_to(
        jnp.arange(num_actions)[None, None, :],
        (num_frames, num_action_types, num_actions),
    )
    one_hot = jnp.zeros((num_frames, num_actions, TOTAL), dtype=jnp.float32)
    one_hot = one_hot.at[frame_ids, slot_ids, offsets].set(1.0)  # scatter-overwrite
    return one_hot

if __name__ == "__main__":
    import jax
    _d = setup_inputs()
    print(jax.jit(kernel)(*tuple(_d.values())))

</pallas_src>

<mosaic_0001>
#map = affine_map<(d0, d1) -> (0)>
#map1 = affine_map<(d0, d1) -> (0, 0)>
module attributes {stable_mosaic.version = 14 : i64} {
  func.func @_sc_body(%arg0: i32, %arg1: i32, %arg2: memref<524288xi32, #tpu.memory_space<hbm>>, %arg3: memref<32768xf32, #tpu.memory_space<hbm>>, %arg4: memref<1024x32768xf32, #tpu.memory_space<hbm>>, %arg5: memref<16384xi32, #tpu.memory_space<vmem>>, %arg6: memref<32768xf32, #tpu.memory_space<vmem>>, %arg7: memref<32768xf32, #tpu.memory_space<vmem>>, %arg8: memref<!tpu.dma_semaphore, #tpu.memory_space<semaphore_mem>>, %arg9: memref<!tpu.dma_semaphore, #tpu.memory_space<semaphore_mem>>, %arg10: memref<!tpu.dma_semaphore, #tpu.memory_space<semaphore_mem>>) attributes {dimension_semantics = [#tpu.dimension_semantics<core_parallel>, #tpu.dimension_semantics<subcore_parallel>], iteration_bounds = array<i64: 2, 16>, scalar_prefetch = 0 : i64, scratch_operands = 6 : i64, tpu.core_type = #tpu.core_type<sc_vector_subcore>, window_params = [{transform_indices = #map}, {transform_indices = #map}, {transform_indices = #map1}]} {
    %mul3A = arith.constant 2 : i32
    %mul3A_0 = arith.muli %arg1, %mul3A : i32
    %add3A = arith.addi %mul3A_0, %arg0 : i32
    %mul3A_1 = arith.constant 32 : i32
    %mul3A_2 = arith.muli %add3A, %mul3A_1 : i32
    %mul3A_3 = arith.constant 512 : i32
    %mul3A_4 = arith.muli %mul3A_2, %mul3A_3 : i32
    %dma_start3A = tpu.memref_slice %arg2[%mul3A_4] : memref<524288xi32, #tpu.memory_space<hbm>> -> memref<16384xi32, #tpu.memory_space<hbm>>
    %dma_start3A_5 = tpu.memref_slice %arg2[%mul3A_4] : memref<524288xi32, #tpu.memory_space<hbm>> -> memref<16384xi32, #tpu.memory_space<hbm>>
    tpu.enqueue_dma source(%dma_start3A_5 : memref<16384xi32, #tpu.memory_space<hbm>>) target(%arg5 : memref<16384xi32, #tpu.memory_space<vmem>>) target_semaphore(%arg10 : memref<!tpu.dma_semaphore, #tpu.memory_space<semaphore_mem>>)
    tpu.enqueue_dma source(%arg3 : memref<32768xf32, #tpu.memory_space<hbm>>) target(%arg6 : memref<32768xf32, #tpu.memory_space<vmem>>) target_semaphore(%arg8 : memref<!tpu.dma_semaphore, #tpu.memory_space<semaphore_mem>>)
    tpu.enqueue_dma source(%arg3 : memref<32768xf32, #tpu.memory_space<hbm>>) target(%arg7 : memref<32768xf32, #tpu.memory_space<vmem>>) target_semaphore(%arg9 : memref<!tpu.dma_semaphore, #tpu.memory_space<semaphore_mem>>)
    %dma_wait3A = tpu.memref_slice %arg2[%mul3A_4] : memref<524288xi32, #tpu.memory_space<hbm>> -> memref<16384xi32, #tpu.memory_space<hbm>>
    %dma_wait3A_6 = tpu.memref_slice %arg2[%mul3A_4] : memref<524288xi32, #tpu.memory_space<hbm>> -> memref<16384xi32, #tpu.memory_space<hbm>>
    tpu.wait_dma2 semaphore(%arg10 : memref<!tpu.dma_semaphore, #tpu.memory_space<semaphore_mem>>) src(%dma_wait3A_6 : memref<16384xi32, #tpu.memory_space<hbm>>) dst(%arg5 : memref<16384xi32, #tpu.memory_space<vmem>>)
    tpu.wait_dma2 semaphore(%arg8 : memref<!tpu.dma_semaphore, #tpu.memory_space<semaphore_mem>>) src(%arg3 : memref<32768xf32, #tpu.memory_space<hbm>>) dst(%arg6 : memref<32768xf32, #tpu.memory_space<vmem>>)
    tpu.wait_dma2 semaphore(%arg9 : memref<!tpu.dma_semaphore, #tpu.memory_space<semaphore_mem>>) src(%arg3 : memref<32768xf32, #tpu.memory_space<hbm>>) dst(%arg7 : memref<32768xf32, #tpu.memory_space<vmem>>)
    %iota3A = tpu.iota {dimensions = array<i32: 0>} : vector<16xi32>
    %mul3A_7 = arith.constant 256 : i32
    %mul3A_8 = vector.broadcast %mul3A_7 : i32 to vector<16xi32>
    %mul3A_9 = arith.muli %iota3A, %mul3A_8 : vector<16xi32>
    %broadcast_in_dim3A = arith.constant 1.000000e+00 : f32
    %broadcast_in_dim3A_10 = vector.broadcast %broadcast_in_dim3A : f32 to vector<16xf32>
    %broadcast_in_dim3A_11 = arith.constant 0.000000e+00 : f32
    %broadcast_in_dim3A_12 = vector.broadcast %broadcast_in_dim3A_11 : f32 to vector<16xf32>
    %get3A = arith.constant 0 : index
    %get3A_13 = tpu.vector_load %arg5[%get3A] {strides = array<i32>} : memref<16384xi32, #tpu.memory_space<vmem>>, vector<16xi32>,
    %add3A_14 = arith.constant 0 : i32
    %add3A_15 = vector.broadcast %add3A_14 : i32 to vector<16xi32>
    %add3A_16 = arith.addi %mul3A_9, %add3A_15 : vector<16xi32>
    %add3A_17 = arith.addi %get3A_13, %add3A_16 : vector<16xi32>
    tpu.vector_store_idx %arg6[%add3A_17], %broadcast_in_dim3A_10 : memref<32768xf32, #tpu.memory_space<vmem>>[vector<16xi32>], vector<16xf32>,
    %get3A_18 = arith.constant 16 : index
    %get3A_19 = tpu.vector_load %arg5[%get3A_18] {strides = array<i32>} : memref<16384xi32, #tpu.memory_space<vmem>>, vector<16xi32>,
    %add3A_20 = arith.constant 4096 : i32
    %add3A_21 = vector.broadcast %add3A_20 : i32 to vector<16xi32>
    %add3A_22 = arith.addi %mul3A_9, %add3A_21 : vector<16xi32>
    %add3A_23 = arith.addi %get3A_19, %add3A_22 : vector<16xi32>
    tpu.vector_store_idx %arg6[%add3A_23], %broadcast_in_dim3A_10 : memref<32768xf32, #tpu.memory_space<vmem>>[vector<16xi32>], vector<16xf32>,
    %get3A_24 = arith.constant 32 : index
    %get3A_25 = tpu.vector_load %arg5[%get3A_24] {strides = array<i32>} : memref<16384xi32, #tpu.memory_space<vmem>>, vector<16xi32>,
    %add3A_26 = arith.constant 8192 : i32
    %add3A_27 = vector.broadcast %add3A_26 : i32 to vector<16xi32>
    %add3A_28 = arith.addi %mul3A_9, %add3A_27 : vector<16xi32>
    %add3A_29 = arith.addi %get3A_25, %add3A_28 : vector<16xi32>
    tpu.vector_store_idx %arg6[%add3A_29], %broadcast_in_dim3A_10 : memref<32768xf32, #tpu.memory_space<vmem>>[vector<16xi32>], vector<16xf32>,
    %get3A_30 = arith.constant 48 : index
    %get3A_31 = tpu.vector_load %arg5[%get3A_30] {strides = array<i32>} : memref<16384xi32, #tpu.memory_space<vmem>>, vector<16xi32>,
    %add3A_32 = arith.constant 12288 : i32
    %add3A_33 = vector.broadcast %add3A_32 : i32 to vector<16xi32>
    %add3A_34 = arith.addi %mul3A_9, %add3A_33 : vector<16xi32>
    %add3A_35 = arith.addi %get3A_31, %add3A_34 : vector<16xi32>
    tpu.vector_store_idx %arg6[%add3A_35], %broadcast_in_dim3A_10 : memref<32768xf32, #tpu.memory_space<vmem>>[vector<16xi32>], vector<16xf32>,
    %get3A_36 = arith.constant 64 : index
    %get3A_37 = tpu.vector_load %arg5[%get3A_36] {strides = array<i32>} : memref<16384xi32, #tpu.memory_space<vmem>>, vector<16xi32>,
    %add3A_38 = arith.constant 16384 : i32
    %add3A_39 = vector.broadcast %add3A_38 : i32 to vector<16xi32>
    %add3A_40 = arith.addi %mul3A_9, %add3A_39 : vector<16xi32>
    %add3A_41 = arith.addi %get3A_37, %add3A_40 : vector<16xi32>
    tpu.vector_store_idx %arg6[%add3A_41], %broadcast_in_dim3A_10 : memref<32768xf32, #tpu.memory_space<vmem>>[vector<16xi32>], vector<16xf32>,
    %get3A_42 = arith.constant 80 : index
    %get3A_43 = tpu.vector_load %arg5[%get3A_42] {strides = array<i32>} : memref<16384xi32, #tpu.memory_space<vmem>>, vector<16xi32>,
    %add3A_44 = arith.constant 20480 : i32
    %add3A_45 = vector.broadcast %add3A_44 : i32 to vector<16xi32>
    %add3A_46 = arith.addi %mul3A_9, %add3A_45 : vector<16xi32>
    %add3A_47 = arith.addi %get3A_43, %add3A_46 : vector<16xi32>
    tpu.vector_store_idx %arg6[%add3A_47], %broadcast_in_dim3A_10 : memref<32768xf32, #tpu.memory_space<vmem>>[vector<16xi32>], vector<16xf32>,
    %get3A_48 = arith.constant 96 : index
    %get3A_49 = tpu.vector_load %arg5[%get3A_48] {strides = array<i32>} : memref<16384xi32, #tpu.memory_space<vmem>>, vector<16xi32>,
    %add3A_50 = arith.constant 24576 : i32
    %add3A_51 = vector.broadcast %add3A_50 : i32 to vector<16xi32>
    %add3A_52 = arith.addi %mul3A_9, %add3A_51 : vector<16xi32>
    %add3A_53 = arith.addi %get3A_49, %add3A_52 : vector<16xi32>
    tpu.vector_store_idx %arg6[%add3A_53], %broadcast_in_dim3A_10 : memref<32768xf32, #tpu.memory_space<vmem>>[vector<16xi32>], vector<16xf32>,
    %get3A_54 = arith.constant 112 : index
    %get3A_55 = tpu.vector_load %arg5[%get3A_54] {strides = array<i32>} : memref<16384xi32, #tpu.memory_space<vmem>>, vector<16xi32>,
    %add3A_56 = arith.constant 28672 : i32
    %add3A_57 = vector.broadcast %add3A_56 : i32 to vector<16xi32>
    %add3A_58 = arith.addi %mul3A_9, %add3A_57 : vector<16xi32>
    %add3A_59 = arith.addi %get3A_55, %add3A_58 : vector<16xi32>
    tpu.vector_store_idx %arg6[%add3A_59], %broadcast_in_dim3A_10 : memref<32768xf32, #tpu.memory_space<vmem>>[vector<16xi32>], vector<16xf32>,
    %get3A_60 = arith.constant 128 : index
    %get3A_61 = tpu.vector_load %arg5[%get3A_60] {strides = array<i32>} : memref<16384xi32, #tpu.memory_space<vmem>>, vector<16xi32>,
    %add3A_62 = arith.constant 64 : i32
    %add3A_63 = vector.broadcast %add3A_62 : i32 to vector<16xi32>
    %add3A_64 = arith.addi %mul3A_9, %add3A_63 : vector<16xi32>
    %add3A_65 = arith.addi %get3A_61, %add3A_64 : vector<16xi32>
    tpu.vector_store_idx %arg6[%add3A_65], %broadcast_in_dim3A_10 : memref<32768xf32, #tpu.memory_space<vmem>>[vector<16xi32>], vector<16xf32>,
    %get3A_66 = arith.constant 144 : index
    %get3A_67 = tpu.vector_load %arg5[%get3A_66] {strides = array<i32>} : memref<16384xi32, #tpu.memory_space<vmem>>, vector<16xi32>,
    %add3A_68 = arith.constant 4160 : i32
    %add3A_69 = vector.broadcast %add3A_68 : i32 to vector<16xi32>
    %add3A_70 = arith.addi %mul3A_9, %add3A_69 : vector<16xi32>
    %add3A_71 = arith.addi %get3A_67, %add3A_70 : vector<16xi32>
    tpu.vector_store_idx %arg6[%add3A_71], %broadcast_in_dim3A_10 : memref<32768xf32, #tpu.memory_space<vmem>>[vector<16xi32>], vector<16xf32>,
    %get3A_72 = arith.constant 160 : index
    %get3A_73 = tpu.vector_load %arg5[%get3A_72] {strides = array<i32>} : memref<16384xi32, #tpu.memory_space<vmem>>, vector<16xi32>,
    %add3A_74 = arith.constant 8256 : i32
    %add3A_75 = vector.broadcast %add3A_74 : i32 to vector<16xi32>
    %add3A_76 = arith.addi %mul3A_9, %add3A_75 : vector<16xi32>
    %add3A_77 = arith.addi %get3A_73, %add3A_76 : vector<16xi32>
    tpu.vector_store_idx %arg6[%add3A_77], %broadcast_in_dim3A_10 : memref<32768xf32, #tpu.memory_space<vmem>>[vector<16xi32>], vector<16xf32>,
    %get3A_78 = arith.constant 176 : index
    %get3A_79 = tpu.vector_load %arg5[%get3A_78] {strides = array<i32>} : memref<16384xi32, #tpu.memory_space<vmem>>, vector<16xi32>,
    %add3A_80 = arith.constant 12352 : i32
    %add3A_81 = vector.broadcast %add3A_80 : i32 to vector<16xi32>
    %add3A_82 = arith.addi %mul3A_9, %add3A_81 : vector<16xi32>
    %add3A_83 = arith.addi %get3A_79, %add3A_82 : vector<16xi32>
    tpu.vector_store_idx %arg6[%add3A_83], %broadcast_in_dim3A_10 : memref<32768xf32, #tpu.memory_space<vmem>>[vector<16xi32>], vector<16xf32>,
    %get3A_84 = arith.constant 192 : index
    %get3A_85 = tpu.vector_load %arg5[%get3A_84] {strides = array<i32>} : memref<16384xi32, #tpu.memory_space<vmem>>, vector<16xi32>,
    %add3A_86 = arith.constant 16448 : i32
    %add3A_87 = vector.broadcast %add3A_86 : i32 to vector<16xi32>
    %add3A_88 = arith.addi %mul3A_9, %add3A_87 : vector<16xi32>
    %add3A_89 = arith.addi %get3A_85, %add3A_88 : vector<16xi32>
    tpu.vector_store_idx %arg6[%add3A_89], %broadcast_in_dim3A_10 : memref<32768xf32, #tpu.memory_space<vmem>>[vector<16xi32>], vector<16xf32>,
    %get3A_90 = arith.constant 208 : index
    %get3A_91 = tpu.vector_load %arg5[%get3A_90] {strides = array<i32>} : memref<16384xi32, #tpu.memory_space<vmem>>, vector<16xi32>,
    %add3A_92 = arith.constant 20544 : i32
    %add3A_93 = vector.broadcast %add3A_92 : i32 to vector<16xi32>
    %add3A_94 = arith.addi %mul3A_9, %add3A_93 : vector<16xi32>
    %add3A_95 = arith.addi %get3A_91, %add3A_94 : vector<16xi32>
    tpu.vector_store_idx %arg6[%add3A_95], %broadcast_in_dim3A_10 : memref<32768xf32, #tpu.memory_space<vmem>>[vector<16xi32>], vector<16xf32>,
    %get3A_96 = arith.constant 224 : index
    %get3A_97 = tpu.vector_load %arg5[%get3A_96] {strides = array<i32>} : memref<16384xi32, #tpu.memory_space<vmem>>, vector<16xi32>,
    %add3A_98 = arith.constant 24640 : i32
    %add3A_99 = vector.broadcast %add3A_98 : i32 to vector<16xi32>
    %add3A_100 = arith.addi %mul3A_9, %add3A_99 : vector<16xi32>
    %add3A_101 = arith.addi %get3A_97, %add3A_100 : vector<16xi32>
    tpu.vector_store_idx %arg6[%add3A_101], %broadcast_in_dim3A_10 : memref<32768xf32, #tpu.memory_space<vmem>>[vector<16xi32>], vector<16xf32>,
    %get3A_102 = arith.constant 240 : index
    %get3A_103 = tpu.vector_load %arg5[%get3A_102] {strides = array<i32>} : memref<16384xi32, #tpu.memory_space<vmem>>, vector<16xi32>,
    %add3A_104 = arith.constant 28736 : i32
    %add3A_105 = vector.broadcast %add3A_104 : i32 to vector<16xi32>
    %add3A_106 = arith.addi %mul3A_9, %add3A_105 : vector<16xi32>
    %add3A_107 = arith.addi %get3A_103, %add3A_106 : vector<16xi32>
    tpu.vector_store_idx %arg6[%add3A_107], %broadcast_in_dim3A_10 : memref<32768xf32, #tpu.memory_space<vmem>>[vector<16xi32>], vector<16xf32>,
    %get3A_108 = arith.constant 256 : index
    %get3A_109 = tpu.vector_load %arg5[%get3A_108] {strides = array<i32>} : memref<16384xi32, #tpu.memory_space<vmem>>, vector<16xi32>,
    %add3A_110 = arith.constant 128 : i32
    %add3A_111 = vector.broadcast %add3A_110 : i32 to vector<16xi32>
    %add3A_112 = arith.addi %mul3A_9, %add3A_111 : vector<16xi32>
    %add3A_113 = arith.addi %get3A_109, %add3A_112 : vector<16xi32>
    tpu.vector_store_idx %arg6[%add3A_113], %broadcast_in_dim3A_10 : memref<32768xf32, #tpu.memory_space<vmem>>[vector<16xi32>], vector<16xf32>,
    %get3A_114 = arith.constant 272 : index
    %get3A_115 = tpu.vector_load %arg5[%get3A_114] {strides = array<i32>} : memref<16384xi32, #tpu.memory_space<vmem>>, vector<16xi32>,
    %add3A_116 = arith.constant 4224 : i32
    %add3A_117 = vector.broadcast %add3A_116 : i32 to vector<16xi32>
    %add3A_118 = arith.addi %mul3A_9, %add3A_117 : vector<16xi32>
    %add3A_119 = arith.addi %get3A_115, %add3A_118 : vector<16xi32>
    tpu.vector_store_idx %arg6[%add3A_119], %broadcast_in_dim3A_10 : memref<32768xf32, #tpu.memory_space<vmem>>[vector<16xi32>], vector<16xf32>,
    %get3A_120 = arith.constant 288 : index
    %get3A_121 = tpu.vector_load %arg5[%get3A_120] {strides = array<i32>} : memref<16384xi32, #tpu.memory_space<vmem>>, vector<16xi32>,
    %add3A_122 = arith.constant 8320 : i32
    %add3A_123 = vector.broadcast %add3A_122 : i32 to vector<16xi32>
    %add3A_124 = arith.addi %mul3A_9, %add3A_123 : vector<16xi32>
    %add3A_125 = arith.addi %get3A_121, %add3A_124 : vector<16xi32>
    tpu.vector_store_idx %arg6[%add3A_125], %broadcast_in_dim3A_10 : memref<32768xf32, #tpu.memory_space<vmem>>[vector<16xi32>], vector<16xf32>,
    %get3A_126 = arith.constant 304 : index
    %get3A_127 = tpu.vector_load %arg5[%get3A_126] {strides = array<i32>} : memref<16384xi32, #tpu.memory_space<vmem>>, vector<16xi32>,
    %add3A_128 = arith.constant 12416 : i32
    %add3A_129 = vector.broadcast %add3A_128 : i32 to vector<16xi32>
    %add3A_130 = arith.addi %mul3A_9, %add3A_129 : vector<16xi32>
    %add3A_131 = arith.addi %get3A_127, %add3A_130 : vector<16xi32>
    tpu.vector_store_idx %arg6[%add3A_131], %broadcast_in_dim3A_10 : memref<32768xf32, #tpu.memory_space<vmem>>[vector<16xi32>], vector<16xf32>,
    %get3A_132 = arith.constant 320 : index
    %get3A_133 = tpu.vector_load %arg5[%get3A_132] {strides = array<i32>} : memref<16384xi32, #tpu.memory_space<vmem>>, vector<16xi32>,
    %add3A_134 = arith.constant 16512 : i32
    %add3A_135 = vector.broadcast %add3A_134 : i32 to vector<16xi32>
    %add3A_136 = arith.addi %mul3A_9, %add3A_135 : vector<16xi32>
    %add3A_137 = arith.addi %get3A_133, %add3A_136 : vector<16xi32>
    tpu.vector_store_idx %arg6[%add3A_137], %broadcast_in_dim3A_10 : memref<32768xf32, #tpu.memory_space<vmem>>[vector<16xi32>], vector<16xf32>,
    %get3A_138 = arith.constant 336 : index
    %get3A_139 = tpu.vector_load %arg5[%get3A_138] {strides = array<i32>} : memref<16384xi32, #tpu.memory_space<vmem>>, vector<16xi32>,
    %add3A_140 = arith.constant 20608 : i32
    %add3A_141 = vector.broadcast %add3A_140 : i32 to vector<16xi32>
    %add3A_142 = arith.addi %mul3A_9, %add3A_141 : vector<16xi32>
    %add3A_143 = arith.addi %get3A_139, %add3A_142 : vector<16xi32>
    tpu.vector_store_idx %arg6[%add3A_143], %broadcast_in_dim3A_10 : memref<32768xf32, #tpu.memory_space<vmem>>[vector<16xi32>], vector<16xf32>,
    %get3A_144 = arith.constant 352 : index
    %get3A_145 = tpu.vector_load %arg5[%get3A_144] {strides = array<i32>} : memref<16384xi32, #tpu.memory_space<vmem>>, vector<16xi32>,
    %add3A_146 = arith.constant 24704 : i32
    %add3A_147 = vector.broadcast %add3A_146 : i32 to vector<16xi32>
    %add3A_148 = arith.addi %mul3A_9, %add3A_147 : vector<16xi32>
    %add3A_149 = arith.addi %get3A_145, %add3A_148 : vector<16xi32>
    tpu.vector_store_idx %arg6[%add3A_149], %broadcast_in_dim3A_10 : memref<32768xf32, #tpu.memory_space<vmem>>[vector<16xi32>], vector<16xf32>,
    %get3A_150 = arith.constant 368 : index
    %get3A_151 = tpu.vector_load %arg5[%get3A_150] {strides = array<i32>} : memref<16384xi32, #tpu.memory_space<vmem>>, vector<16xi32>,
    %add3A_152 = arith.constant 28800 : i32
    %add3A_153 = vector.broadcast %add3A_152 : i32 to vector<16xi32>
    %add3A_154 = arith.addi %mul3A_9, %add3A_153 : vector<16xi32>
    %add3A_155 = arith.addi %get3A_151, %add3A_154 : vector<16xi32>
    tpu.vector_store_idx %arg6[%add3A_155], %broadcast_in_dim3A_10 : memref<32768xf32, #tpu.memory_space<vmem>>[vector<16xi32>], vector<16xf32>,
    %get3A_156 = arith.constant 384 : index
    %get3A_157 = tpu.vector_load %arg5[%get3A_156] {strides = array<i32>} : memref<16384xi32, #tpu.memory_space<vmem>>, vector<16xi32>,
    %add3A_158 = arith.constant 192 : i32
    %add3A_159 = vector.broadcast %add3A_158 : i32 to vector<16xi32>
    %add3A_160 = arith.addi %mul3A_9, %add3A_159 : vector<16xi32>
    %add3A_161 = arith.addi %get3A_157, %add3A_160 : vector<16xi32>
    tpu.vector_store_idx %arg6[%add3A_161], %broadcast_in_dim3A_10 : memref<32768xf32, #tpu.memory_space<vmem>>[vector<16xi32>], vector<16xf32>,
    %get3A_162 = arith.constant 400 : index
    %get3A_163 = tpu.vector_load %arg5[%get3A_162] {strides = array<i32>} : memref<16384xi32, #tpu.memory_space<vmem>>, vector<16xi32>,
    %add3A_164 = arith.constant 4288 : i32
    %add3A_165 = vector.broadcast %add3A_164 : i32 to vector<16xi32>
    %add3A_166 = arith.addi %mul3A_9, %add3A_165 : vector<16xi32>
    %add3A_167 = arith.addi %get3A_163, %add3A_166 : vector<16xi32>
    tpu.vector_store_idx %arg6[%add3A_167], %broadcast_in_dim3A_10 : memref<32768xf32, #tpu.memory_space<vmem>>[vector<16xi32>], vector<16xf32>,
    %get3A_168 = arith.constant 416 : index
    %get3A_169 = tpu.vector_load %arg5[%get3A_168] {strides = array<i32>} : memref<16384xi32, #tpu.memory_space<vmem>>, vector<16xi32>,
    %add3A_170 = arith.constant 8384 : i32
    %add3A_171 = vector.broadcast %add3A_170 : i32 to vector<16xi32>
    %add3A_172 = arith.addi %mul3A_9, %add3A_171 : vector<16xi32>
    %add3A_173 = arith.addi %get3A_169, %add3A_172 : vector<16xi32>
    tpu.vector_store_idx %arg6[%add3A_173], %broadcast_in_dim3A_10 : memref<32768xf32, #tpu.memory_space<vmem>>[vector<16xi32>], vector<16xf32>,
    %get3A_174 = arith.constant 432 : index
    %get3A_175 = tpu.vector_load %arg5[%get3A_174] {strides = array<i32>} : memref<16384xi32, #tpu.memory_space<vmem>>, vector<16xi32>,
    %add3A_176 = arith.constant 12480 : i32
    %add3A_177 = vector.broadcast %add3A_176 : i32 to vector<16xi32>
    %add3A_178 = arith.addi %mul3A_9, %add3A_177 : vector<16xi32>
    %add3A_179 = arith.addi %get3A_175, %add3A_178 : vector<16xi32>
    tpu.vector_store_idx %arg6[%add3A_179], %broadcast_in_dim3A_10 : memref<32768xf32, #tpu.memory_space<vmem>>[vector<16xi32>], vector<16xf32>,
    %get3A_180 = arith.constant 448 : index
    %get3A_181 = tpu.vector_load %arg5[%get3A_180] {strides = array<i32>} : memref<16384xi32, #tpu.memory_space<vmem>>, vector<16xi32>,
    %add3A_182 = arith.constant 16576 : i32
    %add3A_183 = vector.broadcast %add3A_182 : i32 to vector<16xi32>
    %add3A_184 = arith.addi %mul3A_9, %add3A_183 : vector<16xi32>
    %add3A_185 = arith.addi %get3A_181, %add3A_184 : vector<16xi32>
    tpu.vector_store_idx %arg6[%add3A_185], %broadcast_in_dim3A_10 : memref<32768xf32, #tpu.memory_space<vmem>>[vector<16xi32>], vector<16xf32>,
    %get3A_186 = arith.constant 464 : index
    %get3A_187 = tpu.vector_load %arg5[%get3A_186] {strides = array<i32>} : memref<16384xi32, #tpu.memory_space<vmem>>, vector<16xi32>,
    %add3A_188 = arith.constant 20672 : i32
    %add3A_189 = vector.broadcast %add3A_188 : i32 to vector<16xi32>
    %add3A_190 = arith.addi %mul3A_9, %add3A_189 : vector<16xi32>
    %add3A_191 = arith.addi %get3A_187, %add3A_190 : vector<16xi32>
    tpu.vector_store_idx %arg6[%add3A_191], %broadcast_in_dim3A_10 : memref<32768xf32, #tpu.memory_space<vmem>>[vector<16xi32>], vector<16xf32>,
    %get3A_192 = arith.constant 480 : index
    %get3A_193 = tpu.vector_load %arg5[%get3A_192] {strides = array<i32>} : memref<16384xi32, #tpu.memory_space<vmem>>, vector<16xi32>,
    %add3A_194 = arith.constant 24768 : i32
    %add3A_195 = vector.broadcast %add3A_194 : i32 to vector<16xi32>
    %add3A_196 = arith.addi %mul3A_9, %add3A_195 : vector<16xi32>
    %add3A_197 = arith.addi %get3A_193, %add3A_196 : vector<16xi32>
    tpu.vector_store_idx %arg6[%add3A_197], %broadcast_in_dim3A_10 : memref<32768xf32, #tpu.memory_space<vmem>>[vector<16xi32>], vector<16xf32>,
    %get3A_198 = arith.constant 496 : index
    %get3A_199 = tpu.vector_load %arg5[%get3A_198] {strides = array<i32>} : memref<16384xi32, #tpu.memory_space<vmem>>, vector<16xi32>,
    %add3A_200 = arith.constant 28864 : i32
    %add3A_201 = vector.broadcast %add3A_200 : i32 to vector<16xi32>
    %add3A_202 = arith.addi %mul3A_9, %add3A_201 : vector<16xi32>
    %add3A_203 = arith.addi %get3A_199, %add3A_202 : vector<16xi32>
    tpu.vector_store_idx %arg6[%add3A_203], %broadcast_in_dim3A_10 : memref<32768xf32, #tpu.memory_space<vmem>>[vector<16xi32>], vector<16xf32>,
    %add3A_204 = arith.constant 0 : i32
    %add3A_205 = arith.addi %mul3A_2, %add3A_204 : i32
    %dma_start3A_206 = arith.constant 0 : i32
    %dma_start3A_207 = tpu.memref_slice %arg4[%add3A_205, %dma_start3A_206] : memref<1024x32768xf32, #tpu.memory_space<hbm>> -> memref<1x32768xf32, #tpu.memory_space<hbm>>
    %dma_start3A_208 = tpu.memref_squeeze %dma_start3A_207 : memref<1x32768xf32, #tpu.memory_space<hbm>> -> memref<32768xf32, #tpu.memory_space<hbm>>
    %dma_start3A_209 = arith.constant 0 : i32
    %dma_start3A_210 = tpu.memref_slice %arg4[%add3A_205, %dma_start3A_209] : memref<1024x32768xf32, #tpu.memory_space<hbm>> -> memref<1x32768xf32, #tpu.memory_space<hbm>>
    %dma_start3A_211 = tpu.memref_squeeze %dma_start3A_210 : memref<1x32768xf32, #tpu.memory_space<hbm>> -> memref<32768xf32, #tpu.memory_space<hbm>>
    tpu.enqueue_dma source(%arg6 : memref<32768xf32, #tpu.memory_space<vmem>>) target(%dma_start3A_211 : memref<32768xf32, #tpu.memory_space<hbm>>) target_semaphore(%arg8 : memref<!tpu.dma_semaphore, #tpu.memory_space<semaphore_mem>>)
    %get3A_212 = arith.constant 512 : index
    %get3A_213 = tpu.vector_load %arg5[%get3A_212] {strides = array<i32>} : memref<16384xi32, #tpu.memory_space<vmem>>, vector<16xi32>,
    %add3A_214 = arith.constant 0 : i32
    %add3A_215 = vector.broadcast %add3A_214 : i32 to vector<16xi32>
    %add3A_216 = arith.addi %mul3A_9, %add3A_215 : vector<16xi32>
    %add3A_217 = arith.addi %get3A_213, %add3A_216 : vector<16xi32>
    tpu.vector_store_idx %arg7[%add3A_217], %broadcast_in_dim3A_10 : memref<32768xf32, #tpu.memory_space<vmem>>[vector<16xi32>], vector<16xf32>,
    %get3A_218 = arith.constant 528 : index
    %get3A_219 = tpu.vector_load %arg5[%get3A_218] {strides = array<i32>} : memref<16384xi32, #tpu.memory_space<vmem>>, vector<16xi32>,
    %add3A_220 = arith.constant 4096 : i32
    %add3A_221 = vector.broadcast %add3A_220 : i32 to vector<16xi32>
    %add3A_222 = arith.addi %mul3A_9, %add3A_221 : vector<16xi32>
    %add3A_223 = arith.addi %get3A_219, %add3A_222 : vector<16xi32>
    tpu.vector_store_idx %arg7[%add3A_223], %broadcast_in_dim3A_10 : memref<32768xf32, #tpu.memory_space<vmem>>[vector<16xi32>], vector<16xf32>,
    %get3A_224 = arith.constant 544 : index
    %get3A_225 = tpu.vector_load %arg5[%get3A_224] {strides = array<i32>} : memref<16384xi32, #tpu.memory_space<vmem>>, vector<16xi32>,
    %add3A_226 = arith.constant 8192 : i32
    %add3A_227 = vector.broadcast %add3A_226 : i32 to vector<16xi32>
    %add3A_228 = arith.addi %mul3A_9, %add3A_227 : vector<16xi32>
    %add3A_229 = arith.addi %get3A_225, %add3A_228 : vector<16xi32>
    tpu.vector_store_idx %arg7[%add3A_229], %broadcast_in_dim3A_10 : memref<32768xf32, #tpu.memory_space<vmem>>[vector<16xi32>], vector<16xf32>,
    %get3A_230 = arith.constant 560 : index
    %get3A_231 = tpu.vector_load %arg5[%get3A_230] {strides = array<i32>} : memref<16384xi32, #tpu.memory_space<vmem>>, vector<16xi32>,
    %add3A_232 = arith.constant 12288 : i32
    %add3A_233 = vector.broadcast %add3A_232 : i32 to vector<16xi32>
    %add3A_234 = arith.addi %mul3A_9, %add3A_233 : vector<16xi32>
    %add3A_235 = arith.addi %get3A_231, %add3A_234 : vector<16xi32>
    tpu.vector_store_idx %arg7[%add3A_235], %broadcast_in_dim3A_10 : memref<32768xf32, #tpu.memory_space<vmem>>[vector<16xi32>], vector<16xf32>,
    %get3A_236 = arith.constant 576 : index
    %get3A_237 = tpu.vector_load %arg5[%get3A_236] {strides = array<i32>} : memref<16384xi32, #tpu.memory_space<vmem>>, vector<16xi32>,
    %add3A_238 = arith.constant 16384 : i32
    %add3A_239 = vector.broadcast %add3A_238 : i32 to vector<16xi32>
    %add3A_240 = arith.addi %mul3A_9, %add3A_239 : vector<16xi32>
    %add3A_241 = arith.addi %get3A_237, %add3A_240 : vector<16xi32>
    tpu.vector_store_idx %arg7[%add3A_241], %broadcast_in_dim3A_10 : memref<32768xf32, #tpu.memory_space<vmem>>[vector<16xi32>], vector<16xf32>,
    %get3A_242 = arith.constant 592 : index
    %get3A_243 = tpu.vector_load %arg5[%get3A_242] {strides = array<i32>} : memref<16384xi32, #tpu.memory_space<vmem>>, vector<16xi32>,
    %add3A_244 = arith.constant 20480 : i32
    %add3A_245 = vector.broadcast %add3A_244 : i32 to vector<16xi32>
    %add3A_246 = arith.addi %mul3A_9, %add3A_245 : vector<16xi32>
    %add3A_247 = arith.addi %get3A_243, %add3A_246 : vector<16xi32>
    tpu.vector_store_idx %arg7[%add3A_247], %broadcast_in_dim3A_10 : memref<32768xf32, #tpu.memory_space<vmem>>[vector<16xi32>], vector<16xf32>,
    %get3A_248 = arith.constant 608 : index
    %get3A_249 = tpu.vector_load %arg5[%get3A_248] {strides = array<i32>} : memref<16384xi32, #tpu.memory_space<vmem>>, vector<16xi32>,
    %add3A_250 = arith.constant 24576 : i32
    %add3A_251 = vector.broadcast %add3A_250 : i32 to vector<16xi32>
    %add3A_252 = arith.addi %mul3A_9, %add3A_251 : vector<16xi32>
    %add3A_253 = arith.addi %get3A_249, %add3A_252 : vector<16xi32>
    tpu.vector_store_idx %arg7[%add3A_253], %broadcast_in_dim3A_10 : memref<32768xf32, #tpu.memory_space<vmem>>[vector<16xi32>], vector<16xf32>,
    %get3A_254 = arith.constant 624 : index
    %get3A_255 = tpu.vector_load %arg5[%get3A_254] {strides = array<i32>} : memref<16384xi32, #tpu.memory_space<vmem>>, vector<16xi32>,
    %add3A_256 = arith.constant 28672 : i32
    %add3A_257 = vector.broadcast %add3A_256 : i32 to vector<16xi32>
    %add3A_258 = arith.addi %mul3A_9, %add3A_257 : vector<16xi32>
    %add3A_259 = arith.addi %get3A_255, %add3A_258 : vector<16xi32>
    tpu.vector_store_idx %arg7[%add3A_259], %broadcast_in_dim3A_10 : memref<32768xf32, #tpu.memory_space<vmem>>[vector<16xi32>], vector<16xf32>,
    %get3A_260 = arith.constant 640 : index
    %get3A_261 = tpu.vector_load %arg5[%get3A_260] {strides = array<i32>} : memref<16384xi32, #tpu.memory_space<vmem>>, vector<16xi32>,
    %add3A_262 = arith.constant 64 : i32
    %add3A_263 = vector.broadcast %add3A_262 : i32 to vector<16xi32>
    %add3A_264 = arith.addi %mul3A_9, %add3A_263 : vector<16xi32>
    %add3A_265 = arith.addi %get3A_261, %add3A_264 : vector<16xi32>
    tpu.vector_store_idx %arg7[%add3A_265], %broadcast_in_dim3A_10 : memref<32768xf32, #tpu.memory_space<vmem>>[vector<16xi32>], vector<16xf32>,
    %get3A_266 = arith.constant 656 : index
    %get3A_267 = tpu.vector_load %arg5[%get3A_266] {strides = array<i32>} : memref<16384xi32, #tpu.memory_space<vmem>>, vector<16xi32>,
    %add3A_268 = arith.constant 4160 : i32
    %add3A_269 = vector.broadcast %add3A_268 : i32 to vector<16xi32>
    %add3A_270 = arith.addi %mul3A_9, %add3A_269 : vector<16xi32>
    %add3A_271 = arith.addi %get3A_267, %add3A_270 : vector<16xi32>
    tpu.vector_store_idx %arg7[%add3A_271], %broadcast_in_dim3A_10 : memref<32768xf32, #tpu.memory_space<vmem>>[vector<16xi32>], vector<16xf32>,
    %get3A_272 = arith.constant 672 : index
    %get3A_273 = tpu.vector_load %arg5[%get3A_272] {strides = array<i32>} : memref<16384xi32, #tpu.memory_space<vmem>>, vector<16xi32>,
    %add3A_274 = arith.constant 8256 : i32
    %add3A_275 = vector.broadcast %add3A_274 : i32 to vector<16xi32>
    %add3A_276 = arith.addi %mul3A_9, %add3A_275 : vector<16xi32>
    %add3A_277 = arith.addi %get3A_273, %add3A_276 : vector<16xi32>
    tpu.vector_store_idx %arg7[%add3A_277], %broadcast_in_dim3A_10 : memref<32768xf32, #tpu.memory_space<vmem>>[vector<16xi32>], vector<16xf32>,
    %get3A_278 = arith.constant 688 : index
    %get3A_279 = tpu.vector_load %arg5[%get3A_278] {strides = array<i32>} : memref<16384xi32, #tpu.memory_space<vmem>>, vector<16xi32>,
    %add3A_280 = arith.constant 12352 : i32
    %add3A_281 = vector.broadcast %add3A_280 : i32 to vector<16xi32>
    %add3A_282 = arith.addi %mul3A_9, %add3A_281 : vector<16xi32>
    %add3A_283 = arith.addi %get3A_279, %add3A_282 : vector<16xi32>
    tpu.vector_store_idx %arg7[%add3A_283], %broadcast_in_dim3A_10 : memref<32768xf32, #tpu.memory_space<vmem>>[vector<16xi32>], vector<16xf32>,
    %get3A_284 = arith.constant 704 : index
    %get3A_285 = tpu.vector_load %arg5[%get3A_284] {strides = array<i32>} : memref<16384xi32, #tpu.memory_space<vmem>>, vector<16xi32>,
    %add3A_286 = arith.constant 16448 : i32
    %add3A_287 = vector.broadcast %add3A_286 : i32 to vector<16xi32>
    %add3A_288 = arith.addi %mul3A_9, %add3A_287 : vector<16xi32>
    %add3A_289 = arith.addi %get3A_285, %add3A_288 : vector<16xi32>
    tpu.vector_store_idx %arg7[%add3A_289], %broadcast_in_dim3A_10 : memref<32768xf32, #tpu.memory_space<vmem>>[vector<16xi32>], vector<16xf32>,
    %get3A_290 = arith.constant 720 : index
    %get3A_291 = tpu.vector_load %arg5[%get3A_290] {strides = array<i32>} : memref<16384xi32, #tpu.memory_space<vmem>>, vector<16xi32>,
    %add3A_292 = arith.constant 20544 : i32
    %add3A_293 = vector.broadcast %add3A_292 : i32 to vector<16xi32>
    %add3A_294 = arith.addi %mul3A_9, %add3A_293 : vector<16xi32>
    %add3A_295 = arith.addi %get3A_291, %add3A_294 : vector<16xi32>
    tpu.vector_store_idx %arg7[%add3A_295], %broadcast_in_dim3A_10 : memref<32768xf32, #tpu.memory_space<vmem>>[vector<16xi32>], vector<16xf32>,
    %get3A_296 = arith.constant 736 : index
    %get3A_297 = tpu.vector_load %arg5[%get3A_296] {strides = array<i32>} : memref<16384xi32, #tpu.memory_space<vmem>>, vector<16xi32>,
    %add3A_298 = arith.constant 24640 : i32
    %add3A_299 = vector.broadcast %add3A_298 : i32 to vector<16xi32>
    %add3A_300 = arith.addi %mul3A_9, %add3A_299 : vector<16xi32>
    %add3A_301 = arith.addi %get3A_297, %add3A_300 : vector<16xi32>
    tpu.vector_store_idx %arg7[%add3A_301], %broadcast_in_dim3A_10 : memref<32768xf32, #tpu.memory_space<vmem>>[vector<16xi32>], vector<16xf32>,
    %get3A_302 = arith.constant 752 : index
    %get3A_303 = tpu.vector_load %arg5[%get3A_302] {strides = array<i32>} : memref<16384xi32, #tpu.memory_space<vmem>>, vector<16xi32>,
    %add3A_304 = arith.constant 28736 : i32
    %add3A_305 = vector.broadcast %add3A_304 : i32 to vector<16xi32>
    %add3A_306 = arith.addi %mul3A_9, %add3A_305 : vector<16xi32>
    %add3A_307 = arith.addi %get3A_303, %add3A_306 : vector<16xi32>
    tpu.vector_store_idx %arg7[%add3A_307], %broadcast_in_dim3A_10 : memref<32768xf32, #tpu.memory_space<vmem>>[vector<16xi32>], vector<16xf32>,
    %get3A_308 = arith.constant 768 : index
    %get3A_309 = tpu.vector_load %arg5[%get3A_308] {strides = array<i32>} : memref<16384xi32, #tpu.memory_space<vmem>>, vector<16xi32>,
    %add3A_310 = arith.constant 128 : i32
    %add3A_311 = vector.broadcast %add3A_310 : i32 to vector<16xi32>
    %add3A_312 = arith.addi %mul3A_9, %add3A_311 : vector<16xi32>
    %add3A_313 = arith.addi %get3A_309, %add3A_312 : vector<16xi32>
    tpu.vector_store_idx %arg7[%add3A_313], %broadcast_in_dim3A_10 : memref<32768xf32, #tpu.memory_space<vmem>>[vector<16xi32>], vector<16xf32>,
    %get3A_314 = arith.constant 784 : index
    %get3A_315 = tpu.vector_load %arg5[%get3A_314] {strides = array<i32>} : memref<16384xi32, #tpu.memory_space<vmem>>, vector<16xi32>,
    %add3A_316 = arith.constant 4224 : i32
    %add3A_317 = vector.broadcast %add3A_316 : i32 to vector<16xi32>
    %add3A_318 = arith.addi %mul3A_9, %add3A_317 : vector<16xi32>
    %add3A_319 = arith.addi %get3A_315, %add3A_318 : vector<16xi32>
    tpu.vector_store_idx %arg7[%add3A_319], %broadcast_in_dim3A_10 : memref<32768xf32, #tpu.memory_space<vmem>>[vector<16xi32>], vector<16xf32>,
    %get3A_320 = arith.constant 800 : index
    %get3A_321 = tpu.vector_load %arg5[%get3A_320] {strides = array<i32>} : memref<16384xi32, #tpu.memory_space<vmem>>, vector<16xi32>,
    %add3A_322 = arith.constant 8320 : i32
    %add3A_323 = vector.broadcast %add3A_322 : i32 to vector<16xi32>
    %add3A_324 = arith.addi %mul3A_9, %add3A_323 : vector<16xi32>
    %add3A_325 = arith.addi %get3A_321, %add3A_324 : vector<16xi32>
    tpu.vector_store_idx %arg7[%add3A_325], %broadcast_in_dim3A_10 : memref<32768xf32, #tpu.memory_space<vmem>>[vector<16xi32>], vector<16xf32>,
    %get3A_326 = arith.constant 816 : index
    %get3A_327 = tpu.vector_load %arg5[%get3A_326] {strides = array<i32>} : memref<16384xi32, #tpu.memory_space<vmem>>, vector<16xi32>,
    %add3A_328 = arith.constant 12416 : i32
    %add3A_329 = vector.broadcast %add3A_328 : i32 to vector<16xi32>
    %add3A_330 = arith.addi %mul3A_9, %add3A_329 : vector<16xi32>
    %add3A_331 = arith.addi %get3A_327, %add3A_330 : vector<16xi32>
    tpu.vector_store_idx %arg7[%add3A_331], %broadcast_in_dim3A_10 : memref<32768xf32, #tpu.memory_space<vmem>>[vector<16xi32>], vector<16xf32>,
    %get3A_332 = arith.constant 832 : index
    %get3A_333 = tpu.vector_load %arg5[%get3A_332] {strides = array<i32>} : memref<16384xi32, #tpu.memory_space<vmem>>, vector<16xi32>,
    %add3A_334 = arith.constant 16512 : i32
    %add3A_335 = vector.broadcast %add3A_334 : i32 to vector<16xi32>
    %add3A_336 = arith.addi %mul3A_9, %add3A_335 : vector<16xi32>
    %add3A_337 = arith.addi %get3A_333, %add3A_336 : vector<16xi32>
    tpu.vector_store_idx %arg7[%add3A_337], %broadcast_in_dim3A_10 : memref<32768xf32, #tpu.memory_space<vmem>>[vector<16xi32>], vector<16xf32>,
    %get3A_338 = arith.constant 848 : index
    %get3A_339 = tpu.vector_load %arg5[%get3A_338] {strides = array<i32>} : memref<16384xi32, #tpu.memory_space<vmem>>, vector<16xi32>,
    %add3A_340 = arith.constant 20608 : i32
    %add3A_341 = vector.broadcast %add3A_340 : i32 to vector<16xi32>
    %add3A_342 = arith.addi %mul3A_9, %add3A_341 : vector<16xi32>
    %add3A_343 = arith.addi %get3A_339, %add3A_342 : vector<16xi32>
    tpu.vector_store_idx %arg7[%add3A_343], %broadcast_in_dim3A_10 : memref<32768xf32, #tpu.memory_space<vmem>>[vector<16xi32>], vector<16xf32>,
    %get3A_344 = arith.constant 864 : index
    %get3A_345 = tpu.vector_load %arg5[%get3A_344] {strides = array<i32>} : memref<16384xi32, #tpu.memory_space<vmem>>, vector<16xi32>,
    %add3A_346 = arith.constant 24704 : i32
    %add3A_347 = vector.broadcast %add3A_346 : i32 to vector<16xi32>
    %add3A_348 = arith.addi %mul3A_9, %add3A_347 : vector<16xi32>
    %add3A_349 = arith.addi %get3A_345, %add3A_348 : vector<16xi32>
    tpu.vector_store_idx %arg7[%add3A_349], %broadcast_in_dim3A_10 : memref<32768xf32, #tpu.memory_space<vmem>>[vector<16xi32>], vector<16xf32>,
    %get3A_350 = arith.constant 880 : index
    %get3A_351 = tpu.vector_load %arg5[%get3A_350] {strides = array<i32>} : memref<16384xi32, #tpu.memory_space<vmem>>, vector<16xi32>,
    %add3A_352 = arith.constant 28800 : i32
    %add3A_353 = vector.broadcast %add3A_352 : i32 to vector<16xi32>
    %add3A_354 = arith.addi %mul3A_9, %add3A_353 : vector<16xi32>
    %add3A_355 = arith.addi %get3A_351, %add3A_354 : vector<16xi32>
    tpu.vector_store_idx %arg7[%add3A_355], %broadcast_in_dim3A_10 : memref<32768xf32, #tpu.memory_space<vmem>>[vector<16xi32>], vector<16xf32>,
    %get3A_356 = arith.constant 896 : index
    %get3A_357 = tpu.vector_load %arg5[%get3A_356] {strides = array<i32>} : memref<16384xi32, #tpu.memory_space<vmem>>, vector<16xi32>,
    %add3A_358 = arith.constant 192 : i32
    %add3A_359 = vector.broadcast %add3A_358 : i32 to vector<16xi32>
    %add3A_360 = arith.addi %mul3A_9, %add3A_359 : vector<16xi32>
    %add3A_361 = arith.addi %get3A_357, %add3A_360 : vector<16xi32>
    tpu.vector_store_idx %arg7[%add3A_361], %broadcast_in_dim3A_10 : memref<32768xf32, #tpu.memory_space<vmem>>[vector<16xi32>], vector<16xf32>,
    %get3A_362 = arith.constant 912 : index
    %get3A_363 = tpu.vector_load %arg5[%get3A_362] {strides = array<i32>} : memref<16384xi32, #tpu.memory_space<vmem>>, vector<16xi32>,
    %add3A_364 = arith.constant 4288 : i32
    %add3A_365 = vector.broadcast %add3A_364 : i32 to vector<16xi32>
    %add3A_366 = arith.addi %mul3A_9, %add3A_365 : vector<16xi32>
    %add3A_367 = arith.addi %get3A_363, %add3A_366 : vector<16xi32>
    tpu.vector_store_idx %arg7[%add3A_367], %broadcast_in_dim3A_10 : memref<32768xf32, #tpu.memory_space<vmem>>[vector<16xi32>], vector<16xf32>,
    %get3A_368 = arith.constant 928 : index
    %get3A_369 = tpu.vector_load %arg5[%get3A_368] {strides = array<i32>} : memref<16384xi32, #tpu.memory_space<vmem>>, vector<16xi32>,
    %add3A_370 = arith.constant 8384 : i32
    %add3A_371 = vector.broadcast %add3A_370 : i32 to vector<16xi32>
    %add3A_372 = arith.addi %mul3A_9, %add3A_371 : vector<16xi32>
    %add3A_373 = arith.addi %get3A_369, %add3A_372 : vector<16xi32>
    tpu.vector_store_idx %arg7[%add3A_373], %broadcast_in_dim3A_10 : memref<32768xf32, #tpu.memory_space<vmem>>[vector<16xi32>], vector<16xf32>,
    %get3A_374 = arith.constant 944 : index
    %get3A_375 = tpu.vector_load %arg5[%get3A_374] {strides = array<i32>} : memref<16384xi32, #tpu.memory_space<vmem>>, vector<16xi32>,
    %add3A_376 = arith.constant 12480 : i32
    %add3A_377 = vector.broadcast %add3A_376 : i32 to vector<16xi32>
    %add3A_378 = arith.addi %mul3A_9, %add3A_377 : vector<16xi32>
    %add3A_379 = arith.addi %get3A_375, %add3A_378 : vector<16xi32>
    tpu.vector_store_idx %arg7[%add3A_379], %broadcast_in_dim3A_10 : memref<32768xf32, #tpu.memory_space<vmem>>[vector<16xi32>], vector<16xf32>,
    %get3A_380 = arith.constant 960 : index
    %get3A_381 = tpu.vector_load %arg5[%get3A_380] {strides = array<i32>} : memref<16384xi32, #tpu.memory_space<vmem>>, vector<16xi32>,
    %add3A_382 = arith.constant 16576 : i32
    %add3A_383 = vector.broadcast %add3A_382 : i32 to vector<16xi32>
    %add3A_384 = arith.addi %mul3A_9, %add3A_383 : vector<16xi32>
    %add3A_385 = arith.addi %get3A_381, %add3A_384 : vector<16xi32>
    tpu.vector_store_idx %arg7[%add3A_385], %broadcast_in_dim3A_10 : memref<32768xf32, #tpu.memory_space<vmem>>[vector<16xi32>], vector<16xf32>,
    %get3A_386 = arith.constant 976 : index
    %get3A_387 = tpu.vector_load %arg5[%get3A_386] {strides = array<i32>} : memref<16384xi32, #tpu.memory_space<vmem>>, vector<16xi32>,
    %add3A_388 = arith.constant 20672 : i32
    %add3A_389 = vector.broadcast %add3A_388 : i32 to vector<16xi32>
    %add3A_390 = arith.addi %mul3A_9, %add3A_389 : vector<16xi32>
    %add3A_391 = arith.addi %get3A_387, %add3A_390 : vector<16xi32>
    tpu.vector_store_idx %arg7[%add3A_391], %broadcast_in_dim3A_10 : memref<32768xf32, #tpu.memory_space<vmem>>[vector<16xi32>], vector<16xf32>,
    %get3A_392 = arith.constant 992 : index
    %get3A_393 = tpu.vector_load %arg5[%get3A_392] {strides = array<i32>} : memref<16384xi32, #tpu.memory_space<vmem>>, vector<16xi32>,
    %add3A_394 = arith.constant 24768 : i32
    %add3A_395 = vector.broadcast %add3A_394 : i32 to vector<16xi32>
    %add3A_396 = arith.addi %mul3A_9, %add3A_395 : vector<16xi32>
    %add3A_397 = arith.addi %get3A_393, %add3A_396 : vector<16xi32>
    tpu.vector_store_idx %arg7[%add3A_397], %broadcast_in_dim3A_10 : memref<32768xf32, #tpu.memory_space<vmem>>[vector<16xi32>], vector<16xf32>,
    %get3A_398 = arith.constant 1008 : index
    %get3A_399 = tpu.vector_load %arg5[%get3A_398] {strides = array<i32>} : memref<16384xi32, #tpu.memory_space<vmem>>, vector<16xi32>,
    %add3A_400 = arith.constant 28864 : i32
    %add3A_401 = vector.broadcast %add3A_400 : i32 to vector<16xi32>
    %add3A_402 = arith.addi %mul3A_9, %add3A_401 : vector<16xi32>
    %add3A_403 = arith.addi %get3A_399, %add3A_402 : vector<16xi32>
    tpu.vector_store_idx %arg7[%add3A_403], %broadcast_in_dim3A_10 : memref<32768xf32, #tpu.memory_space<vmem>>[vector<16xi32>], vector<16xf32>,
    %add3A_404 = arith.constant 1 : i32
    %add3A_405 = arith.addi %mul3A_2, %add3A_404 : i32
    %dma_start3A_406 = arith.constant 0 : i32
    %dma_start3A_407 = tpu.memref_slice %arg4[%add3A_405, %dma_start3A_406] : memref<1024x32768xf32, #tpu.memory_space<hbm>> -> memref<1x32768xf32, #tpu.memory_space<hbm>>
    %dma_start3A_408 = tpu.memref_squeeze %dma_start3A_407 : memref<1x32768xf32, #tpu.memory_space<hbm>> -> memref<32768xf32, #tpu.memory_space<hbm>>
    %dma_start3A_409 = arith.constant 0 : i32
    %dma_start3A_410 = tpu.memref_slice %arg4[%add3A_405, %dma_start3A_409] : memref<1024x32768xf32, #tpu.memory_space<hbm>> -> memref<1x32768xf32, #tpu.memory_space<hbm>>
    %dma_start3A_411 = tpu.memref_squeeze %dma_start3A_410 : memref<1x32768xf32, #tpu.memory_space<hbm>> -> memref<32768xf32, #tpu.memory_space<hbm>>
    tpu.enqueue_dma source(%arg7 : memref<32768xf32, #tpu.memory_space<vmem>>) target(%dma_start3A_411 : memref<32768xf32, #tpu.memory_space<hbm>>) target_semaphore(%arg9 : memref<!tpu.dma_semaphore, #tpu.memory_space<semaphore_mem>>)
    %scan3A = arith.constant 0 : i32
    %scan3A_412 = arith.constant 1 : i32
    %scan3A_413 = arith.constant 15 : i32
    %scan3A_414 = arith.addi %scan3A_412, %scan3A_413 : i32
    %scan3A_415 = arith.constant 1 : i32
    scf.for %scan3A_433 = %scan3A_412 to %scan3A_414 step %scan3A_415  : i32 {
      %mul3A_434 = arith.constant 2 : i32
      %mul3A_435 = arith.muli %mul3A_434, %scan3A_433 : i32
      %add3A_436 = arith.constant 0 : i32
      %add3A_437 = arith.addi %mul3A_435, %add3A_436 : i32
      %add3A_438 = arith.addi %mul3A_2, %add3A_437 : i32
      %sub3A = arith.constant 2 : i32
      %sub3A_439 = arith.subi %add3A_438, %sub3A : i32
      %dma_wait3A_440 = arith.constant 0 : i32
      %dma_wait3A_441 = tpu.memref_slice %arg4[%sub3A_439, %dma_wait3A_440] : memref<1024x32768xf32, #tpu.memory_space<hbm>> -> memref<1x32768xf32, #tpu.memory_space<hbm>>
      %dma_wait3A_442 = tpu.memref_squeeze %dma_wait3A_441 : memref<1x32768xf32, #tpu.memory_space<hbm>> -> memref<32768xf32, #tpu.memory_space<hbm>>
      %dma_wait3A_443 = arith.constant 0 : i32
      %dma_wait3A_444 = tpu.memref_slice %arg4[%sub3A_439, %dma_wait3A_443] : memref<1024x32768xf32, #tpu.memory_space<hbm>> -> memref<1x32768xf32, #tpu.memory_space<hbm>>
      %dma_wait3A_445 = tpu.memref_squeeze %dma_wait3A_444 : memref<1x32768xf32, #tpu.memory_space<hbm>> -> memref<32768xf32, #tpu.memory_space<hbm>>
      tpu.wait_dma2 semaphore(%arg8 : memref<!tpu.dma_semaphore, #tpu.memory_space<semaphore_mem>>) src(%arg6 : memref<32768xf32, #tpu.memory_space<vmem>>) dst(%dma_wait3A_445 : memref<32768xf32, #tpu.memory_space<hbm>>)
      %sub3A_446 = arith.constant 2 : i32
      %sub3A_447 = arith.subi %add3A_437, %sub3A_446 : i32
      %mul3A_448 = arith.constant 512 : i32
      %mul3A_449 = arith.muli %sub3A_447, %mul3A_448 : i32
      %add3A_450 = arith.constant 0 : i32
      %add3A_451 = arith.addi %mul3A_449, %add3A_450 : i32
      %add3A_452 = arith.constant 0 : i32
      %add3A_453 = arith.addi %add3A_451, %add3A_452 : i32
      %get3A_454 = arith.index_cast %add3A_453 : i32 to index
      %get3A_455 = tpu.vector_load %arg5[%get3A_454] {strides = array<i32>} : memref<16384xi32, #tpu.memory_space<vmem>>, vector<16xi32>,
      %add3A_456 = arith.constant 0 : i32
      %add3A_457 = vector.broadcast %add3A_456 : i32 to vector<16xi32>
      %add3A_458 = arith.addi %mul3A_9, %add3A_457 : vector<16xi32>
      %add3A_459 = arith.addi %get3A_455, %add3A_458 : vector<16xi32>
      tpu.vector_store_idx %arg6[%add3A_459], %broadcast_in_dim3A_12 : memref<32768xf32, #tpu.memory_space<vmem>>[vector<16xi32>], vector<16xf32>,
      %mul3A_460 = arith.constant 512 : i32
      %mul3A_461 = arith.muli %sub3A_447, %mul3A_460 : i32
      %add3A_462 = arith.constant 0 : i32
      %add3A_463 = arith.addi %mul3A_461, %add3A_462 : i32
      %add3A_464 = arith.constant 16 : i32
      %add3A_465 = arith.addi %add3A_463, %add3A_464 : i32
      %get3A_466 = arith.index_cast %add3A_465 : i32 to index
      %get3A_467 = tpu.vector_load %arg5[%get3A_466] {strides = array<i32>} : memref<16384xi32, #tpu.memory_space<vmem>>, vector<16xi32>,
      %add3A_468 = arith.constant 4096 : i32
      %add3A_469 = vector.broadcast %add3A_468 : i32 to vector<16xi32>
      %add3A_470 = arith.addi %mul3A_9, %add3A_469 : vector<16xi32>
      %add3A_471 = arith.addi %get3A_467, %add3A_470 : vector<16xi32>
      tpu.vector_store_idx %arg6[%add3A_471], %broadcast_in_dim3A_12 : memref<32768xf32, #tpu.memory_space<vmem>>[vector<16xi32>], vector<16xf32>,
      %mul3A_472 = arith.constant 512 : i32
      %mul3A_473 = arith.muli %sub3A_447, %mul3A_472 : i32
      %add3A_474 = arith.constant 0 : i32
      %add3A_475 = arith.addi %mul3A_473, %add3A_474 : i32
      %add3A_476 = arith.constant 32 : i32
      %add3A_477 = arith.addi %add3A_475, %add3A_476 : i32
      %get3A_478 = arith.index_cast %add3A_477 : i32 to index
      %get3A_479 = tpu.vector_load %arg5[%get3A_478] {strides = array<i32>} : memref<16384xi32, #tpu.memory_space<vmem>>, vector<16xi32>,
      %add3A_480 = arith.constant 8192 : i32
      %add3A_481 = vector.broadcast %add3A_480 : i32 to vector<16xi32>
      %add3A_482 = arith.addi %mul3A_9, %add3A_481 : vector<16xi32>
      %add3A_483 = arith.addi %get3A_479, %add3A_482 : vector<16xi32>
      tpu.vector_store_idx %arg6[%add3A_483], %broadcast_in_dim3A_12 : memref<32768xf32, #tpu.memory_space<vmem>>[vector<16xi32>], vector<16xf32>,
      %mul3A_484 = arith.constant 512 : i32
      %mul3A_485 = arith.muli %sub3A_447, %mul3A_484 : i32
      %add3A_486 = arith.constant 0 : i32
      %add3A_487 = arith.addi %mul3A_485, %add3A_486 : i32
      %add3A_488 = arith.constant 48 : i32
      %add3A_489 = arith.addi %add3A_487, %add3A_488 : i32
      %get3A_490 = arith.index_cast %add3A_489 : i32 to index
      %get3A_491 = tpu.vector_load %arg5[%get3A_490] {strides = array<i32>} : memref<16384xi32, #tpu.memory_space<vmem>>, vector<16xi32>,
      %add3A_492 = arith.constant 12288 : i32
      %add3A_493 = vector.broadcast %add3A_492 : i32 to vector<16xi32>
      %add3A_494 = arith.addi %mul3A_9, %add3A_493 : vector<16xi32>
      %add3A_495 = arith.addi %get3A_491, %add3A_494 : vector<16xi32>
      tpu.vector_store_idx %arg6[%add3A_495], %broadcast_in_dim3A_12 : memref<32768xf32, #tpu.memory_space<vmem>>[vector<16xi32>], vector<16xf32>,
      %mul3A_496 = arith.constant 512 : i32
      %mul3A_497 = arith.muli %sub3A_447, %mul3A_496 : i32
      %add3A_498 = arith.constant 0 : i32
      %add3A_499 = arith.addi %mul3A_497, %add3A_498 : i32
      %add3A_500 = arith.constant 64 : i32
      %add3A_501 = arith.addi %add3A_499, %add3A_500 : i32
      %get3A_502 = arith.index_cast %add3A_501 : i32 to index
      %get3A_503 = tpu.vector_load %arg5[%get3A_502] {strides = array<i32>} : memref<16384xi32, #tpu.memory_space<vmem>>, vector<16xi32>,
      %add3A_504 = arith.constant 16384 : i32
      %add3A_505 = vector.broadcast %add3A_504 : i32 to vector<16xi32>
      %add3A_506 = arith.addi %mul3A_9, %add3A_505 : vector<16xi32>
      %add3A_507 = arith.addi %get3A_503, %add3A_506 : vector<16xi32>
      tpu.vector_store_idx %arg6[%add3A_507], %broadcast_in_dim3A_12 : memref<32768xf32, #tpu.memory_space<vmem>>[vector<16xi32>], vector<16xf32>,
      %mul3A_508 = arith.constant 512 : i32
      %mul3A_509 = arith.muli %sub3A_447, %mul3A_508 : i32
      %add3A_510 = arith.constant 0 : i32
      %add3A_511 = arith.addi %mul3A_509, %add3A_510 : i32
      %add3A_512 = arith.constant 80 : i32
      %add3A_513 = arith.addi %add3A_511, %add3A_512 : i32
      %get3A_514 = arith.index_cast %add3A_513 : i32 to index
      %get3A_515 = tpu.vector_load %arg5[%get3A_514] {strides = array<i32>} : memref<16384xi32, #tpu.memory_space<vmem>>, vector<16xi32>,
      %add3A_516 = arith.constant 20480 : i32
      %add3A_517 = vector.broadcast %add3A_516 : i32 to vector<16xi32>
      %add3A_518 = arith.addi %mul3A_9, %add3A_517 : vector<16xi32>
      %add3A_519 = arith.addi %get3A_515, %add3A_518 : vector<16xi32>
      tpu.vector_store_idx %arg6[%add3A_519], %broadcast_in_dim3A_12 : memref<32768xf32, #tpu.memory_space<vmem>>[vector<16xi32>], vector<16xf32>,
      %mul3A_520 = arith.constant 512 : i32
      %mul3A_521 = arith.muli %sub3A_447, %mul3A_520 : i32
      %add3A_522 = arith.constant 0 : i32
      %add3A_523 = arith.addi %mul3A_521, %add3A_522 : i32
      %add3A_524 = arith.constant 96 : i32
      %add3A_525 = arith.addi %add3A_523, %add3A_524 : i32
      %get3A_526 = arith.index_cast %add3A_525 : i32 to index
      %get3A_527 = tpu.vector_load %arg5[%get3A_526] {strides = array<i32>} : memref<16384xi32, #tpu.memory_space<vmem>>, vector<16xi32>,
      %add3A_528 = arith.constant 24576 : i32
      %add3A_529 = vector.broadcast %add3A_528 : i32 to vector<16xi32>
      %add3A_530 = arith.addi %mul3A_9, %add3A_529 : vector<16xi32>
      %add3A_531 = arith.addi %get3A_527, %add3A_530 : vector<16xi32>
      tpu.vector_store_idx %arg6[%add3A_531], %broadcast_in_dim3A_12 : memref<32768xf32, #tpu.memory_space<vmem>>[vector<16xi32>], vector<16xf32>,
      %mul3A_532 = arith.constant 512 : i32
      %mul3A_533 = arith.muli %sub3A_447, %mul3A_532 : i32
      %add3A_534 = arith.constant 0 : i32
      %add3A_535 = arith.addi %mul3A_533, %add3A_534 : i32
      %add3A_536 = arith.constant 112 : i32
      %add3A_537 = arith.addi %add3A_535, %add3A_536 : i32
      %get3A_538 = arith.index_cast %add3A_537 : i32 to index
      %get3A_539 = tpu.vector_load %arg5[%get3A_538] {strides = array<i32>} : memref<16384xi32, #tpu.memory_space<vmem>>, vector<16xi32>,
      %add3A_540 = arith.constant 28672 : i32
      %add3A_541 = vector.broadcast %add3A_540 : i32 to vector<16xi32>
      %add3A_542 = arith.addi %mul3A_9, %add3A_541 : vector<16xi32>
      %add3A_543 = arith.addi %get3A_539, %add3A_542 : vector<16xi32>
      tpu.vector_store_idx %arg6[%add3A_543], %broadcast_in_dim3A_12 : memref<32768xf32, #tpu.memory_space<vmem>>[vector<16xi32>], vector<16xf32>,
      %mul3A_544 = arith.constant 512 : i32
      %mul3A_545 = arith.muli %sub3A_447, %mul3A_544 : i32
      %add3A_546 = arith.constant 128 : i32
      %add3A_547 = arith.addi %mul3A_545, %add3A_546 : i32
      %add3A_548 = arith.constant 0 : i32
      %add3A_549 = arith.addi %add3A_547, %add3A_548 : i32
      %get3A_550 = arith.index_cast %add3A_549 : i32 to index
      %get3A_551 = tpu.vector_load %arg5[%get3A_550] {strides = array<i32>} : memref<16384xi32, #tpu.memory_space<vmem>>, vector<16xi32>,
      %add3A_552 = arith.constant 64 : i32
      %add3A_553 = vector.broadcast %add3A_552 : i32 to vector<16xi32>
      %add3A_554 = arith.addi %mul3A_9, %add3A_553 : vector<16xi32>
      %add3A_555 = arith.addi %get3A_551, %add3A_554 : vector<16xi32>
      tpu.vector_store_idx %arg6[%add3A_555], %broadcast_in_dim3A_12 : memref<32768xf32, #tpu.memory_space<vmem>>[vector<16xi32>], vector<16xf32>,
      %mul3A_556 = arith.constant 512 : i32
      %mul3A_557 = arith.muli %sub3A_447, %mul3A_556 : i32
      %add3A_558 = arith.constant 128 : i32
      %add3A_559 = arith.addi %mul3A_557, %add3A_558 : i32
      %add3A_560 = arith.constant 16 : i32
      %add3A_561 = arith.addi %add3A_559, %add3A_560 : i32
      %get3A_562 = arith.index_cast %add3A_561 : i32 to index
      %get3A_563 = tpu.vector_load %arg5[%get3A_562] {strides = array<i32>} : memref<16384xi32, #tpu.memory_space<vmem>>, vector<16xi32>,
      %add3A_564 = arith.constant 4160 : i32
      %add3A_565 = vector.broadcast %add3A_564 : i32 to vector<16xi32>
      %add3A_566 = arith.addi %mul3A_9, %add3A_565 : vector<16xi32>
      %add3A_567 = arith.addi %get3A_563, %add3A_566 : vector<16xi32>
      tpu.vector_store_idx %arg6[%add3A_567], %broadcast_in_dim3A_12 : memref<32768xf32, #tpu.memory_space<vmem>>[vector<16xi32>], vector<16xf32>,
      %mul3A_568 = arith.constant 512 : i32
      %mul3A_569 = arith.muli %sub3A_447, %mul3A_568 : i32
      %add3A_570 = arith.constant 128 : i32
      %add3A_571 = arith.addi %mul3A_569, %add3A_570 : i32
      %add3A_572 = arith.constant 32 : i32
      %add3A_573 = arith.addi %add3A_571, %add3A_572 : i32
      %get3A_574 = arith.index_cast %add3A_573 : i32 to index
      %get3A_575 = tpu.vector_load %arg5[%get3A_574] {strides = array<i32>} : memref<16384xi32, #tpu.memory_space<vmem>>, vector<16xi32>,
      %add3A_576 = arith.constant 8256 : i32
      %add3A_577 = vector.broadcast %add3A_576 : i32 to vector<16xi32>
      %add3A_578 = arith.addi %mul3A_9, %add3A_577 : vector<16xi32>
      %add3A_579 = arith.addi %get3A_575, %add3A_578 : vector<16xi32>
      tpu.vector_store_idx %arg6[%add3A_579], %broadcast_in_dim3A_12 : memref<32768xf32, #tpu.memory_space<vmem>>[vector<16xi32>], vector<16xf32>,
      %mul3A_580 = arith.constant 512 : i32
      %mul3A_581 = arith.muli %sub3A_447, %mul3A_580 : i32
      %add3A_582 = arith.constant 128 : i32
      %add3A_583 = arith.addi %mul3A_581, %add3A_582 : i32
      %add3A_584 = arith.constant 48 : i32
      %add3A_585 = arith.addi %add3A_583, %add3A_584 : i32
      %get3A_586 = arith.index_cast %add3A_585 : i32 to index
      %get3A_587 = tpu.vector_load %arg5[%get3A_586] {strides = array<i32>} : memref<16384xi32, #tpu.memory_space<vmem>>, vector<16xi32>,
      %add3A_588 = arith.constant 12352 : i32
      %add3A_589 = vector.broadcast %add3A_588 : i32 to vector<16xi32>
      %add3A_590 = arith.addi %mul3A_9, %add3A_589 : vector<16xi32>
      %add3A_591 = arith.addi %get3A_587, %add3A_590 : vector<16xi32>
      tpu.vector_store_idx %arg6[%add3A_591], %broadcast_in_dim3A_12 : memref<32768xf32, #tpu.memory_space<vmem>>[vector<16xi32>], vector<16xf32>,
      %mul3A_592 = arith.constant 512 : i32
      %mul3A_593 = arith.muli %sub3A_447, %mul3A_592 : i32
      %add3A_594 = arith.constant 128 : i32
      %add3A_595 = arith.addi %mul3A_593, %add3A_594 : i32
      %add3A_596 = arith.constant 64 : i32
      %add3A_597 = arith.addi %add3A_595, %add3A_596 : i32
      %get3A_598 = arith.index_cast %add3A_597 : i32 to index
      %get3A_599 = tpu.vector_load %arg5[%get3A_598] {strides = array<i32>} : memref<16384xi32, #tpu.memory_space<vmem>>, vector<16xi32>,
      %add3A_600 = arith.constant 16448 : i32
      %add3A_601 = vector.broadcast %add3A_600 : i32 to vector<16xi32>
      %add3A_602 = arith.addi %mul3A_9, %add3A_601 : vector<16xi32>
      %add3A_603 = arith.addi %get3A_599, %add3A_602 : vector<16xi32>
      tpu.vector_store_idx %arg6[%add3A_603], %broadcast_in_dim3A_12 : memref<32768xf32, #tpu.memory_space<vmem>>[vector<16xi32>], vector<16xf32>,
      %mul3A_604 = arith.constant 512 : i32
      %mul3A_605 = arith.muli %sub3A_447, %mul3A_604 : i32
      %add3A_606 = arith.constant 128 : i32
      %add3A_607 = arith.addi %mul3A_605, %add3A_606 : i32
      %add3A_608 = arith.constant 80 : i32
      %add3A_609 = arith.addi %add3A_607, %add3A_608 : i32
      %get3A_610 = arith.index_cast %add3A_609 : i32 to index
      %get3A_611 = tpu.vector_load %arg5[%get3A_610] {strides = array<i32>} : memref<16384xi32, #tpu.memory_space<vmem>>, vector<16xi32>,
      %add3A_612 = arith.constant 20544 : i32
      %add3A_613 = vector.broadcast %add3A_612 : i32 to vector<16xi32>
      %add3A_614 = arith.addi %mul3A_9, %add3A_613 : vector<16xi32>
      %add3A_615 = arith.addi %get3A_611, %add3A_614 : vector<16xi32>
      tpu.vector_store_idx %arg6[%add3A_615], %broadcast_in_dim3A_12 : memref<32768xf32, #tpu.memory_space<vmem>>[vector<16xi32>], vector<16xf32>,
      %mul3A_616 = arith.constant 512 : i32
      %mul3A_617 = arith.muli %sub3A_447, %mul3A_616 : i32
      %add3A_618 = arith.constant 128 : i32
      %add3A_619 = arith.addi %mul3A_617, %add3A_618 : i32
      %add3A_620 = arith.constant 96 : i32
      %add3A_621 = arith.addi %add3A_619, %add3A_620 : i32
      %get3A_622 = arith.index_cast %add3A_621 : i32 to index
      %get3A_623 = tpu.vector_load %arg5[%get3A_622] {strides = array<i32>} : memref<16384xi32, #tpu.memory_space<vmem>>, vector<16xi32>,
      %add3A_624 = arith.constant 24640 : i32
      %add3A_625 = vector.broadcast %add3A_624 : i32 to vector<16xi32>
      %add3A_626 = arith.addi %mul3A_9, %add3A_625 : vector<16xi32>
      %add3A_627 = arith.addi %get3A_623, %add3A_626 : vector<16xi32>
      tpu.vector_store_idx %arg6[%add3A_627], %broadcast_in_dim3A_12 : memref<32768xf32, #tpu.memory_space<vmem>>[vector<16xi32>], vector<16xf32>,
      %mul3A_628 = arith.constant 512 : i32
      %mul3A_629 = arith.muli %sub3A_447, %mul3A_628 : i32
      %add3A_630 = arith.constant 128 : i32
      %add3A_631 = arith.addi %mul3A_629, %add3A_630 : i32
      %add3A_632 = arith.constant 112 : i32
      %add3A_633 = arith.addi %add3A_631, %add3A_632 : i32
      %get3A_634 = arith.index_cast %add3A_633 : i32 to index
      %get3A_635 = tpu.vector_load %arg5[%get3A_634] {strides = array<i32>} : memref<16384xi32, #tpu.memory_space<vmem>>, vector<16xi32>,
      %add3A_636 = arith.constant 28736 : i32
      %add3A_637 = vector.broadcast %add3A_636 : i32 to vector<16xi32>
      %add3A_638 = arith.addi %mul3A_9, %add3A_637 : vector<16xi32>
      %add3A_639 = arith.addi %get3A_635, %add3A_638 : vector<16xi32>
      tpu.vector_store_idx %arg6[%add3A_639], %broadcast_in_dim3A_12 : memref<32768xf32, #tpu.memory_space<vmem>>[vector<16xi32>], vector<16xf32>,
      %mul3A_640 = arith.constant 512 : i32
      %mul3A_641 = arith.muli %sub3A_447, %mul3A_640 : i32
      %add3A_642 = arith.constant 256 : i32
      %add3A_643 = arith.addi %mul3A_641, %add3A_642 : i32
      %add3A_644 = arith.constant 0 : i32
      %add3A_645 = arith.addi %add3A_643, %add3A_644 : i32
      %get3A_646 = arith.index_cast %add3A_645 : i32 to index
      %get3A_647 = tpu.vector_load %arg5[%get3A_646] {strides = array<i32>} : memref<16384xi32, #tpu.memory_space<vmem>>, vector<16xi32>,
      %add3A_648 = arith.constant 128 : i32
      %add3A_649 = vector.broadcast %add3A_648 : i32 to vector<16xi32>
      %add3A_650 = arith.addi %mul3A_9, %add3A_649 : vector<16xi32>
      %add3A_651 = arith.addi %get3A_647, %add3A_650 : vector<16xi32>
      tpu.vector_store_idx %arg6[%add3A_651], %broadcast_in_dim3A_12 : memref<32768xf32, #tpu.memory_space<vmem>>[vector<16xi32>], vector<16xf32>,
      %mul3A_652 = arith.constant 512 : i32
      %mul3A_653 = arith.muli %sub3A_447, %mul3A_652 : i32
      %add3A_654 = arith.constant 256 : i32
      %add3A_655 = arith.addi %mul3A_653, %add3A_654 : i32
      %add3A_656 = arith.constant 16 : i32
      %add3A_657 = arith.addi %add3A_655, %add3A_656 : i32
      %get3A_658 = arith.index_cast %add3A_657 : i32 to index
      %get3A_659 = tpu.vector_load %arg5[%get3A_658] {strides = array<i32>} : memref<16384xi32, #tpu.memory_space<vmem>>, vector<16xi32>,
      %add3A_660 = arith.constant 4224 : i32
      %add3A_661 = vector.broadcast %add3A_660 : i32 to vector<16xi32>
      %add3A_662 = arith.addi %mul3A_9, %add3A_661 : vector<16xi32>
      %add3A_663 = arith.addi %get3A_659, %add3A_662 : vector<16xi32>
      tpu.vector_store_idx %arg6[%add3A_663], %broadcast_in_dim3A_12 : memref<32768xf32, #tpu.memory_space<vmem>>[vector<16xi32>], vector<16xf32>,
      %mul3A_664 = arith.constant 512 : i32
      %mul3A_665 = arith.muli %sub3A_447, %mul3A_664 : i32
      %add3A_666 = arith.constant 256 : i32
      %add3A_667 = arith.addi %mul3A_665, %add3A_666 : i32
      %add3A_668 = arith.constant 32 : i32
      %add3A_669 = arith.addi %add3A_667, %add3A_668 : i32
      %get3A_670 = arith.index_cast %add3A_669 : i32 to index
      %get3A_671 = tpu.vector_load %arg5[%get3A_670] {strides = array<i32>} : memref<16384xi32, #tpu.memory_space<vmem>>, vector<16xi32>,
      %add3A_672 = arith.constant 8320 : i32
      %add3A_673 = vector.broadcast %add3A_672 : i32 to vector<16xi32>
      %add3A_674 = arith.addi %mul3A_9, %add3A_673 : vector<16xi32>
      %add3A_675 = arith.addi %get3A_671, %add3A_674 : vector<16xi32>
      tpu.vector_store_idx %arg6[%add3A_675], %broadcast_in_dim3A_12 : memref<32768xf32, #tpu.memory_space<vmem>>[vector<16xi32>], vector<16xf32>,
      %mul3A_676 = arith.constant 512 : i32
      %mul3A_677 = arith.muli %sub3A_447, %mul3A_676 : i32
      %add3A_678 = arith.constant 256 : i32
      %add3A_679 = arith.addi %mul3A_677, %add3A_678 : i32
      %add3A_680 = arith.constant 48 : i32
      %add3A_681 = arith.addi %add3A_679, %add3A_680 : i32
      %get3A_682 = arith.index_cast %add3A_681 : i32 to index
      %get3A_683 = tpu.vector_load %arg5[%get3A_682] {strides = array<i32>} : memref<16384xi32, #tpu.memory_space<vmem>>, vector<16xi32>,
      %add3A_684 = arith.constant 12416 : i32
      %add3A_685 = vector.broadcast %add3A_684 : i32 to vector<16xi32>
      %add3A_686 = arith.addi %mul3A_9, %add3A_685 : vector<16xi32>
      %add3A_687 = arith.addi %get3A_683, %add3A_686 : vector<16xi32>
      tpu.vector_store_idx %arg6[%add3A_687], %broadcast_in_dim3A_12 : memref<32768xf32, #tpu.memory_space<vmem>>[vector<16xi32>], vector<16xf32>,
      %mul3A_688 = arith.constant 512 : i32
      %mul3A_689 = arith.muli %sub3A_447, %mul3A_688 : i32
      %add3A_690 = arith.constant 256 : i32
      %add3A_691 = arith.addi %mul3A_689, %add3A_690 : i32
      %add3A_692 = arith.constant 64 : i32
      %add3A_693 = arith.addi %add3A_691, %add3A_692 : i32
      %get3A_694 = arith.index_cast %add3A_693 : i32 to index
      %get3A_695 = tpu.vector_load %arg5[%get3A_694] {strides = array<i32>} : memref<16384xi32, #tpu.memory_space<vmem>>, vector<16xi32>,
      %add3A_696 = arith.constant 16512 : i32
      %add3A_697 = vector.broadcast %add3A_696 : i32 to vector<16xi32>
      %add3A_698 = arith.addi %mul3A_9, %add3A_697 : vector<16xi32>
      %add3A_699 = arith.addi %get3A_695, %add3A_698 : vector<16xi32>
      tpu.vector_store_idx %arg6[%add3A_699], %broadcast_in_dim3A_12 : memref<32768xf32, #tpu.memory_space<vmem>>[vector<16xi32>], vector<16xf32>,
      %mul3A_700 = arith.constant 512 : i32
      %mul3A_701 = arith.muli %sub3A_447, %mul3A_700 : i32
      %add3A_702 = arith.constant 256 : i32
      %add3A_703 = arith.addi %mul3A_701, %add3A_702 : i32
      %add3A_704 = arith.constant 80 : i32
      %add3A_705 = arith.addi %add3A_703, %add3A_704 : i32
      %get3A_706 = arith.index_cast %add3A_705 : i32 to index
      %get3A_707 = tpu.vector_load %arg5[%get3A_706] {strides = array<i32>} : memref<16384xi32, #tpu.memory_space<vmem>>, vector<16xi32>,
      %add3A_708 = arith.constant 20608 : i32
      %add3A_709 = vector.broadcast %add3A_708 : i32 to vector<16xi32>
      %add3A_710 = arith.addi %mul3A_9, %add3A_709 : vector<16xi32>
      %add3A_711 = arith.addi %get3A_707, %add3A_710 : vector<16xi32>
      tpu.vector_store_idx %arg6[%add3A_711], %broadcast_in_dim3A_12 : memref<32768xf32, #tpu.memory_space<vmem>>[vector<16xi32>], vector<16xf32>,
      %mul3A_712 = arith.constant 512 : i32
      %mul3A_713 = arith.muli %sub3A_447, %mul3A_712 : i32
      %add3A_714 = arith.constant 256 : i32
      %add3A_715 = arith.addi %mul3A_713, %add3A_714 : i32
      %add3A_716 = arith.constant 96 : i32
      %add3A_717 = arith.addi %add3A_715, %add3A_716 : i32
      %get3A_718 = arith.index_cast %add3A_717 : i32 to index
      %get3A_719 = tpu.vector_load %arg5[%get3A_718] {strides = array<i32>} : memref<16384xi32, #tpu.memory_space<vmem>>, vector<16xi32>,
      %add3A_720 = arith.constant 24704 : i32
      %add3A_721 = vector.broadcast %add3A_720 : i32 to vector<16xi32>
      %add3A_722 = arith.addi %mul3A_9, %add3A_721 : vector<16xi32>
      %add3A_723 = arith.addi %get3A_719, %add3A_722 : vector<16xi32>
      tpu.vector_store_idx %arg6[%add3A_723], %broadcast_in_dim3A_12 : memref<32768xf32, #tpu.memory_space<vmem>>[vector<16xi32>], vector<16xf32>,
      %mul3A_724 = arith.constant 512 : i32
      %mul3A_725 = arith.muli %sub3A_447, %mul3A_724 : i32
      %add3A_726 = arith.constant 256 : i32
      %add3A_727 = arith.addi %mul3A_725, %add3A_726 : i32
      %add3A_728 = arith.constant 112 : i32
      %add3A_729 = arith.addi %add3A_727, %add3A_728 : i32
      %get3A_730 = arith.index_cast %add3A_729 : i32 to index
      %get3A_731 = tpu.vector_load %arg5[%get3A_730] {strides = array<i32>} : memref<16384xi32, #tpu.memory_space<vmem>>, vector<16xi32>,
      %add3A_732 = arith.constant 28800 : i32
      %add3A_733 = vector.broadcast %add3A_732 : i32 to vector<16xi32>
      %add3A_734 = arith.addi %mul3A_9, %add3A_733 : vector<16xi32>
      %add3A_735 = arith.addi %get3A_731, %add3A_734 : vector<16xi32>
      tpu.vector_store_idx %arg6[%add3A_735], %broadcast_in_dim3A_12 : memref<32768xf32, #tpu.memory_space<vmem>>[vector<16xi32>], vector<16xf32>,
      %mul3A_736 = arith.constant 512 : i32
      %mul3A_737 = arith.muli %sub3A_447, %mul3A_736 : i32
      %add3A_738 = arith.constant 384 : i32
      %add3A_739 = arith.addi %mul3A_737, %add3A_738 : i32
      %add3A_740 = arith.constant 0 : i32
      %add3A_741 = arith.addi %add3A_739, %add3A_740 : i32
      %get3A_742 = arith.index_cast %add3A_741 : i32 to index
      %get3A_743 = tpu.vector_load %arg5[%get3A_742] {strides = array<i32>} : memref<16384xi32, #tpu.memory_space<vmem>>, vector<16xi32>,
      %add3A_744 = arith.constant 192 : i32
      %add3A_745 = vector.broadcast %add3A_744 : i32 to vector<16xi32>
      %add3A_746 = arith.addi %mul3A_9, %add3A_745 : vector<16xi32>
      %add3A_747 = arith.addi %get3A_743, %add3A_746 : vector<16xi32>
      tpu.vector_store_idx %arg6[%add3A_747], %broadcast_in_dim3A_12 : memref<32768xf32, #tpu.memory_space<vmem>>[vector<16xi32>], vector<16xf32>,
      %mul3A_748 = arith.constant 512 : i32
      %mul3A_749 = arith.muli %sub3A_447, %mul3A_748 : i32
      %add3A_750 = arith.constant 384 : i32
      %add3A_751 = arith.addi %mul3A_749, %add3A_750 : i32
      %add3A_752 = arith.constant 16 : i32
      %add3A_753 = arith.addi %add3A_751, %add3A_752 : i32
      %get3A_754 = arith.index_cast %add3A_753 : i32 to index
      %get3A_755 = tpu.vector_load %arg5[%get3A_754] {strides = array<i32>} : memref<16384xi32, #tpu.memory_space<vmem>>, vector<16xi32>,
      %add3A_756 = arith.constant 4288 : i32
      %add3A_757 = vector.broadcast %add3A_756 : i32 to vector<16xi32>
      %add3A_758 = arith.addi %mul3A_9, %add3A_757 : vector<16xi32>
      %add3A_759 = arith.addi %get3A_755, %add3A_758 : vector<16xi32>
      tpu.vector_store_idx %arg6[%add3A_759], %broadcast_in_dim3A_12 : memref<32768xf32, #tpu.memory_space<vmem>>[vector<16xi32>], vector<16xf32>,
      %mul3A_760 = arith.constant 512 : i32
      %mul3A_761 = arith.muli %sub3A_447, %mul3A_760 : i32
      %add3A_762 = arith.constant 384 : i32
      %add3A_763 = arith.addi %mul3A_761, %add3A_762 : i32
      %add3A_764 = arith.constant 32 : i32
      %add3A_765 = arith.addi %add3A_763, %add3A_764 : i32
      %get3A_766 = arith.index_cast %add3A_765 : i32 to index
      %get3A_767 = tpu.vector_load %arg5[%get3A_766] {strides = array<i32>} : memref<16384xi32, #tpu.memory_space<vmem>>, vector<16xi32>,
      %add3A_768 = arith.constant 8384 : i32
      %add3A_769 = vector.broadcast %add3A_768 : i32 to vector<16xi32>
      %add3A_770 = arith.addi %mul3A_9, %add3A_769 : vector<16xi32>
      %add3A_771 = arith.addi %get3A_767, %add3A_770 : vector<16xi32>
      tpu.vector_store_idx %arg6[%add3A_771], %broadcast_in_dim3A_12 : memref<32768xf32, #tpu.memory_space<vmem>>[vector<16xi32>], vector<16xf32>,
      %mul3A_772 = arith.constant 512 : i32
      %mul3A_773 = arith.muli %sub3A_447, %mul3A_772 : i32
      %add3A_774 = arith.constant 384 : i32
      %add3A_775 = arith.addi %mul3A_773, %add3A_774 : i32
      %add3A_776 = arith.constant 48 : i32
      %add3A_777 = arith.addi %add3A_775, %add3A_776 : i32
      %get3A_778 = arith.index_cast %add3A_777 : i32 to index
      %get3A_779 = tpu.vector_load %arg5[%get3A_778] {strides = array<i32>} : memref<16384xi32, #tpu.memory_space<vmem>>, vector<16xi32>,
      %add3A_780 = arith.constant 12480 : i32
      %add3A_781 = vector.broadcast %add3A_780 : i32 to vector<16xi32>
      %add3A_782 = arith.addi %mul3A_9, %add3A_781 : vector<16xi32>
      %add3A_783 = arith.addi %get3A_779, %add3A_782 : vector<16xi32>
      tpu.vector_store_idx %arg6[%add3A_783], %broadcast_in_dim3A_12 : memref<32768xf32, #tpu.memory_space<vmem>>[vector<16xi32>], vector<16xf32>,
      %mul3A_784 = arith.constant 512 : i32
      %mul3A_785 = arith.muli %sub3A_447, %mul3A_784 : i32
      %add3A_786 = arith.constant 384 : i32
      %add3A_787 = arith.addi %mul3A_785, %add3A_786 : i32
      %add3A_788 = arith.constant 64 : i32
      %add3A_789 = arith.addi %add3A_787, %add3A_788 : i32
      %get3A_790 = arith.index_cast %add3A_789 : i32 to index
      %get3A_791 = tpu.vector_load %arg5[%get3A_790] {strides = array<i32>} : memref<16384xi32, #tpu.memory_space<vmem>>, vector<16xi32>,
      %add3A_792 = arith.constant 16576 : i32
      %add3A_793 = vector.broadcast %add3A_792 : i32 to vector<16xi32>
      %add3A_794 = arith.addi %mul3A_9, %add3A_793 : vector<16xi32>
      %add3A_795 = arith.addi %get3A_791, %add3A_794 : vector<16xi32>
      tpu.vector_store_idx %arg6[%add3A_795], %broadcast_in_dim3A_12 : memref<32768xf32, #tpu.memory_space<vmem>>[vector<16xi32>], vector<16xf32>,
      %mul3A_796 = arith.constant 512 : i32
      %mul3A_797 = arith.muli %sub3A_447, %mul3A_796 : i32
      %add3A_798 = arith.constant 384 : i32
      %add3A_799 = arith.addi %mul3A_797, %add3A_798 : i32
      %add3A_800 = arith.constant 80 : i32
      %add3A_801 = arith.addi %add3A_799, %add3A_800 : i32
      %get3A_802 = arith.index_cast %add3A_801 : i32 to index
      %get3A_803 = tpu.vector_load %arg5[%get3A_802] {strides = array<i32>} : memref<16384xi32, #tpu.memory_space<vmem>>, vector<16xi32>,
      %add3A_804 = arith.constant 20672 : i32
      %add3A_805 = vector.broadcast %add3A_804 : i32 to vector<16xi32>
      %add3A_806 = arith.addi %mul3A_9, %add3A_805 : vector<16xi32>
      %add3A_807 = arith.addi %get3A_803, %add3A_806 : vector<16xi32>
      tpu.vector_store_idx %arg6[%add3A_807], %broadcast_in_dim3A_12 : memref<32768xf32, #tpu.memory_space<vmem>>[vector<16xi32>], vector<16xf32>,
      %mul3A_808 = arith.constant 512 : i32
      %mul3A_809 = arith.muli %sub3A_447, %mul3A_808 : i32
      %add3A_810 = arith.constant 384 : i32
      %add3A_811 = arith.addi %mul3A_809, %add3A_810 : i32
      %add3A_812 = arith.constant 96 : i32
      %add3A_813 = arith.addi %add3A_811, %add3A_812 : i32
      %get3A_814 = arith.index_cast %add3A_813 : i32 to index
      %get3A_815 = tpu.vector_load %arg5[%get3A_814] {strides = array<i32>} : memref<16384xi32, #tpu.memory_space<vmem>>, vector<16xi32>,
      %add3A_816 = arith.constant 24768 : i32
      %add3A_817 = vector.broadcast %add3A_816 : i32 to vector<16xi32>
      %add3A_818 = arith.addi %mul3A_9, %add3A_817 : vector<16xi32>
      %add3A_819 = arith.addi %get3A_815, %add3A_818 : vector<16xi32>
      tpu.vector_store_idx %arg6[%add3A_819], %broadcast_in_dim3A_12 : memref<32768xf32, #tpu.memory_space<vmem>>[vector<16xi32>], vector<16xf32>,
      %mul3A_820 = arith.constant 512 : i32
      %mul3A_821 = arith.muli %sub3A_447, %mul3A_820 : i32
      %add3A_822 = arith.constant 384 : i32
      %add3A_823 = arith.addi %mul3A_821, %add3A_822 : i32
      %add3A_824 = arith.constant 112 : i32
      %add3A_825 = arith.addi %add3A_823, %add3A_824 : i32
      %get3A_826 = arith.index_cast %add3A_825 : i32 to index
      %get3A_827 = tpu.vector_load %arg5[%get3A_826] {strides = array<i32>} : memref<16384xi32, #tpu.memory_space<vmem>>, vector<16xi32>,
      %add3A_828 = arith.constant 28864 : i32
      %add3A_829 = vector.broadcast %add3A_828 : i32 to vector<16xi32>
      %add3A_830 = arith.addi %mul3A_9, %add3A_829 : vector<16xi32>
      %add3A_831 = arith.addi %get3A_827, %add3A_830 : vector<16xi32>
      tpu.vector_store_idx %arg6[%add3A_831], %broadcast_in_dim3A_12 : memref<32768xf32, #tpu.memory_space<vmem>>[vector<16xi32>], vector<16xf32>,
      %mul3A_832 = arith.constant 512 : i32
      %mul3A_833 = arith.muli %add3A_437, %mul3A_832 : i32
      %add3A_834 = arith.constant 0 : i32
      %add3A_835 = arith.addi %mul3A_833, %add3A_834 : i32
      %add3A_836 = arith.constant 0 : i32
      %add3A_837 = arith.addi %add3A_835, %add3A_836 : i32
      %get3A_838 = arith.index_cast %add3A_837 : i32 to index
      %get3A_839 = tpu.vector_load %arg5[%get3A_838] {strides = array<i32>} : memref<16384xi32, #tpu.memory_space<vmem>>, vector<16xi32>,
      %add3A_840 = arith.constant 0 : i32
      %add3A_841 = vector.broadcast %add3A_840 : i32 to vector<16xi32>
      %add3A_842 = arith.addi %mul3A_9, %add3A_841 : vector<16xi32>
      %add3A_843 = arith.addi %get3A_839, %add3A_842 : vector<16xi32>
      tpu.vector_store_idx %arg6[%add3A_843], %broadcast_in_dim3A_10 : memref<32768xf32, #tpu.memory_space<vmem>>[vector<16xi32>], vector<16xf32>,
      %mul3A_844 = arith.constant 512 : i32
      %mul3A_845 = arith.muli %add3A_437, %mul3A_844 : i32
      %add3A_846 = arith.constant 0 : i32
      %add3A_847 = arith.addi %mul3A_845, %add3A_846 : i32
      %add3A_848 = arith.constant 16 : i32
      %add3A_849 = arith.addi %add3A_847, %add3A_848 : i32
      %get3A_850 = arith.index_cast %add3A_849 : i32 to index
      %get3A_851 = tpu.vector_load %arg5[%get3A_850] {strides = array<i32>} : memref<16384xi32, #tpu.memory_space<vmem>>, vector<16xi32>,
      %add3A_852 = arith.constant 4096 : i32
      %add3A_853 = vector.broadcast %add3A_852 : i32 to vector<16xi32>
      %add3A_854 = arith.addi %mul3A_9, %add3A_853 : vector<16xi32>
      %add3A_855 = arith.addi %get3A_851, %add3A_854 : vector<16xi32>
      tpu.vector_store_idx %arg6[%add3A_855], %broadcast_in_dim3A_10 : memref<32768xf32, #tpu.memory_space<vmem>>[vector<16xi32>], vector<16xf32>,
      %mul3A_856 = arith.constant 512 : i32
      %mul3A_857 = arith.muli %add3A_437, %mul3A_856 : i32
      %add3A_858 = arith.constant 0 : i32
      %add3A_859 = arith.addi %mul3A_857, %add3A_858 : i32
      %add3A_860 = arith.constant 32 : i32
      %add3A_861 = arith.addi %add3A_859, %add3A_860 : i32
      %get3A_862 = arith.index_cast %add3A_861 : i32 to index
      %get3A_863 = tpu.vector_load %arg5[%get3A_862] {strides = array<i32>} : memref<16384xi32, #tpu.memory_space<vmem>>, vector<16xi32>,
      %add3A_864 = arith.constant 8192 : i32
      %add3A_865 = vector.broadcast %add3A_864 : i32 to vector<16xi32>
      %add3A_866 = arith.addi %mul3A_9, %add3A_865 : vector<16xi32>
      %add3A_867 = arith.addi %get3A_863, %add3A_866 : vector<16xi32>
      tpu.vector_store_idx %arg6[%add3A_867], %broadcast_in_dim3A_10 : memref<32768xf32, #tpu.memory_space<vmem>>[vector<16xi32>], vector<16xf32>,
      %mul3A_868 = arith.constant 512 : i32
      %mul3A_869 = arith.muli %add3A_437, %mul3A_868 : i32
      %add3A_870 = arith.constant 0 : i32
      %add3A_871 = arith.addi %mul3A_869, %add3A_870 : i32
      %add3A_872 = arith.constant 48 : i32
      %add3A_873 = arith.addi %add3A_871, %add3A_872 : i32
      %get3A_874 = arith.index_cast %add3A_873 : i32 to index
      %get3A_875 = tpu.vector_load %arg5[%get3A_874] {strides = array<i32>} : memref<16384xi32, #tpu.memory_space<vmem>>, vector<16xi32>,
      %add3A_876 = arith.constant 12288 : i32
      %add3A_877 = vector.broadcast %add3A_876 : i32 to vector<16xi32>
      %add3A_878 = arith.addi %mul3A_9, %add3A_877 : vector<16xi32>
      %add3A_879 = arith.addi %get3A_875, %add3A_878 : vector<16xi32>
      tpu.vector_store_idx %arg6[%add3A_879], %broadcast_in_dim3A_10 : memref<32768xf32, #tpu.memory_space<vmem>>[vector<16xi32>], vector<16xf32>,
      %mul3A_880 = arith.constant 512 : i32
      %mul3A_881 = arith.muli %add3A_437, %mul3A_880 : i32
      %add3A_882 = arith.constant 0 : i32
      %add3A_883 = arith.addi %mul3A_881, %add3A_882 : i32
      %add3A_884 = arith.constant 64 : i32
      %add3A_885 = arith.addi %add3A_883, %add3A_884 : i32
      %get3A_886 = arith.index_cast %add3A_885 : i32 to index
      %get3A_887 = tpu.vector_load %arg5[%get3A_886] {strides = array<i32>} : memref<16384xi32, #tpu.memory_space<vmem>>, vector<16xi32>,
      %add3A_888 = arith.constant 16384 : i32
      %add3A_889 = vector.broadcast %add3A_888 : i32 to vector<16xi32>
      %add3A_890 = arith.addi %mul3A_9, %add3A_889 : vector<16xi32>
      %add3A_891 = arith.addi %get3A_887, %add3A_890 : vector<16xi32>
      tpu.vector_store_idx %arg6[%add3A_891], %broadcast_in_dim3A_10 : memref<32768xf32, #tpu.memory_space<vmem>>[vector<16xi32>], vector<16xf32>,
      %mul3A_892 = arith.constant 512 : i32
      %mul3A_893 = arith.muli %add3A_437, %mul3A_892 : i32
      %add3A_894 = arith.constant 0 : i32
      %add3A_895 = arith.addi %mul3A_893, %add3A_894 : i32
      %add3A_896 = arith.constant 80 : i32
      %add3A_897 = arith.addi %add3A_895, %add3A_896 : i32
      %get3A_898 = arith.index_cast %add3A_897 : i32 to index
      %get3A_899 = tpu.vector_load %arg5[%get3A_898] {strides = array<i32>} : memref<16384xi32, #tpu.memory_space<vmem>>, vector<16xi32>,
      %add3A_900 = arith.constant 20480 : i32
      %add3A_901 = vector.broadcast %add3A_900 : i32 to vector<16xi32>
      %add3A_902 = arith.addi %mul3A_9, %add3A_901 : vector<16xi32>
      %add3A_903 = arith.addi %get3A_899, %add3A_902 : vector<16xi32>
      tpu.vector_store_idx %arg6[%add3A_903], %broadcast_in_dim3A_10 : memref<32768xf32, #tpu.memory_space<vmem>>[vector<16xi32>], vector<16xf32>,
      %mul3A_904 = arith.constant 512 : i32
      %mul3A_905 = arith.muli %add3A_437, %mul3A_904 : i32
      %add3A_906 = arith.constant 0 : i32
      %add3A_907 = arith.addi %mul3A_905, %add3A_906 : i32
      %add3A_908 = arith.constant 96 : i32
      %add3A_909 = arith.addi %add3A_907, %add3A_908 : i32
      %get3A_910 = arith.index_cast %add3A_909 : i32 to index
      %get3A_911 = tpu.vector_load %arg5[%get3A_910] {strides = array<i32>} : memref<16384xi32, #tpu.memory_space<vmem>>, vector<16xi32>,
      %add3A_912 = arith.constant 24576 : i32
      %add3A_913 = vector.broadcast %add3A_912 : i32 to vector<16xi32>
      %add3A_914 = arith.addi %mul3A_9, %add3A_913 : vector<16xi32>
      %add3A_915 = arith.addi %get3A_911, %add3A_914 : vector<16xi32>
      tpu.vector_store_idx %arg6[%add3A_915], %broadcast_in_dim3A_10 : memref<32768xf32, #tpu.memory_space<vmem>>[vector<16xi32>], vector<16xf32>,
      %mul3A_916 = arith.constant 512 : i32
      %mul3A_917 = arith.muli %add3A_437, %mul3A_916 : i32
      %add3A_918 = arith.constant 0 : i32
      %add3A_919 = arith.addi %mul3A_917, %add3A_918 : i32
      %add3A_920 = arith.constant 112 : i32
      %add3A_921 = arith.addi %add3A_919, %add3A_920 : i32
      %get3A_922 = arith.index_cast %add3A_921 : i32 to index
      %get3A_923 = tpu.vector_load %arg5[%get3A_922] {strides = array<i32>} : memref<16384xi32, #tpu.memory_space<vmem>>, vector<16xi32>,
      %add3A_924 = arith.constant 28672 : i32
      %add3A_925 = vector.broadcast %add3A_924 : i32 to vector<16xi32>
      %add3A_926 = arith.addi %mul3A_9, %add3A_925 : vector<16xi32>
      %add3A_927 = arith.addi %get3A_923, %add3A_926 : vector<16xi32>
      tpu.vector_store_idx %arg6[%add3A_927], %broadcast_in_dim3A_10 : memref<32768xf32, #tpu.memory_space<vmem>>[vector<16xi32>], vector<16xf32>,
      %mul3A_928 = arith.constant 512 : i32
      %mul3A_929 = arith.muli %add3A_437, %mul3A_928 : i32
      %add3A_930 = arith.constant 128 : i32
      %add3A_931 = arith.addi %mul3A_929, %add3A_930 : i32
      %add3A_932 = arith.constant 0 : i32
      %add3A_933 = arith.addi %add3A_931, %add3A_932 : i32
      %get3A_934 = arith.index_cast %add3A_933 : i32 to index
      %get3A_935 = tpu.vector_load %arg5[%get3A_934] {strides = array<i32>} : memref<16384xi32, #tpu.memory_space<vmem>>, vector<16xi32>,
      %add3A_936 = arith.constant 64 : i32
      %add3A_937 = vector.broadcast %add3A_936 : i32 to vector<16xi32>
      %add3A_938 = arith.addi %mul3A_9, %add3A_937 : vector<16xi32>
      %add3A_939 = arith.addi %get3A_935, %add3A_938 : vector<16xi32>
      tpu.vector_store_idx %arg6[%add3A_939], %broadcast_in_dim3A_10 : memref<32768xf32, #tpu.memory_space<vmem>>[vector<16xi32>], vector<16xf32>,
      %mul3A_940 = arith.constant 512 : i32
      %mul3A_941 = arith.muli %add3A_437, %mul3A_940 : i32
      %add3A_942 = arith.constant 128 : i32
      %add3A_943 = arith.addi %mul3A_941, %add3A_942 : i32
      %add3A_944 = arith.constant 16 : i32
      %add3A_945 = arith.addi %add3A_943, %add3A_944 : i32
      %get3A_946 = arith.index_cast %add3A_945 : i32 to index
      %get3A_947 = tpu.vector_load %arg5[%get3A_946] {strides = array<i32>} : memref<16384xi32, #tpu.memory_space<vmem>>, vector<16xi32>,
      %add3A_948 = arith.constant 4160 : i32
      %add3A_949 = vector.broadcast %add3A_948 : i32 to vector<16xi32>
      %add3A_950 = arith.addi %mul3A_9, %add3A_949 : vector<16xi32>
      %add3A_951 = arith.addi %get3A_947, %add3A_950 : vector<16xi32>
      tpu.vector_store_idx %arg6[%add3A_951], %broadcast_in_dim3A_10 : memref<32768xf32, #tpu.memory_space<vmem>>[vector<16xi32>], vector<16xf32>,
      %mul3A_952 = arith.constant 512 : i32
      %mul3A_953 = arith.muli %add3A_437, %mul3A_952 : i32
      %add3A_954 = arith.constant 128 : i32
      %add3A_955 = arith.addi %mul3A_953, %add3A_954 : i32
      %add3A_956 = arith.constant 32 : i32
      %add3A_957 = arith.addi %add3A_955, %add3A_956 : i32
      %get3A_958 = arith.index_cast %add3A_957 : i32 to index
      %get3A_959 = tpu.vector_load %arg5[%get3A_958] {strides = array<i32>} : memref<16384xi32, #tpu.memory_space<vmem>>, vector<16xi32>,
      %add3A_960 = arith.constant 8256 : i32
      %add3A_961 = vector.broadcast %add3A_960 : i32 to vector<16xi32>
      %add3A_962 = arith.addi %mul3A_9, %add3A_961 : vector<16xi32>
      %add3A_963 = arith.addi %get3A_959, %add3A_962 : vector<16xi32>
      tpu.vector_store_idx %arg6[%add3A_963], %broadcast_in_dim3A_10 : memref<32768xf32, #tpu.memory_space<vmem>>[vector<16xi32>], vector<16xf32>,
      %mul3A_964 = arith.constant 512 : i32
      %mul3A_965 = arith.muli %add3A_437, %mul3A_964 : i32
      %add3A_966 = arith.constant 128 : i32
      %add3A_967 = arith.addi %mul3A_965, %add3A_966 : i32
      %add3A_968 = arith.constant 48 : i32
      %add3A_969 = arith.addi %add3A_967, %add3A_968 : i32
      %get3A_970 = arith.index_cast %add3A_969 : i32 to index
      %get3A_971 = tpu.vector_load %arg5[%get3A_970] {strides = array<i32>} : memref<16384xi32, #tpu.memory_space<vmem>>, vector<16xi32>,
      %add3A_972 = arith.constant 12352 : i32
      %add3A_973 = vector.broadcast %add3A_972 : i32 to vector<16xi32>
      %add3A_974 = arith.addi %mul3A_9, %add3A_973 : vector<16xi32>
      %add3A_975 = arith.addi %get3A_971, %add3A_974 : vector<16xi32>
      tpu.vector_store_idx %arg6[%add3A_975], %broadcast_in_dim3A_10 : memref<32768xf32, #tpu.memory_space<vmem>>[vector<16xi32>], vector<16xf32>,
      %mul3A_976 = arith.constant 512 : i32
      %mul3A_977 = arith.muli %add3A_437, %mul3A_976 : i32
      %add3A_978 = arith.constant 128 : i32
      %add3A_979 = arith.addi %mul3A_977, %add3A_978 : i32
      %add3A_980 = arith.constant 64 : i32
      %add3A_981 = arith.addi %add3A_979, %add3A_980 : i32
      %get3A_982 = arith.index_cast %add3A_981 : i32 to index
      %get3A_983 = tpu.vector_load %arg5[%get3A_982] {strides = array<i32>} : memref<16384xi32, #tpu.memory_space<vmem>>, vector<16xi32>,
      %add3A_984 = arith.constant 16448 : i32
      %add3A_985 = vector.broadcast %add3A_984 : i32 to vector<16xi32>
      %add3A_986 = arith.addi %mul3A_9, %add3A_985 : vector<16xi32>
      %add3A_987 = arith.addi %get3A_983, %add3A_986 : vector<16xi32>
      tpu.vector_store_idx %arg6[%add3A_987], %broadcast_in_dim3A_10 : memref<32768xf32, #tpu.memory_space<vmem>>[vector<16xi32>], vector<16xf32>,
      %mul3A_988 = arith.constant 512 : i32
      %mul3A_989 = arith.muli %add3A_437, %mul3A_988 : i32
      %add3A_990 = arith.constant 128 : i32
      %add3A_991 = arith.addi %mul3A_989, %add3A_990 : i32
      %add3A_992 = arith.constant 80 : i32
      %add3A_993 = arith.addi %add3A_991, %add3A_992 : i32
      %get3A_994 = arith.index_cast %add3A_993 : i32 to index
      %get3A_995 = tpu.vector_load %arg5[%get3A_994] {strides = array<i32>} : memref<16384xi32, #tpu.memory_space<vmem>>, vector<16xi32>,
      %add3A_996 = arith.constant 20544 : i32
      %add3A_997 = vector.broadcast %add3A_996 : i32 to vector<16xi32>
      %add3A_998 = arith.addi %mul3A_9, %add3A_997 : vector<16xi32>
      %add3A_999 = arith.addi %get3A_995, %add3A_998 : vector<16xi32>
      tpu.vector_store_idx %arg6[%add3A_999], %broadcast_in_dim3A_10 : memref<32768xf32, #tpu.memory_space<vmem>>[vector<16xi32>], vector<16xf32>,
      %mul3A_1000 = arith.constant 512 : i32
      %mul3A_1001 = arith.muli %add3A_437, %mul3A_1000 : i32
      %add3A_1002 = arith.constant 128 : i32
      %add3A_1003 = arith.addi %mul3A_1001, %add3A_1002 : i32
      %add3A_1004 = arith.constant 96 : i32
      %add3A_1005 = arith.addi %add3A_1003, %add3A_1004 : i32
      %get3A_1006 = arith.index_cast %add3A_1005 : i32 to index
      %get3A_1007 = tpu.vector_load %arg5[%get3A_1006] {strides = array<i32>} : memref<16384xi32, #tpu.memory_space<vmem>>, vector<16xi32>,
      %add3A_1008 = arith.constant 24640 : i32
      %add3A_1009 = vector.broadcast %add3A_1008 : i32 to vector<16xi32>
      %add3A_1010 = arith.addi %mul3A_9, %add3A_1009 : vector<16xi32>
      %add3A_1011 = arith.addi %get3A_1007, %add3A_1010 : vector<16xi32>
      tpu.vector_store_idx %arg6[%add3A_1011], %broadcast_in_dim3A_10 : memref<32768xf32, #tpu.memory_space<vmem>>[vector<16xi32>], vector<16xf32>,
      %mul3A_1012 = arith.constant 512 : i32
      %mul3A_1013 = arith.muli %add3A_437, %mul3A_1012 : i32
      %add3A_1014 = arith.constant 128 : i32
      %add3A_1015 = arith.addi %mul3A_1013, %add3A_1014 : i32
      %add3A_1016 = arith.constant 112 : i32
      %add3A_1017 = arith.addi %add3A_1015, %add3A_1016 : i32
      %get3A_1018 = arith.index_cast %add3A_1017 : i32 to index
      %get3A_1019 = tpu.vector_load %arg5[%get3A_1018] {strides = array<i32>} : memref<16384xi32, #tpu.memory_space<vmem>>, vector<16xi32>,
      %add3A_1020 = arith.constant 28736 : i32
      %add3A_1021 = vector.broadcast %add3A_1020 : i32 to vector<16xi32>
      %add3A_1022 = arith.addi %mul3A_9, %add3A_1021 : vector<16xi32>
      %add3A_1023 = arith.addi %get3A_1019, %add3A_1022 : vector<16xi32>
      tpu.vector_store_idx %arg6[%add3A_1023], %broadcast_in_dim3A_10 : memref<32768xf32, #tpu.memory_space<vmem>>[vector<16xi32>], vector<16xf32>,
      %mul3A_1024 = arith.constant 512 : i32
      %mul3A_1025 = arith.muli %add3A_437, %mul3A_1024 : i32
      %add3A_1026 = arith.constant 256 : i32
      %add3A_1027 = arith.addi %mul3A_1025, %add3A_1026 : i32
      %add3A_1028 = arith.constant 0 : i32
      %add3A_1029 = arith.addi %add3A_1027, %add3A_1028 : i32
      %get3A_1030 = arith.index_cast %add3A_1029 : i32 to index
      %get3A_1031 = tpu.vector_load %arg5[%get3A_1030] {strides = array<i32>} : memref<16384xi32, #tpu.memory_space<vmem>>, vector<16xi32>,
      %add3A_1032 = arith.constant 128 : i32
      %add3A_1033 = vector.broadcast %add3A_1032 : i32 to vector<16xi32>
      %add3A_1034 = arith.addi %mul3A_9, %add3A_1033 : vector<16xi32>
      %add3A_1035 = arith.addi %get3A_1031, %add3A_1034 : vector<16xi32>
      tpu.vector_store_idx %arg6[%add3A_1035], %broadcast_in_dim3A_10 : memref<32768xf32, #tpu.memory_space<vmem>>[vector<16xi32>], vector<16xf32>,
      %mul3A_1036 = arith.constant 512 : i32
      %mul3A_1037 = arith.muli %add3A_437, %mul3A_1036 : i32
      %add3A_1038 = arith.constant 256 : i32
      %add3A_1039 = arith.addi %mul3A_1037, %add3A_1038 : i32
      %add3A_1040 = arith.constant 16 : i32
      %add3A_1041 = arith.addi %add3A_1039, %add3A_1040 : i32
      %get3A_1042 = arith.index_cast %add3A_1041 : i32 to index
      %get3A_1043 = tpu.vector_load %arg5[%get3A_1042] {strides = array<i32>} : memref<16384xi32, #tpu.memory_space<vmem>>, vector<16xi32>,
      %add3A_1044 = arith.constant 4224 : i32
      %add3A_1045 = vector.broadcast %add3A_1044 : i32 to vector<16xi32>
      %add3A_1046 = arith.addi %mul3A_9, %add3A_1045 : vector<16xi32>
      %add3A_1047 = arith.addi %get3A_1043, %add3A_1046 : vector<16xi32>
      tpu.vector_store_idx %arg6[%add3A_1047], %broadcast_in_dim3A_10 : memref<32768xf32, #tpu.memory_space<vmem>>[vector<16xi32>], vector<16xf32>,
      %mul3A_1048 = arith.constant 512 : i32
      %mul3A_1049 = arith.muli %add3A_437, %mul3A_1048 : i32
      %add3A_1050 = arith.constant 256 : i32
      %add3A_1051 = arith.addi %mul3A_1049, %add3A_1050 : i32
      %add3A_1052 = arith.constant 32 : i32
      %add3A_1053 = arith.addi %add3A_1051, %add3A_1052 : i32
      %get3A_1054 = arith.index_cast %add3A_1053 : i32 to index
      %get3A_1055 = tpu.vector_load %arg5[%get3A_1054] {strides = array<i32>} : memref<16384xi32, #tpu.memory_space<vmem>>, vector<16xi32>,
      %add3A_1056 = arith.constant 8320 : i32
      %add3A_1057 = vector.broadcast %add3A_1056 : i32 to vector<16xi32>
      %add3A_1058 = arith.addi %mul3A_9, %add3A_1057 : vector<16xi32>
      %add3A_1059 = arith.addi %get3A_1055, %add3A_1058 : vector<16xi32>
      tpu.vector_store_idx %arg6[%add3A_1059], %broadcast_in_dim3A_10 : memref<32768xf32, #tpu.memory_space<vmem>>[vector<16xi32>], vector<16xf32>,
      %mul3A_1060 = arith.constant 512 : i32
      %mul3A_1061 = arith.muli %add3A_437, %mul3A_1060 : i32
      %add3A_1062 = arith.constant 256 : i32
      %add3A_1063 = arith.addi %mul3A_1061, %add3A_1062 : i32
      %add3A_1064 = arith.constant 48 : i32
      %add3A_1065 = arith.addi %add3A_1063, %add3A_1064 : i32
      %get3A_1066 = arith.index_cast %add3A_1065 : i32 to index
      %get3A_1067 = tpu.vector_load %arg5[%get3A_1066] {strides = array<i32>} : memref<16384xi32, #tpu.memory_space<vmem>>, vector<16xi32>,
      %add3A_1068 = arith.constant 12416 : i32
      %add3A_1069 = vector.broadcast %add3A_1068 : i32 to vector<16xi32>
      %add3A_1070 = arith.addi %mul3A_9, %add3A_1069 : vector<16xi32>
      %add3A_1071 = arith.addi %get3A_1067, %add3A_1070 : vector<16xi32>
      tpu.vector_store_idx %arg6[%add3A_1071], %broadcast_in_dim3A_10 : memref<32768xf32, #tpu.memory_space<vmem>>[vector<16xi32>], vector<16xf32>,
      %mul3A_1072 = arith.constant 512 : i32
      %mul3A_1073 = arith.muli %add3A_437, %mul3A_1072 : i32
      %add3A_1074 = arith.constant 256 : i32
      %add3A_1075 = arith.addi %mul3A_1073, %add3A_1074 : i32
      %add3A_1076 = arith.constant 64 : i32
      %add3A_1077 = arith.addi %add3A_1075, %add3A_1076 : i32
      %get3A_1078 = arith.index_cast %add3A_1077 : i32 to index
      %get3A_1079 = tpu.vector_load %arg5[%get3A_1078] {strides = array<i32>} : memref<16384xi32, #tpu.memory_space<vmem>>, vector<16xi32>,
      %add3A_1080 = arith.constant 16512 : i32
      %add3A_1081 = vector.broadcast %add3A_1080 : i32 to vector<16xi32>
      %add3A_1082 = arith.addi %mul3A_9, %add3A_1081 : vector<16xi32>
      %add3A_1083 = arith.addi %get3A_1079, %add3A_1082 : vector<16xi32>
      tpu.vector_store_idx %arg6[%add3A_1083], %broadcast_in_dim3A_10 : memref<32768xf32, #tpu.memory_space<vmem>>[vector<16xi32>], vector<16xf32>,
      %mul3A_1084 = arith.constant 512 : i32
      %mul3A_1085 = arith.muli %add3A_437, %mul3A_1084 : i32
      %add3A_1086 = arith.constant 256 : i32
      %add3A_1087 = arith.addi %mul3A_1085, %add3A_1086 : i32
      %add3A_1088 = arith.constant 80 : i32
      %add3A_1089 = arith.addi %add3A_1087, %add3A_1088 : i32
      %get3A_1090 = arith.index_cast %add3A_1089 : i32 to index
      %get3A_1091 = tpu.vector_load %arg5[%get3A_1090] {strides = array<i32>} : memref<16384xi32, #tpu.memory_space<vmem>>, vector<16xi32>,
      %add3A_1092 = arith.constant 20608 : i32
      %add3A_1093 = vector.broadcast %add3A_1092 : i32 to vector<16xi32>
      %add3A_1094 = arith.addi %mul3A_9, %add3A_1093 : vector<16xi32>
      %add3A_1095 = arith.addi %get3A_1091, %add3A_1094 : vector<16xi32>
      tpu.vector_store_idx %arg6[%add3A_1095], %broadcast_in_dim3A_10 : memref<32768xf32, #tpu.memory_space<vmem>>[vector<16xi32>], vector<16xf32>,
      %mul3A_1096 = arith.constant 512 : i32
      %mul3A_1097 = arith.muli %add3A_437, %mul3A_1096 : i32
      %add3A_1098 = arith.constant 256 : i32
      %add3A_1099 = arith.addi %mul3A_1097, %add3A_1098 : i32
      %add3A_1100 = arith.constant 96 : i32
      %add3A_1101 = arith.addi %add3A_1099, %add3A_1100 : i32
      %get3A_1102 = arith.index_cast %add3A_1101 : i32 to index
      %get3A_1103 = tpu.vector_load %arg5[%get3A_1102] {strides = array<i32>} : memref<16384xi32, #tpu.memory_space<vmem>>, vector<16xi32>,
      %add3A_1104 = arith.constant 24704 : i32
      %add3A_1105 = vector.broadcast %add3A_1104 : i32 to vector<16xi32>
      %add3A_1106 = arith.addi %mul3A_9, %add3A_1105 : vector<16xi32>
      %add3A_1107 = arith.addi %get3A_1103, %add3A_1106 : vector<16xi32>
      tpu.vector_store_idx %arg6[%add3A_1107], %broadcast_in_dim3A_10 : memref<32768xf32, #tpu.memory_space<vmem>>[vector<16xi32>], vector<16xf32>,
      %mul3A_1108 = arith.constant 512 : i32
      %mul3A_1109 = arith.muli %add3A_437, %mul3A_1108 : i32
      %add3A_1110 = arith.constant 256 : i32
      %add3A_1111 = arith.addi %mul3A_1109, %add3A_1110 : i32
      %add3A_1112 = arith.constant 112 : i32
      %add3A_1113 = arith.addi %add3A_1111, %add3A_1112 : i32
      %get3A_1114 = arith.index_cast %add3A_1113 : i32 to index
      %get3A_1115 = tpu.vector_load %arg5[%get3A_1114] {strides = array<i32>} : memref<16384xi32, #tpu.memory_space<vmem>>, vector<16xi32>,
      %add3A_1116 = arith.constant 28800 : i32
      %add3A_1117 = vector.broadcast %add3A_1116 : i32 to vector<16xi32>
      %add3A_1118 = arith.addi %mul3A_9, %add3A_1117 : vector<16xi32>
      %add3A_1119 = arith.addi %get3A_1115, %add3A_1118 : vector<16xi32>
      tpu.vector_store_idx %arg6[%add3A_1119], %broadcast_in_dim3A_10 : memref<32768xf32, #tpu.memory_space<vmem>>[vector<16xi32>], vector<16xf32>,
      %mul3A_1120 = arith.constant 512 : i32
      %mul3A_1121 = arith.muli %add3A_437, %mul3A_1120 : i32
      %add3A_1122 = arith.constant 384 : i32
      %add3A_1123 = arith.addi %mul3A_1121, %add3A_1122 : i32
      %add3A_1124 = arith.constant 0 : i32
      %add3A_1125 = arith.addi %add3A_1123, %add3A_1124 : i32
      %get3A_1126 = arith.index_cast %add3A_1125 : i32 to index
      %get3A_1127 = tpu.vector_load %arg5[%get3A_1126] {strides = array<i32>} : memref<16384xi32, #tpu.memory_space<vmem>>, vector<16xi32>,
      %add3A_1128 = arith.constant 192 : i32
      %add3A_1129 = vector.broadcast %add3A_1128 : i32 to vector<16xi32>
      %add3A_1130 = arith.addi %mul3A_9, %add3A_1129 : vector<16xi32>
      %add3A_1131 = arith.addi %get3A_1127, %add3A_1130 : vector<16xi32>
      tpu.vector_store_idx %arg6[%add3A_1131], %broadcast_in_dim3A_10 : memref<32768xf32, #tpu.memory_space<vmem>>[vector<16xi32>], vector<16xf32>,
      %mul3A_1132 = arith.constant 512 : i32
      %mul3A_1133 = arith.muli %add3A_437, %mul3A_1132 : i32
      %add3A_1134 = arith.constant 384 : i32
      %add3A_1135 = arith.addi %mul3A_1133, %add3A_1134 : i32
      %add3A_1136 = arith.constant 16 : i32
      %add3A_1137 = arith.addi %add3A_1135, %add3A_1136 : i32
      %get3A_1138 = arith.index_cast %add3A_1137 : i32 to index
      %get3A_1139 = tpu.vector_load %arg5[%get3A_1138] {strides = array<i32>} : memref<16384xi32, #tpu.memory_space<vmem>>, vector<16xi32>,
      %add3A_1140 = arith.constant 4288 : i32
      %add3A_1141 = vector.broadcast %add3A_1140 : i32 to vector<16xi32>
      %add3A_1142 = arith.addi %mul3A_9, %add3A_1141 : vector<16xi32>
      %add3A_1143 = arith.addi %get3A_1139, %add3A_1142 : vector<16xi32>
      tpu.vector_store_idx %arg6[%add3A_1143], %broadcast_in_dim3A_10 : memref<32768xf32, #tpu.memory_space<vmem>>[vector<16xi32>], vector<16xf32>,
      %mul3A_1144 = arith.constant 512 : i32
      %mul3A_1145 = arith.muli %add3A_437, %mul3A_1144 : i32
      %add3A_1146 = arith.constant 384 : i32
      %add3A_1147 = arith.addi %mul3A_1145, %add3A_1146 : i32
      %add3A_1148 = arith.constant 32 : i32
      %add3A_1149 = arith.addi %add3A_1147, %add3A_1148 : i32
      %get3A_1150 = arith.index_cast %add3A_1149 : i32 to index
      %get3A_1151 = tpu.vector_load %arg5[%get3A_1150] {strides = array<i32>} : memref<16384xi32, #tpu.memory_space<vmem>>, vector<16xi32>,
      %add3A_1152 = arith.constant 8384 : i32
      %add3A_1153 = vector.broadcast %add3A_1152 : i32 to vector<16xi32>
      %add3A_1154 = arith.addi %mul3A_9, %add3A_1153 : vector<16xi32>
      %add3A_1155 = arith.addi %get3A_1151, %add3A_1154 : vector<16xi32>
      tpu.vector_store_idx %arg6[%add3A_1155], %broadcast_in_dim3A_10 : memref<32768xf32, #tpu.memory_space<vmem>>[vector<16xi32>], vector<16xf32>,
      %mul3A_1156 = arith.constant 512 : i32
      %mul3A_1157 = arith.muli %add3A_437, %mul3A_1156 : i32
      %add3A_1158 = arith.constant 384 : i32
      %add3A_1159 = arith.addi %mul3A_1157, %add3A_1158 : i32
      %add3A_1160 = arith.constant 48 : i32
      %add3A_1161 = arith.addi %add3A_1159, %add3A_1160 : i32
      %get3A_1162 = arith.index_cast %add3A_1161 : i32 to index
      %get3A_1163 = tpu.vector_load %arg5[%get3A_1162] {strides = array<i32>} : memref<16384xi32, #tpu.memory_space<vmem>>, vector<16xi32>,
      %add3A_1164 = arith.constant 12480 : i32
      %add3A_1165 = vector.broadcast %add3A_1164 : i32 to vector<16xi32>
      %add3A_1166 = arith.addi %mul3A_9, %add3A_1165 : vector<16xi32>
      %add3A_1167 = arith.addi %get3A_1163, %add3A_1166 : vector<16xi32>
      tpu.vector_store_idx %arg6[%add3A_1167], %broadcast_in_dim3A_10 : memref<32768xf32, #tpu.memory_space<vmem>>[vector<16xi32>], vector<16xf32>,
      %mul3A_1168 = arith.constant 512 : i32
      %mul3A_1169 = arith.muli %add3A_437, %mul3A_1168 : i32
      %add3A_1170 = arith.constant 384 : i32
      %add3A_1171 = arith.addi %mul3A_1169, %add3A_1170 : i32
      %add3A_1172 = arith.constant 64 : i32
      %add3A_1173 = arith.addi %add3A_1171, %add3A_1172 : i32
      %get3A_1174 = arith.index_cast %add3A_1173 : i32 to index
      %get3A_1175 = tpu.vector_load %arg5[%get3A_1174] {strides = array<i32>} : memref<16384xi32, #tpu.memory_space<vmem>>, vector<16xi32>,
      %add3A_1176 = arith.constant 16576 : i32
      %add3A_1177 = vector.broadcast %add3A_1176 : i32 to vector<16xi32>
      %add3A_1178 = arith.addi %mul3A_9, %add3A_1177 : vector<16xi32>
      %add3A_1179 = arith.addi %get3A_1175, %add3A_1178 : vector<16xi32>
      tpu.vector_store_idx %arg6[%add3A_1179], %broadcast_in_dim3A_10 : memref<32768xf32, #tpu.memory_space<vmem>>[vector<16xi32>], vector<16xf32>,
      %mul3A_1180 = arith.constant 512 : i32
      %mul3A_1181 = arith.muli %add3A_437, %mul3A_1180 : i32
      %add3A_1182 = arith.constant 384 : i32
      %add3A_1183 = arith.addi %mul3A_1181, %add3A_1182 : i32
      %add3A_1184 = arith.constant 80 : i32
      %add3A_1185 = arith.addi %add3A_1183, %add3A_1184 : i32
      %get3A_1186 = arith.index_cast %add3A_1185 : i32 to index
      %get3A_1187 = tpu.vector_load %arg5[%get3A_1186] {strides = array<i32>} : memref<16384xi32, #tpu.memory_space<vmem>>, vector<16xi32>,
      %add3A_1188 = arith.constant 20672 : i32
      %add3A_1189 = vector.broadcast %add3A_1188 : i32 to vector<16xi32>
      %add3A_1190 = arith.addi %mul3A_9, %add3A_1189 : vector<16xi32>
      %add3A_1191 = arith.addi %get3A_1187, %add3A_1190 : vector<16xi32>
      tpu.vector_store_idx %arg6[%add3A_1191], %broadcast_in_dim3A_10 : memref<32768xf32, #tpu.memory_space<vmem>>[vector<16xi32>], vector<16xf32>,
      %mul3A_1192 = arith.constant 512 : i32
      %mul3A_1193 = arith.muli %add3A_437, %mul3A_1192 : i32
      %add3A_1194 = arith.constant 384 : i32
      %add3A_1195 = arith.addi %mul3A_1193, %add3A_1194 : i32
      %add3A_1196 = arith.constant 96 : i32
      %add3A_1197 = arith.addi %add3A_1195, %add3A_1196 : i32
      %get3A_1198 = arith.index_cast %add3A_1197 : i32 to index
      %get3A_1199 = tpu.vector_load %arg5[%get3A_1198] {strides = array<i32>} : memref<16384xi32, #tpu.memory_space<vmem>>, vector<16xi32>,
      %add3A_1200 = arith.constant 24768 : i32
      %add3A_1201 = vector.broadcast %add3A_1200 : i32 to vector<16xi32>
      %add3A_1202 = arith.addi %mul3A_9, %add3A_1201 : vector<16xi32>
      %add3A_1203 = arith.addi %get3A_1199, %add3A_1202 : vector<16xi32>
      tpu.vector_store_idx %arg6[%add3A_1203], %broadcast_in_dim3A_10 : memref<32768xf32, #tpu.memory_space<vmem>>[vector<16xi32>], vector<16xf32>,
      %mul3A_1204 = arith.constant 512 : i32
      %mul3A_1205 = arith.muli %add3A_437, %mul3A_1204 : i32
      %add3A_1206 = arith.constant 384 : i32
      %add3A_1207 = arith.addi %mul3A_1205, %add3A_1206 : i32
      %add3A_1208 = arith.constant 112 : i32
      %add3A_1209 = arith.addi %add3A_1207, %add3A_1208 : i32
      %get3A_1210 = arith.index_cast %add3A_1209 : i32 to index
      %get3A_1211 = tpu.vector_load %arg5[%get3A_1210] {strides = array<i32>} : memref<16384xi32, #tpu.memory_space<vmem>>, vector<16xi32>,
      %add3A_1212 = arith.constant 28864 : i32
      %add3A_1213 = vector.broadcast %add3A_1212 : i32 to vector<16xi32>
      %add3A_1214 = arith.addi %mul3A_9, %add3A_1213 : vector<16xi32>
      %add3A_1215 = arith.addi %get3A_1211, %add3A_1214 : vector<16xi32>
      tpu.vector_store_idx %arg6[%add3A_1215], %broadcast_in_dim3A_10 : memref<32768xf32, #tpu.memory_space<vmem>>[vector<16xi32>], vector<16xf32>,
      %add3A_1216 = arith.addi %mul3A_2, %add3A_437 : i32
      %dma_start3A_1217 = arith.constant 0 : i32
      %dma_start3A_1218 = tpu.memref_slice %arg4[%add3A_1216, %dma_start3A_1217] : memref<1024x32768xf32, #tpu.memory_space<hbm>> -> memref<1x32768xf32, #tpu.memory_space<hbm>>
      %dma_start3A_1219 = tpu.memref_squeeze %dma_start3A_1218 : memref<1x32768xf32, #tpu.memory_space<hbm>> -> memref<32768xf32, #tpu.memory_space<hbm>>
      %dma_start3A_1220 = arith.constant 0 : i32
      %dma_start3A_1221 = tpu.memref_slice %arg4[%add3A_1216, %dma_start3A_1220] : memref<1024x32768xf32, #tpu.memory_space<hbm>> -> memref<1x32768xf32, #tpu.memory_space<hbm>>
      %dma_start3A_1222 = tpu.memref_squeeze %dma_start3A_1221 : memref<1x32768xf32, #tpu.memory_space<hbm>> -> memref<32768xf32, #tpu.memory_space<hbm>>
      tpu.enqueue_dma source(%arg6 : memref<32768xf32, #tpu.memory_space<vmem>>) target(%dma_start3A_1222 : memref<32768xf32, #tpu.memory_space<hbm>>) target_semaphore(%arg8 : memref<!tpu.dma_semaphore, #tpu.memory_space<semaphore_mem>>)
      %add3A_1223 = arith.constant 1 : i32
      %add3A_1224 = arith.addi %mul3A_435, %add3A_1223 : i32
      %add3A_1225 = arith.addi %mul3A_2, %add3A_1224 : i32
      %sub3A_1226 = arith.constant 2 : i32
      %sub3A_1227 = arith.subi %add3A_1225, %sub3A_1226 : i32
      %dma_wait3A_1228 = arith.constant 0 : i32
      %dma_wait3A_1229 = tpu.memref_slice %arg4[%sub3A_1227, %dma_wait3A_1228] : memref<1024x32768xf32, #tpu.memory_space<hbm>> -> memref<1x32768xf32, #tpu.memory_space<hbm>>
      %dma_wait3A_1230 = tpu.memref_squeeze %dma_wait3A_1229 : memref<1x32768xf32, #tpu.memory_space<hbm>> -> memref<32768xf32, #tpu.memory_space<hbm>>
      %dma_wait3A_1231 = arith.constant 0 : i32
      %dma_wait3A_1232 = tpu.memref_slice %arg4[%sub3A_1227, %dma_wait3A_1231] : memref<1024x32768xf32, #tpu.memory_space<hbm>> -> memref<1x32768xf32, #tpu.memory_space<hbm>>
      %dma_wait3A_1233 = tpu.memref_squeeze %dma_wait3A_1232 : memref<1x32768xf32, #tpu.memory_space<hbm>> -> memref<32768xf32, #tpu.memory_space<hbm>>
      tpu.wait_dma2 semaphore(%arg9 : memref<!tpu.dma_semaphore, #tpu.memory_space<semaphore_mem>>) src(%arg7 : memref<32768xf32, #tpu.memory_space<vmem>>) dst(%dma_wait3A_1233 : memref<32768xf32, #tpu.memory_space<hbm>>)
      %sub3A_1234 = arith.constant 2 : i32
      %sub3A_1235 = arith.subi %add3A_1224, %sub3A_1234 : i32
      %mul3A_1236 = arith.constant 512 : i32
      %mul3A_1237 = arith.muli %sub3A_1235, %mul3A_1236 : i32
      %add3A_1238 = arith.constant 0 : i32
      %add3A_1239 = arith.addi %mul3A_1237, %add3A_1238 : i32
      %add3A_1240 = arith.constant 0 : i32
      %add3A_1241 = arith.addi %add3A_1239, %add3A_1240 : i32
      %get3A_1242 = arith.index_cast %add3A_1241 : i32 to index
      %get3A_1243 = tpu.vector_load %arg5[%get3A_1242] {strides = array<i32>} : memref<16384xi32, #tpu.memory_space<vmem>>, vector<16xi32>,
      %add3A_1244 = arith.constant 0 : i32
      %add3A_1245 = vector.broadcast %add3A_1244 : i32 to vector<16xi32>
      %add3A_1246 = arith.addi %mul3A_9, %add3A_1245 : vector<16xi32>
      %add3A_1247 = arith.addi %get3A_1243, %add3A_1246 : vector<16xi32>
      tpu.vector_store_idx %arg7[%add3A_1247], %broadcast_in_dim3A_12 : memref<32768xf32, #tpu.memory_space<vmem>>[vector<16xi32>], vector<16xf32>,
      %mul3A_1248 = arith.constant 512 : i32
      %mul3A_1249 = arith.muli %sub3A_1235, %mul3A_1248 : i32
      %add3A_1250 = arith.constant 0 : i32
      %add3A_1251 = arith.addi %mul3A_1249, %add3A_1250 : i32
      %add3A_1252 = arith.constant 16 : i32
      %add3A_1253 = arith.addi %add3A_1251, %add3A_1252 : i32
      %get3A_1254 = arith.index_cast %add3A_1253 : i32 to index
      %get3A_1255 = tpu.vector_load %arg5[%get3A_1254] {strides = array<i32>} : memref<16384xi32, #tpu.memory_space<vmem>>, vector<16xi32>,
      %add3A_1256 = arith.constant 4096 : i32
      %add3A_1257 = vector.broadcast %add3A_1256 : i32 to vector<16xi32>
      %add3A_1258 = arith.addi %mul3A_9, %add3A_1257 : vector<16xi32>
      %add3A_1259 = arith.addi %get3A_1255, %add3A_1258 : vector<16xi32>
      tpu.vector_store_idx %arg7[%add3A_1259], %broadcast_in_dim3A_12 : memref<32768xf32, #tpu.memory_space<vmem>>[vector<16xi32>], vector<16xf32>,
      %mul3A_1260 = arith.constant 512 : i32
      %mul3A_1261 = arith.muli %sub3A_1235, %mul3A_1260 : i32
      %add3A_1262 = arith.constant 0 : i32
      %add3A_1263 = arith.addi %mul3A_1261, %add3A_1262 : i32
      %add3A_1264 = arith.constant 32 : i32
      %add3A_1265 = arith.addi %add3A_1263, %add3A_1264 : i32
      %get3A_1266 = arith.index_cast %add3A_1265 : i32 to index
      %get3A_1267 = tpu.vector_load %arg5[%get3A_1266] {strides = array<i32>} : memref<16384xi32, #tpu.memory_space<vmem>>, vector<16xi32>,
      %add3A_1268 = arith.constant 8192 : i32
      %add3A_1269 = vector.broadcast %add3A_1268 : i32 to vector<16xi32>
      %add3A_1270 = arith.addi %mul3A_9, %add3A_1269 : vector<16xi32>
      %add3A_1271 = arith.addi %get3A_1267, %add3A_1270 : vector<16xi32>
      tpu.vector_store_idx %arg7[%add3A_1271], %broadcast_in_dim3A_12 : memref<32768xf32, #tpu.memory_space<vmem>>[vector<16xi32>], vector<16xf32>,
      %mul3A_1272 = arith.constant 512 : i32
      %mul3A_1273 = arith.muli %sub3A_1235, %mul3A_1272 : i32
      %add3A_1274 = arith.constant 0 : i32
      %add3A_1275 = arith.addi %mul3A_1273, %add3A_1274 : i32
      %add3A_1276 = arith.constant 48 : i32
      %add3A_1277 = arith.addi %add3A_1275, %add3A_1276 : i32
      %get3A_1278 = arith.index_cast %add3A_1277 : i32 to index
      %get3A_1279 = tpu.vector_load %arg5[%get3A_1278] {strides = array<i32>} : memref<16384xi32, #tpu.memory_space<vmem>>, vector<16xi32>,
      %add3A_1280 = arith.constant 12288 : i32
      %add3A_1281 = vector.broadcast %add3A_1280 : i32 to vector<16xi32>
      %add3A_1282 = arith.addi %mul3A_9, %add3A_1281 : vector<16xi32>
      %add3A_1283 = arith.addi %get3A_1279, %add3A_1282 : vector<16xi32>
      tpu.vector_store_idx %arg7[%add3A_1283], %broadcast_in_dim3A_12 : memref<32768xf32, #tpu.memory_space<vmem>>[vector<16xi32>], vector<16xf32>,
      %mul3A_1284 = arith.constant 512 : i32
      %mul3A_1285 = arith.muli %sub3A_1235, %mul3A_1284 : i32
      %add3A_1286 = arith.constant 0 : i32
      %add3A_1287 = arith.addi %mul3A_1285, %add3A_1286 : i32
      %add3A_1288 = arith.constant 64 : i32
      %add3A_1289 = arith.addi %add3A_1287, %add3A_1288 : i32
      %get3A_1290 = arith.index_cast %add3A_1289 : i32 to index
      %get3A_1291 = tpu.vector_load %arg5[%get3A_1290] {strides = array<i32>} : memref<16384xi32, #tpu.memory_space<vmem>>, vector<16xi32>,
      %add3A_1292 = arith.constant 16384 : i32
      %add3A_1293 = vector.broadcast %add3A_1292 : i32 to vector<16xi32>
      %add3A_1294 = arith.addi %mul3A_9, %add3A_1293 : vector<16xi32>
      %add3A_1295 = arith.addi %get3A_1291, %add3A_1294 : vector<16xi32>
      tpu.vector_store_idx %arg7[%add3A_1295], %broadcast_in_dim3A_12 : memref<32768xf32, #tpu.memory_space<vmem>>[vector<16xi32>], vector<16xf32>,
      %mul3A_1296 = arith.constant 512 : i32
      %mul3A_1297 = arith.muli %sub3A_1235, %mul3A_1296 : i32
      %add3A_1298 = arith.constant 0 : i32
      %add3A_1299 = arith.addi %mul3A_1297, %add3A_1298 : i32
      %add3A_1300 = arith.constant 80 : i32
      %add3A_1301 = arith.addi %add3A_1299, %add3A_1300 : i32
      %get3A_1302 = arith.index_cast %add3A_1301 : i32 to index
      %get3A_1303 = tpu.vector_load %arg5[%get3A_1302] {strides = array<i32>} : memref<16384xi32, #tpu.memory_space<vmem>>, vector<16xi32>,
      %add3A_1304 = arith.constant 20480 : i32
      %add3A_1305 = vector.broadcast %add3A_1304 : i32 to vector<16xi32>
      %add3A_1306 = arith.addi %mul3A_9, %add3A_1305 : vector<16xi32>
      %add3A_1307 = arith.addi %get3A_1303, %add3A_1306 : vector<16xi32>
      tpu.vector_store_idx %arg7[%add3A_1307], %broadcast_in_dim3A_12 : memref<32768xf32, #tpu.memory_space<vmem>>[vector<16xi32>], vector<16xf32>,
      %mul3A_1308 = arith.constant 512 : i32
      %mul3A_1309 = arith.muli %sub3A_1235, %mul3A_1308 : i32
      %add3A_1310 = arith.constant 0 : i32
      %add3A_1311 = arith.addi %mul3A_1309, %add3A_1310 : i32
      %add3A_1312 = arith.constant 96 : i32
      %add3A_1313 = arith.addi %add3A_1311, %add3A_1312 : i32
      %get3A_1314 = arith.index_cast %add3A_1313 : i32 to index
      %get3A_1315 = tpu.vector_load %arg5[%get3A_1314] {strides = array<i32>} : memref<16384xi32, #tpu.memory_space<vmem>>, vector<16xi32>,
      %add3A_1316 = arith.constant 24576 : i32
      %add3A_1317 = vector.broadcast %add3A_1316 : i32 to vector<16xi32>
      %add3A_1318 = arith.addi %mul3A_9, %add3A_1317 : vector<16xi32>
      %add3A_1319 = arith.addi %get3A_1315, %add3A_1318 : vector<16xi32>
      tpu.vector_store_idx %arg7[%add3A_1319], %broadcast_in_dim3A_12 : memref<32768xf32, #tpu.memory_space<vmem>>[vector<16xi32>], vector<16xf32>,
      %mul3A_1320 = arith.constant 512 : i32
      %mul3A_1321 = arith.muli %sub3A_1235, %mul3A_1320 : i32
      %add3A_1322 = arith.constant 0 : i32
      %add3A_1323 = arith.addi %mul3A_1321, %add3A_1322 : i32
      %add3A_1324 = arith.constant 112 : i32
      %add3A_1325 = arith.addi %add3A_1323, %add3A_1324 : i32
      %get3A_1326 = arith.index_cast %add3A_1325 : i32 to index
      %get3A_1327 = tpu.vector_load %arg5[%get3A_1326] {strides = array<i32>} : memref<16384xi32, #tpu.memory_space<vmem>>, vector<16xi32>,
      %add3A_1328 = arith.constant 28672 : i32
      %add3A_1329 = vector.broadcast %add3A_1328 : i32 to vector<16xi32>
      %add3A_1330 = arith.addi %mul3A_9, %add3A_1329 : vector<16xi32>
      %add3A_1331 = arith.addi %get3A_1327, %add3A_1330 : vector<16xi32>
      tpu.vector_store_idx %arg7[%add3A_1331], %broadcast_in_dim3A_12 : memref<32768xf32, #tpu.memory_space<vmem>>[vector<16xi32>], vector<16xf32>,
      %mul3A_1332 = arith.constant 512 : i32
      %mul3A_1333 = arith.muli %sub3A_1235, %mul3A_1332 : i32
      %add3A_1334 = arith.constant 128 : i32
      %add3A_1335 = arith.addi %mul3A_1333, %add3A_1334 : i32
      %add3A_1336 = arith.constant 0 : i32
      %add3A_1337 = arith.addi %add3A_1335, %add3A_1336 : i32
      %get3A_1338 = arith.index_cast %add3A_1337 : i32 to index
      %get3A_1339 = tpu.vector_load %arg5[%get3A_1338] {strides = array<i32>} : memref<16384xi32, #tpu.memory_space<vmem>>, vector<16xi32>,
      %add3A_1340 = arith.constant 64 : i32
      %add3A_1341 = vector.broadcast %add3A_1340 : i32 to vector<16xi32>
      %add3A_1342 = arith.addi %mul3A_9, %add3A_1341 : vector<16xi32>
      %add3A_1343 = arith.addi %get3A_1339, %add3A_1342 : vector<16xi32>
      tpu.vector_store_idx %arg7[%add3A_1343], %broadcast_in_dim3A_12 : memref<32768xf32, #tpu.memory_space<vmem>>[vector<16xi32>], vector<16xf32>,
      %mul3A_1344 = arith.constant 512 : i32
      %mul3A_1345 = arith.muli %sub3A_1235, %mul3A_1344 : i32
      %add3A_1346 = arith.constant 128 : i32
      %add3A_1347 = arith.addi %mul3A_1345, %add3A_1346 : i32
      %add3A_1348 = arith.constant 16 : i32
      %add3A_1349 = arith.addi %add3A_1347, %add3A_1348 : i32
      %get3A_1350 = arith.index_cast %add3A_1349 : i32 to index
      %get3A_1351 = tpu.vector_load %arg5[%get3A_1350] {strides = array<i32>} : memref<16384xi32, #tpu.memory_space<vmem>>, vector<16xi32>,
      %add3A_1352 = arith.constant 4160 : i32
      %add3A_1353 = vector.broadcast %add3A_1352 : i32 to vector<16xi32>
      %add3A_1354 = arith.addi %mul3A_9, %add3A_1353 : vector<16xi32>
      %add3A_1355 = arith.addi %get3A_1351, %add3A_1354 : vector<16xi32>
      tpu.vector_store_idx %arg7[%add3A_1355], %broadcast_in_dim3A_12 : memref<32768xf32, #tpu.memory_space<vmem>>[vector<16xi32>], vector<16xf32>,
      %mul3A_1356 = arith.constant 512 : i32
      %mul3A_1357 = arith.muli %sub3A_1235, %mul3A_1356 : i32
      %add3A_1358 = arith.constant 128 : i32
      %add3A_1359 = arith.addi %mul3A_1357, %add3A_1358 : i32
      %add3A_1360 = arith.constant 32 : i32
      %add3A_1361 = arith.addi %add3A_1359, %add3A_1360 : i32
      %get3A_1362 = arith.index_cast %add3A_1361 : i32 to index
      %get3A_1363 = tpu.vector_load %arg5[%get3A_1362] {strides = array<i32>} : memref<16384xi32, #tpu.memory_space<vmem>>, vector<16xi32>,
      %add3A_1364 = arith.constant 8256 : i32
      %add3A_1365 = vector.broadcast %add3A_1364 : i32 to vector<16xi32>
      %add3A_1366 = arith.addi %mul3A_9, %add3A_1365 : vector<16xi32>
      %add3A_1367 = arith.addi %get3A_1363, %add3A_1366 : vector<16xi32>
      tpu.vector_store_idx %arg7[%add3A_1367], %broadcast_in_dim3A_12 : memref<32768xf32, #tpu.memory_space<vmem>>[vector<16xi32>], vector<16xf32>,
      %mul3A_1368 = arith.constant 512 : i32
      %mul3A_1369 = arith.muli %sub3A_1235, %mul3A_1368 : i32
      %add3A_1370 = arith.constant 128 : i32
      %add3A_1371 = arith.addi %mul3A_1369, %add3A_1370 : i32
      %add3A_1372 = arith.constant 48 : i32
      %add3A_1373 = arith.addi %add3A_1371, %add3A_1372 : i32
      %get3A_1374 = arith.index_cast %add3A_1373 : i32 to index
      %get3A_1375 = tpu.vector_load %arg5[%get3A_1374] {strides = array<i32>} : memref<16384xi32, #tpu.memory_space<vmem>>, vector<16xi32>,
      %add3A_1376 = arith.constant 12352 : i32
      %add3A_1377 = vector.broadcast %add3A_1376 : i32 to vector<16xi32>
      %add3A_1378 = arith.addi %mul3A_9, %add3A_1377 : vector<16xi32>
      %add3A_1379 = arith.addi %get3A_1375, %add3A_1378 : vector<16xi32>
      tpu.vector_store_idx %arg7[%add3A_1379], %broadcast_in_dim3A_12 : memref<32768xf32, #tpu.memory_space<vmem>>[vector<16xi32>], vector<16xf32>,
      %mul3A_1380 = arith.constant 512 : i32
      %mul3A_1381 = arith.muli %sub3A_1235, %mul3A_1380 : i32
      %add3A_1382 = arith.constant 128 : i32
      %add3A_1383 = arith.addi %mul3A_1381, %add3A_1382 : i32
      %add3A_1384 = arith.constant 64 : i32
      %add3A_1385 = arith.addi %add3A_1383, %add3A_1384 : i32
      %get3A_1386 = arith.index_cast %add3A_1385 : i32 to index
      %get3A_1387 = tpu.vector_load %arg5[%get3A_1386] {strides = array<i32>} : memref<16384xi32, #tpu.memory_space<vmem>>, vector<16xi32>,
      %add3A_1388 = arith.constant 16448 : i32
      %add3A_1389 = vector.broadcast %add3A_1388 : i32 to vector<16xi32>
      %add3A_1390 = arith.addi %mul3A_9, %add3A_1389 : vector<16xi32>
      %add3A_1391 = arith.addi %get3A_1387, %add3A_1390 : vector<16xi32>
      tpu.vector_store_idx %arg7[%add3A_1391], %broadcast_in_dim3A_12 : memref<32768xf32, #tpu.memory_space<vmem>>[vector<16xi32>], vector<16xf32>,
      %mul3A_1392 = arith.constant 512 : i32
      %mul3A_1393 = arith.muli %sub3A_1235, %mul3A_1392 : i32
      %add3A_1394 = arith.constant 128 : i32
      %add3A_1395 = arith.addi %mul3A_1393, %add3A_1394 : i32
      %add3A_1396 = arith.constant 80 : i32
      %add3A_1397 = arith.addi %add3A_1395, %add3A_1396 : i32
      %get3A_1398 = arith.index_cast %add3A_1397 : i32 to index
      %get3A_1399 = tpu.vector_load %arg5[%get3A_1398] {strides = array<i32>} : memref<16384xi32, #tpu.memory_space<vmem>>, vector<16xi32>,
      %add3A_1400 = arith.constant 20544 : i32
      %add3A_1401 = vector.broadcast %add3A_1400 : i32 to vector<16xi32>
      %add3A_1402 = arith.addi %mul3A_9, %add3A_1401 : vector<16xi32>
      %add3A_1403 = arith.addi %get3A_1399, %add3A_1402 : vector<16xi32>
      tpu.vector_store_idx %arg7[%add3A_1403], %broadcast_in_dim3A_12 : memref<32768xf32, #tpu.memory_space<vmem>>[vector<16xi32>], vector<16xf32>,
      %mul3A_1404 = arith.constant 512 : i32
      %mul3A_1405 = arith.muli %sub3A_1235, %mul3A_1404 : i32
      %add3A_1406 = arith.constant 128 : i32
      %add3A_1407 = arith.addi %mul3A_1405, %add3A_1406 : i32
      %add3A_1408 = arith.constant 96 : i32
      %add3A_1409 = arith.addi %add3A_1407, %add3A_1408 : i32
      %get3A_1410 = arith.index_cast %add3A_1409 : i32 to index
      %get3A_1411 = tpu.vector_load %arg5[%get3A_1410] {strides = array<i32>} : memref<16384xi32, #tpu.memory_space<vmem>>, vector<16xi32>,
      %add3A_1412 = arith.constant 24640 : i32
      %add3A_1413 = vector.broadcast %add3A_1412 : i32 to vector<16xi32>
      %add3A_1414 = arith.addi %mul3A_9, %add3A_1413 : vector<16xi32>
      %add3A_1415 = arith.addi %get3A_1411, %add3A_1414 : vector<16xi32>
      tpu.vector_store_idx %arg7[%add3A_1415], %broadcast_in_dim3A_12 : memref<32768xf32, #tpu.memory_space<vmem>>[vector<16xi32>], vector<16xf32>,
      %mul3A_1416 = arith.constant 512 : i32
      %mul3A_1417 = arith.muli %sub3A_1235, %mul3A_1416 : i32
      %add3A_1418 = arith.constant 128 : i32
      %add3A_1419 = arith.addi %mul3A_1417, %add3A_1418 : i32
      %add3A_1420 = arith.constant 112 : i32
      %add3A_1421 = arith.addi %add3A_1419, %add3A_1420 : i32
      %get3A_1422 = arith.index_cast %add3A_1421 : i32 to index
      %get3A_1423 = tpu.vector_load %arg5[%get3A_1422] {strides = array<i32>} : memref<16384xi32, #tpu.memory_space<vmem>>, vector<16xi32>,
      %add3A_1424 = arith.constant 28736 : i32
      %add3A_1425 = vector.broadcast %add3A_1424 : i32 to vector<16xi32>
      %add3A_1426 = arith.addi %mul3A_9, %add3A_1425 : vector<16xi32>
      %add3A_1427 = arith.addi %get3A_1423, %add3A_1426 : vector<16xi32>
      tpu.vector_store_idx %arg7[%add3A_1427], %broadcast_in_dim3A_12 : memref<32768xf32, #tpu.memory_space<vmem>>[vector<16xi32>], vector<16xf32>,
      %mul3A_1428 = arith.constant 512 : i32
      %mul3A_1429 = arith.muli %sub3A_1235, %mul3A_1428 : i32
      %add3A_1430 = arith.constant 256 : i32
      %add3A_1431 = arith.addi %mul3A_1429, %add3A_1430 : i32
      %add3A_1432 = arith.constant 0 : i32
      %add3A_1433 = arith.addi %add3A_1431, %add3A_1432 : i32
      %get3A_1434 = arith.index_cast %add3A_1433 : i32 to index
      %get3A_1435 = tpu.vector_load %arg5[%get3A_1434] {strides = array<i32>} : memref<16384xi32, #tpu.memory_space<vmem>>, vector<16xi32>,
      %add3A_1436 = arith.constant 128 : i32
      %add3A_1437 = vector.broadcast %add3A_1436 : i32 to vector<16xi32>
      %add3A_1438 = arith.addi %mul3A_9, %add3A_1437 : vector<16xi32>
      %add3A_1439 = arith.addi %get3A_1435, %add3A_1438 : vector<16xi32>
      tpu.vector_store_idx %arg7[%add3A_1439], %broadcast_in_dim3A_12 : memref<32768xf32, #tpu.memory_space<vmem>>[vector<16xi32>], vector<16xf32>,
      %mul3A_1440 = arith.constant 512 : i32
      %mul3A_1441 = arith.muli %sub3A_1235, %mul3A_1440 : i32
      %add3A_1442 = arith.constant 256 : i32
      %add3A_1443 = arith.addi %mul3A_1441, %add3A_1442 : i32
      %add3A_1444 = arith.constant 16 : i32
      %add3A_1445 = arith.addi %add3A_1443, %add3A_1444 : i32
      %get3A_1446 = arith.index_cast %add3A_1445 : i32 to index
      %get3A_1447 = tpu.vector_load %arg5[%get3A_1446] {strides = array<i32>} : memref<16384xi32, #tpu.memory_space<vmem>>, vector<16xi32>,
      %add3A_1448 = arith.constant 4224 : i32
      %add3A_1449 = vector.broadcast %add3A_1448 : i32 to vector<16xi32>
      %add3A_1450 = arith.addi %mul3A_9, %add3A_1449 : vector<16xi32>
      %add3A_1451 = arith.addi %get3A_1447, %add3A_1450 : vector<16xi32>
      tpu.vector_store_idx %arg7[%add3A_1451], %broadcast_in_dim3A_12 : memref<32768xf32, #tpu.memory_space<vmem>>[vector<16xi32>], vector<16xf32>,
      %mul3A_1452 = arith.constant 512 : i32
      %mul3A_1453 = arith.muli %sub3A_1235, %mul3A_1452 : i32
      %add3A_1454 = arith.constant 256 : i32
      %add3A_1455 = arith.addi %mul3A_1453, %add3A_1454 : i32
      %add3A_1456 = arith.constant 32 : i32
      %add3A_1457 = arith.addi %add3A_1455, %add3A_1456 : i32
      %get3A_1458 = arith.index_cast %add3A_1457 : i32 to index
      %get3A_1459 = tpu.vector_load %arg5[%get3A_1458] {strides = array<i32>} : memref<16384xi32, #tpu.memory_space<vmem>>, vector<16xi32>,
      %add3A_1460 = arith.constant 8320 : i32
      %add3A_1461 = vector.broadcast %add3A_1460 : i32 to vector<16xi32>
      %add3A_1462 = arith.addi %mul3A_9, %add3A_1461 : vector<16xi32>
      %add3A_1463 = arith.addi %get3A_1459, %add3A_1462 : vector<16xi32>
      tpu.vector_store_idx %arg7[%add3A_1463], %broadcast_in_dim3A_12 : memref<32768xf32, #tpu.memory_space<vmem>>[vector<16xi32>], vector<16xf32>,
      %mul3A_1464 = arith.constant 512 : i32
      %mul3A_1465 = arith.muli %sub3A_1235, %mul3A_1464 : i32
      %add3A_1466 = arith.constant 256 : i32
      %add3A_1467 = arith.addi %mul3A_1465, %add3A_1466 : i32
      %add3A_1468 = arith.constant 48 : i32
      %add3A_1469 = arith.addi %add3A_1467, %add3A_1468 : i32
      %get3A_1470 = arith.index_cast %add3A_1469 : i32 to index
      %get3A_1471 = tpu.vector_load %arg5[%get3A_1470] {strides = array<i32>} : memref<16384xi32, #tpu.memory_space<vmem>>, vector<16xi32>,
      %add3A_1472 = arith.constant 12416 : i32
      %add3A_1473 = vector.broadcast %add3A_1472 : i32 to vector<16xi32>
      %add3A_1474 = arith.addi %mul3A_9, %add3A_1473 : vector<16xi32>
      %add3A_1475 = arith.addi %get3A_1471, %add3A_1474 : vector<16xi32>
      tpu.vector_store_idx %arg7[%add3A_1475], %broadcast_in_dim3A_12 : memref<32768xf32, #tpu.memory_space<vmem>>[vector<16xi32>], vector<16xf32>,
      %mul3A_1476 = arith.constant 512 : i32
      %mul3A_1477 = arith.muli %sub3A_1235, %mul3A_1476 : i32
      %add3A_1478 = arith.constant 256 : i32
      %add3A_1479 = arith.addi %mul3A_1477, %add3A_1478 : i32
      %add3A_1480 = arith.constant 64 : i32
      %add3A_1481 = arith.addi %add3A_1479, %add3A_1480 : i32
      %get3A_1482 = arith.index_cast %add3A_1481 : i32 to index
      %get3A_1483 = tpu.vector_load %arg5[%get3A_1482] {strides = array<i32>} : memref<16384xi32, #tpu.memory_space<vmem>>, vector<16xi32>,
      %add3A_1484 = arith.constant 16512 : i32
      %add3A_1485 = vector.broadcast %add3A_1484 : i32 to vector<16xi32>
      %add3A_1486 = arith.addi %mul3A_9, %add3A_1485 : vector<16xi32>
      %add3A_1487 = arith.addi %get3A_1483, %add3A_1486 : vector<16xi32>
      tpu.vector_store_idx %arg7[%add3A_1487], %broadcast_in_dim3A_12 : memref<32768xf32, #tpu.memory_space<vmem>>[vector<16xi32>], vector<16xf32>,
      %mul3A_1488 = arith.constant 512 : i32
      %mul3A_1489 = arith.muli %sub3A_1235, %mul3A_1488 : i32
      %add3A_1490 = arith.constant 256 : i32
      %add3A_1491 = arith.addi %mul3A_1489, %add3A_1490 : i32
      %add3A_1492 = arith.constant 80 : i32
      %add3A_1493 = arith.addi %add3A_1491, %add3A_1492 : i32
      %get3A_1494 = arith.index_cast %add3A_1493 : i32 to index
      %get3A_1495 = tpu.vector_load %arg5[%get3A_1494] {strides = array<i32>} : memref<16384xi32, #tpu.memory_space<vmem>>, vector<16xi32>,
      %add3A_1496 = arith.constant 20608 : i32
      %add3A_1497 = vector.broadcast %add3A_1496 : i32 to vector<16xi32>
      %add3A_1498 = arith.addi %mul3A_9, %add3A_1497 : vector<16xi32>
      %add3A_1499 = arith.addi %get3A_1495, %add3A_1498 : vector<16xi32>
      tpu.vector_store_idx %arg7[%add3A_1499], %broadcast_in_dim3A_12 : memref<32768xf32, #tpu.memory_space<vmem>>[vector<16xi32>], vector<16xf32>,
      %mul3A_1500 = arith.constant 512 : i32
      %mul3A_1501 = arith.muli %sub3A_1235, %mul3A_1500 : i32
      %add3A_1502 = arith.constant 256 : i32
      %add3A_1503 = arith.addi %mul3A_1501, %add3A_1502 : i32
      %add3A_1504 = arith.constant 96 : i32
      %add3A_1505 = arith.addi %add3A_1503, %add3A_1504 : i32
      %get3A_1506 = arith.index_cast %add3A_1505 : i32 to index
      %get3A_1507 = tpu.vector_load %arg5[%get3A_1506] {strides = array<i32>} : memref<16384xi32, #tpu.memory_space<vmem>>, vector<16xi32>,
      %add3A_1508 = arith.constant 24704 : i32
      %add3A_1509 = vector.broadcast %add3A_1508 : i32 to vector<16xi32>
      %add3A_1510 = arith.addi %mul3A_9, %add3A_1509 : vector<16xi32>
      %add3A_1511 = arith.addi %get3A_1507, %add3A_1510 : vector<16xi32>
      tpu.vector_store_idx %arg7[%add3A_1511], %broadcast_in_dim3A_12 : memref<32768xf32, #tpu.memory_space<vmem>>[vector<16xi32>], vector<16xf32>,
      %mul3A_1512 = arith.constant 512 : i32
      %mul3A_1513 = arith.muli %sub3A_1235, %mul3A_1512 : i32
      %add3A_1514 = arith.constant 256 : i32
      %add3A_1515 = arith.addi %mul3A_1513, %add3A_1514 : i32
      %add3A_1516 = arith.constant 112 : i32
      %add3A_1517 = arith.addi %add3A_1515, %add3A_1516 : i32
      %get3A_1518 = arith.index_cast %add3A_1517 : i32 to index
      %get3A_1519 = tpu.vector_load %arg5[%get3A_1518] {strides = array<i32>} : memref<16384xi32, #tpu.memory_space<vmem>>, vector<16xi32>,
      %add3A_1520 = arith.constant 28800 : i32
      %add3A_1521 = vector.broadcast %add3A_1520 : i32 to vector<16xi32>
      %add3A_1522 = arith.addi %mul3A_9, %add3A_1521 : vector<16xi32>
      %add3A_1523 = arith.addi %get3A_1519, %add3A_1522 : vector<16xi32>
      tpu.vector_store_idx %arg7[%add3A_1523], %broadcast_in_dim3A_12 : memref<32768xf32, #tpu.memory_space<vmem>>[vector<16xi32>], vector<16xf32>,
      %mul3A_1524 = arith.constant 512 : i32
      %mul3A_1525 = arith.muli %sub3A_1235, %mul3A_1524 : i32
      %add3A_1526 = arith.constant 384 : i32
      %add3A_1527 = arith.addi %mul3A_1525, %add3A_1526 : i32
      %add3A_1528 = arith.constant 0 : i32
      %add3A_1529 = arith.addi %add3A_1527, %add3A_1528 : i32
      %get3A_1530 = arith.index_cast %add3A_1529 : i32 to index
      %get3A_1531 = tpu.vector_load %arg5[%get3A_1530] {strides = array<i32>} : memref<16384xi32, #tpu.memory_space<vmem>>, vector<16xi32>,
      %add3A_1532 = arith.constant 192 : i32
      %add3A_1533 = vector.broadcast %add3A_1532 : i32 to vector<16xi32>
      %add3A_1534 = arith.addi %mul3A_9, %add3A_1533 : vector<16xi32>
      %add3A_1535 = arith.addi %get3A_1531, %add3A_1534 : vector<16xi32>
      tpu.vector_store_idx %arg7[%add3A_1535], %broadcast_in_dim3A_12 : memref<32768xf32, #tpu.memory_space<vmem>>[vector<16xi32>], vector<16xf32>,
      %mul3A_1536 = arith.constant 512 : i32
      %mul3A_1537 = arith.muli %sub3A_1235, %mul3A_1536 : i32
      %add3A_1538 = arith.constant 384 : i32
      %add3A_1539 = arith.addi %mul3A_1537, %add3A_1538 : i32
      %add3A_1540 = arith.constant 16 : i32
      %add3A_1541 = arith.addi %add3A_1539, %add3A_1540 : i32
      %get3A_1542 = arith.index_cast %add3A_1541 : i32 to index
      %get3A_1543 = tpu.vector_load %arg5[%get3A_1542] {strides = array<i32>} : memref<16384xi32, #tpu.memory_space<vmem>>, vector<16xi32>,
      %add3A_1544 = arith.constant 4288 : i32
      %add3A_1545 = vector.broadcast %add3A_1544 : i32 to vector<16xi32>
      %add3A_1546 = arith.addi %mul3A_9, %add3A_1545 : vector<16xi32>
      %add3A_1547 = arith.addi %get3A_1543, %add3A_1546 : vector<16xi32>
      tpu.vector_store_idx %arg7[%add3A_1547], %broadcast_in_dim3A_12 : memref<32768xf32, #tpu.memory_space<vmem>>[vector<16xi32>], vector<16xf32>,
      %mul3A_1548 = arith.constant 512 : i32
      %mul3A_1549 = arith.muli %sub3A_1235, %mul3A_1548 : i32
      %add3A_1550 = arith.constant 384 : i32
      %add3A_1551 = arith.addi %mul3A_1549, %add3A_1550 : i32
      %add3A_1552 = arith.constant 32 : i32
      %add3A_1553 = arith.addi %add3A_1551, %add3A_1552 : i32
      %get3A_1554 = arith.index_cast %add3A_1553 : i32 to index
      %get3A_1555 = tpu.vector_load %arg5[%get3A_1554] {strides = array<i32>} : memref<16384xi32, #tpu.memory_space<vmem>>, vector<16xi32>,
      %add3A_1556 = arith.constant 8384 : i32
      %add3A_1557 = vector.broadcast %add3A_1556 : i32 to vector<16xi32>
      %add3A_1558 = arith.addi %mul3A_9, %add3A_1557 : vector<16xi32>
      %add3A_1559 = arith.addi %get3A_1555, %add3A_1558 : vector<16xi32>
      tpu.vector_store_idx %arg7[%add3A_1559], %broadcast_in_dim3A_12 : memref<32768xf32, #tpu.memory_space<vmem>>[vector<16xi32>], vector<16xf32>,
      %mul3A_1560 = arith.constant 512 : i32
      %mul3A_1561 = arith.muli %sub3A_1235, %mul3A_1560 : i32
      %add3A_1562 = arith.constant 384 : i32
      %add3A_1563 = arith.addi %mul3A_1561, %add3A_1562 : i32
      %add3A_1564 = arith.constant 48 : i32
      %add3A_1565 = arith.addi %add3A_1563, %add3A_1564 : i32
      %get3A_1566 = arith.index_cast %add3A_1565 : i32 to index
      %get3A_1567 = tpu.vector_load %arg5[%get3A_1566] {strides = array<i32>} : memref<16384xi32, #tpu.memory_space<vmem>>, vector<16xi32>,
      %add3A_1568 = arith.constant 12480 : i32
      %add3A_1569 = vector.broadcast %add3A_1568 : i32 to vector<16xi32>
      %add3A_1570 = arith.addi %mul3A_9, %add3A_1569 : vector<16xi32>
      %add3A_1571 = arith.addi %get3A_1567, %add3A_1570 : vector<16xi32>
      tpu.vector_store_idx %arg7[%add3A_1571], %broadcast_in_dim3A_12 : memref<32768xf32, #tpu.memory_space<vmem>>[vector<16xi32>], vector<16xf32>,
      %mul3A_1572 = arith.constant 512 : i32
      %mul3A_1573 = arith.muli %sub3A_1235, %mul3A_1572 : i32
      %add3A_1574 = arith.constant 384 : i32
      %add3A_1575 = arith.addi %mul3A_1573, %add3A_1574 : i32
      %add3A_1576 = arith.constant 64 : i32
      %add3A_1577 = arith.addi %add3A_1575, %add3A_1576 : i32
      %get3A_1578 = arith.index_cast %add3A_1577 : i32 to index
      %get3A_1579 = tpu.vector_load %arg5[%get3A_1578] {strides = array<i32>} : memref<16384xi32, #tpu.memory_space<vmem>>, vector<16xi32>,
      %add3A_1580 = arith.constant 16576 : i32
      %add3A_1581 = vector.broadcast %add3A_1580 : i32 to vector<16xi32>
      %add3A_1582 = arith.addi %mul3A_9, %add3A_1581 : vector<16xi32>
      %add3A_1583 = arith.addi %get3A_1579, %add3A_1582 : vector<16xi32>
      tpu.vector_store_idx %arg7[%add3A_1583], %broadcast_in_dim3A_12 : memref<32768xf32, #tpu.memory_space<vmem>>[vector<16xi32>], vector<16xf32>,
      %mul3A_1584 = arith.constant 512 : i32
      %mul3A_1585 = arith.muli %sub3A_1235, %mul3A_1584 : i32
      %add3A_1586 = arith.constant 384 : i32
      %add3A_1587 = arith.addi %mul3A_1585, %add3A_1586 : i32
      %add3A_1588 = arith.constant 80 : i32
      %add3A_1589 = arith.addi %add3A_1587, %add3A_1588 : i32
      %get3A_1590 = arith.index_cast %add3A_1589 : i32 to index
      %get3A_1591 = tpu.vector_load %arg5[%get3A_1590] {strides = array<i32>} : memref<16384xi32, #tpu.memory_space<vmem>>, vector<16xi32>,
      %add3A_1592 = arith.constant 20672 : i32
      %add3A_1593 = vector.broadcast %add3A_1592 : i32 to vector<16xi32>
      %add3A_1594 = arith.addi %mul3A_9, %add3A_1593 : vector<16xi32>
      %add3A_1595 = arith.addi %get3A_1591, %add3A_1594 : vector<16xi32>
      tpu.vector_store_idx %arg7[%add3A_1595], %broadcast_in_dim3A_12 : memref<32768xf32, #tpu.memory_space<vmem>>[vector<16xi32>], vector<16xf32>,
      %mul3A_1596 = arith.constant 512 : i32
      %mul3A_1597 = arith.muli %sub3A_1235, %mul3A_1596 : i32
      %add3A_1598 = arith.constant 384 : i32
      %add3A_1599 = arith.addi %mul3A_1597, %add3A_1598 : i32
      %add3A_1600 = arith.constant 96 : i32
      %add3A_1601 = arith.addi %add3A_1599, %add3A_1600 : i32
      %get3A_1602 = arith.index_cast %add3A_1601 : i32 to index
      %get3A_1603 = tpu.vector_load %arg5[%get3A_1602] {strides = array<i32>} : memref<16384xi32, #tpu.memory_space<vmem>>, vector<16xi32>,
      %add3A_1604 = arith.constant 24768 : i32
      %add3A_1605 = vector.broadcast %add3A_1604 : i32 to vector<16xi32>
      %add3A_1606 = arith.addi %mul3A_9, %add3A_1605 : vector<16xi32>
      %add3A_1607 = arith.addi %get3A_1603, %add3A_1606 : vector<16xi32>
      tpu.vector_store_idx %arg7[%add3A_1607], %broadcast_in_dim3A_12 : memref<32768xf32, #tpu.memory_space<vmem>>[vector<16xi32>], vector<16xf32>,
      %mul3A_1608 = arith.constant 512 : i32
      %mul3A_1609 = arith.muli %sub3A_1235, %mul3A_1608 : i32
      %add3A_1610 = arith.constant 384 : i32
      %add3A_1611 = arith.addi %mul3A_1609, %add3A_1610 : i32
      %add3A_1612 = arith.constant 112 : i32
      %add3A_1613 = arith.addi %add3A_1611, %add3A_1612 : i32
      %get3A_1614 = arith.index_cast %add3A_1613 : i32 to index
      %get3A_1615 = tpu.vector_load %arg5[%get3A_1614] {strides = array<i32>} : memref<16384xi32, #tpu.memory_space<vmem>>, vector<16xi32>,
      %add3A_1616 = arith.constant 28864 : i32
      %add3A_1617 = vector.broadcast %add3A_1616 : i32 to vector<16xi32>
      %add3A_1618 = arith.addi %mul3A_9, %add3A_1617 : vector<16xi32>
      %add3A_1619 = arith.addi %get3A_1615, %add3A_1618 : vector<16xi32>
      tpu.vector_store_idx %arg7[%add3A_1619], %broadcast_in_dim3A_12 : memref<32768xf32, #tpu.memory_space<vmem>>[vector<16xi32>], vector<16xf32>,
      %mul3A_1620 = arith.constant 512 : i32
      %mul3A_1621 = arith.muli %add3A_1224, %mul3A_1620 : i32
      %add3A_1622 = arith.constant 0 : i32
      %add3A_1623 = arith.addi %mul3A_1621, %add3A_1622 : i32
      %add3A_1624 = arith.constant 0 : i32
      %add3A_1625 = arith.addi %add3A_1623, %add3A_1624 : i32
      %get3A_1626 = arith.index_cast %add3A_1625 : i32 to index
      %get3A_1627 = tpu.vector_load %arg5[%get3A_1626] {strides = array<i32>} : memref<16384xi32, #tpu.memory_space<vmem>>, vector<16xi32>,
      %add3A_1628 = arith.constant 0 : i32
      %add3A_1629 = vector.broadcast %add3A_1628 : i32 to vector<16xi32>
      %add3A_1630 = arith.addi %mul3A_9, %add3A_1629 : vector<16xi32>
      %add3A_1631 = arith.addi %get3A_1627, %add3A_1630 : vector<16xi32>
      tpu.vector_store_idx %arg7[%add3A_1631], %broadcast_in_dim3A_10 : memref<32768xf32, #tpu.memory_space<vmem>>[vector<16xi32>], vector<16xf32>,
      %mul3A_1632 = arith.constant 512 : i32
      %mul3A_1633 = arith.muli %add3A_1224, %mul3A_1632 : i32
      %add3A_1634 = arith.constant 0 : i32
      %add3A_1635 = arith.addi %mul3A_1633, %add3A_1634 : i32
      %add3A_1636 = arith.constant 16 : i32
      %add3A_1637 = arith.addi %add3A_1635, %add3A_1636 : i32
      %get3A_1638 = arith.index_cast %add3A_1637 : i32 to index
      %get3A_1639 = tpu.vector_load %arg5[%get3A_1638] {strides = array<i32>} : memref<16384xi32, #tpu.memory_space<vmem>>, vector<16xi32>,
      %add3A_1640 = arith.constant 4096 : i32
      %add3A_1641 = vector.broadcast %add3A_1640 : i32 to vector<16xi32>
      %add3A_1642 = arith.addi %mul3A_9, %add3A_1641 : vector<16xi32>
      %add3A_1643 = arith.addi %get3A_1639, %add3A_1642 : vector<16xi32>
      tpu.vector_store_idx %arg7[%add3A_1643], %broadcast_in_dim3A_10 : memref<32768xf32, #tpu.memory_space<vmem>>[vector<16xi32>], vector<16xf32>,
      %mul3A_1644 = arith.constant 512 : i32
      %mul3A_1645 = arith.muli %add3A_1224, %mul3A_1644 : i32
      %add3A_1646 = arith.constant 0 : i32
      %add3A_1647 = arith.addi %mul3A_1645, %add3A_1646 : i32
      %add3A_1648 = arith.constant 32 : i32
      %add3A_1649 = arith.addi %add3A_1647, %add3A_1648 : i32
      %get3A_1650 = arith.index_cast %add3A_1649 : i32 to index
      %get3A_1651 = tpu.vector_load %arg5[%get3A_1650] {strides = array<i32>} : memref<16384xi32, #tpu.memory_space<vmem>>, vector<16xi32>,
      %add3A_1652 = arith.constant 8192 : i32
      %add3A_1653 = vector.broadcast %add3A_1652 : i32 to vector<16xi32>
      %add3A_1654 = arith.addi %mul3A_9, %add3A_1653 : vector<16xi32>
      %add3A_1655 = arith.addi %get3A_1651, %add3A_1654 : vector<16xi32>
      tpu.vector_store_idx %arg7[%add3A_1655], %broadcast_in_dim3A_10 : memref<32768xf32, #tpu.memory_space<vmem>>[vector<16xi32>], vector<16xf32>,
      %mul3A_1656 = arith.constant 512 : i32
      %mul3A_1657 = arith.muli %add3A_1224, %mul3A_1656 : i32
      %add3A_1658 = arith.constant 0 : i32
      %add3A_1659 = arith.addi %mul3A_1657, %add3A_1658 : i32
      %add3A_1660 = arith.constant 48 : i32
      %add3A_1661 = arith.addi %add3A_1659, %add3A_1660 : i32
      %get3A_1662 = arith.index_cast %add3A_1661 : i32 to index
      %get3A_1663 = tpu.vector_load %arg5[%get3A_1662] {strides = array<i32>} : memref<16384xi32, #tpu.memory_space<vmem>>, vector<16xi32>,
      %add3A_1664 = arith.constant 12288 : i32
      %add3A_1665 = vector.broadcast %add3A_1664 : i32 to vector<16xi32>
      %add3A_1666 = arith.addi %mul3A_9, %add3A_1665 : vector<16xi32>
      %add3A_1667 = arith.addi %get3A_1663, %add3A_1666 : vector<16xi32>
      tpu.vector_store_idx %arg7[%add3A_1667], %broadcast_in_dim3A_10 : memref<32768xf32, #tpu.memory_space<vmem>>[vector<16xi32>], vector<16xf32>,
      %mul3A_1668 = arith.constant 512 : i32
      %mul3A_1669 = arith.muli %add3A_1224, %mul3A_1668 : i32
      %add3A_1670 = arith.constant 0 : i32
      %add3A_1671 = arith.addi %mul3A_1669, %add3A_1670 : i32
      %add3A_1672 = arith.constant 64 : i32
      %add3A_1673 = arith.addi %add3A_1671, %add3A_1672 : i32
      %get3A_1674 = arith.index_cast %add3A_1673 : i32 to index
      %get3A_1675 = tpu.vector_load %arg5[%get3A_1674] {strides = array<i32>} : memref<16384xi32, #tpu.memory_space<vmem>>, vector<16xi32>,
      %add3A_1676 = arith.constant 16384 : i32
      %add3A_1677 = vector.broadcast %add3A_1676 : i32 to vector<16xi32>
      %add3A_1678 = arith.addi %mul3A_9, %add3A_1677 : vector<16xi32>
      %add3A_1679 = arith.addi %get3A_1675, %add3A_1678 : vector<16xi32>
      tpu.vector_store_idx %arg7[%add3A_1679], %broadcast_in_dim3A_10 : memref<32768xf32, #tpu.memory_space<vmem>>[vector<16xi32>], vector<16xf32>,
      %mul3A_1680 = arith.constant 512 : i32
      %mul3A_1681 = arith.muli %add3A_1224, %mul3A_1680 : i32
      %add3A_1682 = arith.constant 0 : i32
      %add3A_1683 = arith.addi %mul3A_1681, %add3A_1682 : i32
      %add3A_1684 = arith.constant 80 : i32
      %add3A_1685 = arith.addi %add3A_1683, %add3A_1684 : i32
      %get3A_1686 = arith.index_cast %add3A_1685 : i32 to index
      %get3A_1687 = tpu.vector_load %arg5[%get3A_1686] {strides = array<i32>} : memref<16384xi32, #tpu.memory_space<vmem>>, vector<16xi32>,
      %add3A_1688 = arith.constant 20480 : i32
      %add3A_1689 = vector.broadcast %add3A_1688 : i32 to vector<16xi32>
      %add3A_1690 = arith.addi %mul3A_9, %add3A_1689 : vector<16xi32>
      %add3A_1691 = arith.addi %get3A_1687, %add3A_1690 : vector<16xi32>
      tpu.vector_store_idx %arg7[%add3A_1691], %broadcast_in_dim3A_10 : memref<32768xf32, #tpu.memory_space<vmem>>[vector<16xi32>], vector<16xf32>,
      %mul3A_1692 = arith.constant 512 : i32
      %mul3A_1693 = arith.muli %add3A_1224, %mul3A_1692 : i32
      %add3A_1694 = arith.constant 0 : i32
      %add3A_1695 = arith.addi %mul3A_1693, %add3A_1694 : i32
      %add3A_1696 = arith.constant 96 : i32
      %add3A_1697 = arith.addi %add3A_1695, %add3A_1696 : i32
      %get3A_1698 = arith.index_cast %add3A_1697 : i32 to index
      %get3A_1699 = tpu.vector_load %arg5[%get3A_1698] {strides = array<i32>} : memref<16384xi32, #tpu.memory_space<vmem>>, vector<16xi32>,
      %add3A_1700 = arith.constant 24576 : i32
      %add3A_1701 = vector.broadcast %add3A_1700 : i32 to vector<16xi32>
      %add3A_1702 = arith.addi %mul3A_9, %add3A_1701 : vector<16xi32>
      %add3A_1703 = arith.addi %get3A_1699, %add3A_1702 : vector<16xi32>
      tpu.vector_store_idx %arg7[%add3A_1703], %broadcast_in_dim3A_10 : memref<32768xf32, #tpu.memory_space<vmem>>[vector<16xi32>], vector<16xf32>,
      %mul3A_1704 = arith.constant 512 : i32
      %mul3A_1705 = arith.muli %add3A_1224, %mul3A_1704 : i32
      %add3A_1706 = arith.constant 0 : i32
      %add3A_1707 = arith.addi %mul3A_1705, %add3A_1706 : i32
      %add3A_1708 = arith.constant 112 : i32
      %add3A_1709 = arith.addi %add3A_1707, %add3A_1708 : i32
      %get3A_1710 = arith.index_cast %add3A_1709 : i32 to index
      %get3A_1711 = tpu.vector_load %arg5[%get3A_1710] {strides = array<i32>} : memref<16384xi32, #tpu.memory_space<vmem>>, vector<16xi32>,
      %add3A_1712 = arith.constant 28672 : i32
      %add3A_1713 = vector.broadcast %add3A_1712 : i32 to vector<16xi32>
      %add3A_1714 = arith.addi %mul3A_9, %add3A_1713 : vector<16xi32>
      %add3A_1715 = arith.addi %get3A_1711, %add3A_1714 : vector<16xi32>
      tpu.vector_store_idx %arg7[%add3A_1715], %broadcast_in_dim3A_10 : memref<32768xf32, #tpu.memory_space<vmem>>[vector<16xi32>], vector<16xf32>,
      %mul3A_1716 = arith.constant 512 : i32
      %mul3A_1717 = arith.muli %add3A_1224, %mul3A_1716 : i32
      %add3A_1718 = arith.constant 128 : i32
      %add3A_1719 = arith.addi %mul3A_1717, %add3A_1718 : i32
      %add3A_1720 = arith.constant 0 : i32
      %add3A_1721 = arith.addi %add3A_1719, %add3A_1720 : i32
      %get3A_1722 = arith.index_cast %add3A_1721 : i32 to index
      %get3A_1723 = tpu.vector_load %arg5[%get3A_1722] {strides = array<i32>} : memref<16384xi32, #tpu.memory_space<vmem>>, vector<16xi32>,
      %add3A_1724 = arith.constant 64 : i32
      %add3A_1725 = vector.broadcast %add3A_1724 : i32 to vector<16xi32>
      %add3A_1726 = arith.addi %mul3A_9, %add3A_1725 : vector<16xi32>
      %add3A_1727 = arith.addi %get3A_1723, %add3A_1726 : vector<16xi32>
      tpu.vector_store_idx %arg7[%add3A_1727], %broadcast_in_dim3A_10 : memref<32768xf32, #tpu.memory_space<vmem>>[vector<16xi32>], vector<16xf32>,
      %mul3A_1728 = arith.constant 512 : i32
      %mul3A_1729 = arith.muli %add3A_1224, %mul3A_1728 : i32
      %add3A_1730 = arith.constant 128 : i32
      %add3A_1731 = arith.addi %mul3A_1729, %add3A_1730 : i32
      %add3A_1732 = arith.constant 16 : i32
      %add3A_1733 = arith.addi %add3A_1731, %add3A_1732 : i32
      %get3A_1734 = arith.index_cast %add3A_1733 : i32 to index
      %get3A_1735 = tpu.vector_load %arg5[%get3A_1734] {strides = array<i32>} : memref<16384xi32, #tpu.memory_space<vmem>>, vector<16xi32>,
      %add3A_1736 = arith.constant 4160 : i32
      %add3A_1737 = vector.broadcast %add3A_1736 : i32 to vector<16xi32>
      %add3A_1738 = arith.addi %mul3A_9, %add3A_1737 : vector<16xi32>
      %add3A_1739 = arith.addi %get3A_1735, %add3A_1738 : vector<16xi32>
      tpu.vector_store_idx %arg7[%add3A_1739], %broadcast_in_dim3A_10 : memref<32768xf32, #tpu.memory_space<vmem>>[vector<16xi32>], vector<16xf32>,
      %mul3A_1740 = arith.constant 512 : i32
      %mul3A_1741 = arith.muli %add3A_1224, %mul3A_1740 : i32
      %add3A_1742 = arith.constant 128 : i32
      %add3A_1743 = arith.addi %mul3A_1741, %add3A_1742 : i32
      %add3A_1744 = arith.constant 32 : i32
      %add3A_1745 = arith.addi %add3A_1743, %add3A_1744 : i32
      %get3A_1746 = arith.index_cast %add3A_1745 : i32 to index
      %get3A_1747 = tpu.vector_load %arg5[%get3A_1746] {strides = array<i32>} : memref<16384xi32, #tpu.memory_space<vmem>>, vector<16xi32>,
      %add3A_1748 = arith.constant 8256 : i32
      %add3A_1749 = vector.broadcast %add3A_1748 : i32 to vector<16xi32>
      %add3A_1750 = arith.addi %mul3A_9, %add3A_1749 : vector<16xi32>
      %add3A_1751 = arith.addi %get3A_1747, %add3A_1750 : vector<16xi32>
      tpu.vector_store_idx %arg7[%add3A_1751], %broadcast_in_dim3A_10 : memref<32768xf32, #tpu.memory_space<vmem>>[vector<16xi32>], vector<16xf32>,
      %mul3A_1752 = arith.constant 512 : i32
      %mul3A_1753 = arith.muli %add3A_1224, %mul3A_1752 : i32
      %add3A_1754 = arith.constant 128 : i32
      %add3A_1755 = arith.addi %mul3A_1753, %add3A_1754 : i32
      %add3A_1756 = arith.constant 48 : i32
      %add3A_1757 = arith.addi %add3A_1755, %add3A_1756 : i32
      %get3A_1758 = arith.index_cast %add3A_1757 : i32 to index
      %get3A_1759 = tpu.vector_load %arg5[%get3A_1758] {strides = array<i32>} : memref<16384xi32, #tpu.memory_space<vmem>>, vector<16xi32>,
      %add3A_1760 = arith.constant 12352 : i32
      %add3A_1761 = vector.broadcast %add3A_1760 : i32 to vector<16xi32>
      %add3A_1762 = arith.addi %mul3A_9, %add3A_1761 : vector<16xi32>
      %add3A_1763 = arith.addi %get3A_1759, %add3A_1762 : vector<16xi32>
      tpu.vector_store_idx %arg7[%add3A_1763], %broadcast_in_dim3A_10 : memref<32768xf32, #tpu.memory_space<vmem>>[vector<16xi32>], vector<16xf32>,
      %mul3A_1764 = arith.constant 512 : i32
      %mul3A_1765 = arith.muli %add3A_1224, %mul3A_1764 : i32
      %add3A_1766 = arith.constant 128 : i32
      %add3A_1767 = arith.addi %mul3A_1765, %add3A_1766 : i32
      %add3A_1768 = arith.constant 64 : i32
      %add3A_1769 = arith.addi %add3A_1767, %add3A_1768 : i32
      %get3A_1770 = arith.index_cast %add3A_1769 : i32 to index
      %get3A_1771 = tpu.vector_load %arg5[%get3A_1770] {strides = array<i32>} : memref<16384xi32, #tpu.memory_space<vmem>>, vector<16xi32>,
      %add3A_1772 = arith.constant 16448 : i32
      %add3A_1773 = vector.broadcast %add3A_1772 : i32 to vector<16xi32>
      %add3A_1774 = arith.addi %mul3A_9, %add3A_1773 : vector<16xi32>
      %add3A_1775 = arith.addi %get3A_1771, %add3A_1774 : vector<16xi32>
      tpu.vector_store_idx %arg7[%add3A_1775], %broadcast_in_dim3A_10 : memref<32768xf32, #tpu.memory_space<vmem>>[vector<16xi32>], vector<16xf32>,
      %mul3A_1776 = arith.constant 512 : i32
      %mul3A_1777 = arith.muli %add3A_1224, %mul3A_1776 : i32
      %add3A_1778 = arith.constant 128 : i32
      %add3A_1779 = arith.addi %mul3A_1777, %add3A_1778 : i32
      %add3A_1780 = arith.constant 80 : i32
      %add3A_1781 = arith.addi %add3A_1779, %add3A_1780 : i32
      %get3A_1782 = arith.index_cast %add3A_1781 : i32 to index
      %get3A_1783 = tpu.vector_load %arg5[%get3A_1782] {strides = array<i32>} : memref<16384xi32, #tpu.memory_space<vmem>>, vector<16xi32>,
      %add3A_1784 = arith.constant 20544 : i32
      %add3A_1785 = vector.broadcast %add3A_1784 : i32 to vector<16xi32>
      %add3A_1786 = arith.addi %mul3A_9, %add3A_1785 : vector<16xi32>
      %add3A_1787 = arith.addi %get3A_1783, %add3A_1786 : vector<16xi32>
      tpu.vector_store_idx %arg7[%add3A_1787], %broadcast_in_dim3A_10 : memref<32768xf32, #tpu.memory_space<vmem>>[vector<16xi32>], vector<16xf32>,
      %mul3A_1788 = arith.constant 512 : i32
      %mul3A_1789 = arith.muli %add3A_1224, %mul3A_1788 : i32
      %add3A_1790 = arith.constant 128 : i32
      %add3A_1791 = arith.addi %mul3A_1789, %add3A_1790 : i32
      %add3A_1792 = arith.constant 96 : i32
      %add3A_1793 = arith.addi %add3A_1791, %add3A_1792 : i32
      %get3A_1794 = arith.index_cast %add3A_1793 : i32 to index
      %get3A_1795 = tpu.vector_load %arg5[%get3A_1794] {strides = array<i32>} : memref<16384xi32, #tpu.memory_space<vmem>>, vector<16xi32>,
      %add3A_1796 = arith.constant 24640 : i32
      %add3A_1797 = vector.broadcast %add3A_1796 : i32 to vector<16xi32>
      %add3A_1798 = arith.addi %mul3A_9, %add3A_1797 : vector<16xi32>
      %add3A_1799 = arith.addi %get3A_1795, %add3A_1798 : vector<16xi32>
      tpu.vector_store_idx %arg7[%add3A_1799], %broadcast_in_dim3A_10 : memref<32768xf32, #tpu.memory_space<vmem>>[vector<16xi32>], vector<16xf32>,
      %mul3A_1800 = arith.constant 512 : i32
      %mul3A_1801 = arith.muli %add3A_1224, %mul3A_1800 : i32
      %add3A_1802 = arith.constant 128 : i32
      %add3A_1803 = arith.addi %mul3A_1801, %add3A_1802 : i32
      %add3A_1804 = arith.constant 112 : i32
      %add3A_1805 = arith.addi %add3A_1803, %add3A_1804 : i32
      %get3A_1806 = arith.index_cast %add3A_1805 : i32 to index
      %get3A_1807 = tpu.vector_load %arg5[%get3A_1806] {strides = array<i32>} : memref<16384xi32, #tpu.memory_space<vmem>>, vector<16xi32>,
      %add3A_1808 = arith.constant 28736 : i32
      %add3A_1809 = vector.broadcast %add3A_1808 : i32 to vector<16xi32>
      %add3A_1810 = arith.addi %mul3A_9, %add3A_1809 : vector<16xi32>
      %add3A_1811 = arith.addi %get3A_1807, %add3A_1810 : vector<16xi32>
      tpu.vector_store_idx %arg7[%add3A_1811], %broadcast_in_dim3A_10 : memref<32768xf32, #tpu.memory_space<vmem>>[vector<16xi32>], vector<16xf32>,
      %mul3A_1812 = arith.constant 512 : i32
      %mul3A_1813 = arith.muli %add3A_1224, %mul3A_1812 : i32
      %add3A_1814 = arith.constant 256 : i32
      %add3A_1815 = arith.addi %mul3A_1813, %add3A_1814 : i32
      %add3A_1816 = arith.constant 0 : i32
      %add3A_1817 = arith.addi %add3A_1815, %add3A_1816 : i32
      %get3A_1818 = arith.index_cast %add3A_1817 : i32 to index
      %get3A_1819 = tpu.vector_load %arg5[%get3A_1818] {strides = array<i32>} : memref<16384xi32, #tpu.memory_space<vmem>>, vector<16xi32>,
      %add3A_1820 = arith.constant 128 : i32
      %add3A_1821 = vector.broadcast %add3A_1820 : i32 to vector<16xi32>
      %add3A_1822 = arith.addi %mul3A_9, %add3A_1821 : vector<16xi32>
      %add3A_1823 = arith.addi %get3A_1819, %add3A_1822 : vector<16xi32>
      tpu.vector_store_idx %arg7[%add3A_1823], %broadcast_in_dim3A_10 : memref<32768xf32, #tpu.memory_space<vmem>>[vector<16xi32>], vector<16xf32>,
      %mul3A_1824 = arith.constant 512 : i32
      %mul3A_1825 = arith.muli %add3A_1224, %mul3A_1824 : i32
      %add3A_1826 = arith.constant 256 : i32
      %add3A_1827 = arith.addi %mul3A_1825, %add3A_1826 : i32
      %add3A_1828 = arith.constant 16 : i32
      %add3A_1829 = arith.addi %add3A_1827, %add3A_1828 : i32
      %get3A_1830 = arith.index_cast %add3A_1829 : i32 to index
      %get3A_1831 = tpu.vector_load %arg5[%get3A_1830] {strides = array<i32>} : memref<16384xi32, #tpu.memory_space<vmem>>, vector<16xi32>,
      %add3A_1832 = arith.constant 4224 : i32
      %add3A_1833 = vector.broadcast %add3A_1832 : i32 to vector<16xi32>
      %add3A_1834 = arith.addi %mul3A_9, %add3A_1833 : vector<16xi32>
      %add3A_1835 = arith.addi %get3A_1831, %add3A_1834 : vector<16xi32>
      tpu.vector_store_idx %arg7[%add3A_1835], %broadcast_in_dim3A_10 : memref<32768xf32, #tpu.memory_space<vmem>>[vector<16xi32>], vector<16xf32>,
      %mul3A_1836 = arith.constant 512 : i32
      %mul3A_1837 = arith.muli %add3A_1224, %mul3A_1836 : i32
      %add3A_1838 = arith.constant 256 : i32
      %add3A_1839 = arith.addi %mul3A_1837, %add3A_1838 : i32
      %add3A_1840 = arith.constant 32 : i32
      %add3A_1841 = arith.addi %add3A_1839, %add3A_1840 : i32
      %get3A_1842 = arith.index_cast %add3A_1841 : i32 to index
      %get3A_1843 = tpu.vector_load %arg5[%get3A_1842] {strides = array<i32>} : memref<16384xi32, #tpu.memory_space<vmem>>, vector<16xi32>,
      %add3A_1844 = arith.constant 8320 : i32
      %add3A_1845 = vector.broadcast %add3A_1844 : i32 to vector<16xi32>
      %add3A_1846 = arith.addi %mul3A_9, %add3A_1845 : vector<16xi32>
      %add3A_1847 = arith.addi %get3A_1843, %add3A_1846 : vector<16xi32>
      tpu.vector_store_idx %arg7[%add3A_1847], %broadcast_in_dim3A_10 : memref<32768xf32, #tpu.memory_space<vmem>>[vector<16xi32>], vector<16xf32>,
      %mul3A_1848 = arith.constant 512 : i32
      %mul3A_1849 = arith.muli %add3A_1224, %mul3A_1848 : i32
      %add3A_1850 = arith.constant 256 : i32
      %add3A_1851 = arith.addi %mul3A_1849, %add3A_1850 : i32
      %add3A_1852 = arith.constant 48 : i32
      %add3A_1853 = arith.addi %add3A_1851, %add3A_1852 : i32
      %get3A_1854 = arith.index_cast %add3A_1853 : i32 to index
      %get3A_1855 = tpu.vector_load %arg5[%get3A_1854] {strides = array<i32>} : memref<16384xi32, #tpu.memory_space<vmem>>, vector<16xi32>,
      %add3A_1856 = arith.constant 12416 : i32
      %add3A_1857 = vector.broadcast %add3A_1856 : i32 to vector<16xi32>
      %add3A_1858 = arith.addi %mul3A_9, %add3A_1857 : vector<16xi32>
      %add3A_1859 = arith.addi %get3A_1855, %add3A_1858 : vector<16xi32>
      tpu.vector_store_idx %arg7[%add3A_1859], %broadcast_in_dim3A_10 : memref<32768xf32, #tpu.memory_space<vmem>>[vector<16xi32>], vector<16xf32>,
      %mul3A_1860 = arith.constant 512 : i32
      %mul3A_1861 = arith.muli %add3A_1224, %mul3A_1860 : i32
      %add3A_1862 = arith.constant 256 : i32
      %add3A_1863 = arith.addi %mul3A_1861, %add3A_1862 : i32
      %add3A_1864 = arith.constant 64 : i32
      %add3A_1865 = arith.addi %add3A_1863, %add3A_1864 : i32
      %get3A_1866 = arith.index_cast %add3A_1865 : i32 to index
      %get3A_1867 = tpu.vector_load %arg5[%get3A_1866] {strides = array<i32>} : memref<16384xi32, #tpu.memory_space<vmem>>, vector<16xi32>,
      %add3A_1868 = arith.constant 16512 : i32
      %add3A_1869 = vector.broadcast %add3A_1868 : i32 to vector<16xi32>
      %add3A_1870 = arith.addi %mul3A_9, %add3A_1869 : vector<16xi32>
      %add3A_1871 = arith.addi %get3A_1867, %add3A_1870 : vector<16xi32>
      tpu.vector_store_idx %arg7[%add3A_1871], %broadcast_in_dim3A_10 : memref<32768xf32, #tpu.memory_space<vmem>>[vector<16xi32>], vector<16xf32>,
      %mul3A_1872 = arith.constant 512 : i32
      %mul3A_1873 = arith.muli %add3A_1224, %mul3A_1872 : i32
      %add3A_1874 = arith.constant 256 : i32
      %add3A_1875 = arith.addi %mul3A_1873, %add3A_1874 : i32
      %add3A_1876 = arith.constant 80 : i32
      %add3A_1877 = arith.addi %add3A_1875, %add3A_1876 : i32
      %get3A_1878 = arith.index_cast %add3A_1877 : i32 to index
      %get3A_1879 = tpu.vector_load %arg5[%get3A_1878] {strides = array<i32>} : memref<16384xi32, #tpu.memory_space<vmem>>, vector<16xi32>,
      %add3A_1880 = arith.constant 20608 : i32
      %add3A_1881 = vector.broadcast %add3A_1880 : i32 to vector<16xi32>
      %add3A_1882 = arith.addi %mul3A_9, %add3A_1881 : vector<16xi32>
      %add3A_1883 = arith.addi %get3A_1879, %add3A_1882 : vector<16xi32>
      tpu.vector_store_idx %arg7[%add3A_1883], %broadcast_in_dim3A_10 : memref<32768xf32, #tpu.memory_space<vmem>>[vector<16xi32>], vector<16xf32>,
      %mul3A_1884 = arith.constant 512 : i32
      %mul3A_1885 = arith.muli %add3A_1224, %mul3A_1884 : i32
      %add3A_1886 = arith.constant 256 : i32
      %add3A_1887 = arith.addi %mul3A_1885, %add3A_1886 : i32
      %add3A_1888 = arith.constant 96 : i32
      %add3A_1889 = arith.addi %add3A_1887, %add3A_1888 : i32
      %get3A_1890 = arith.index_cast %add3A_1889 : i32 to index
      %get3A_1891 = tpu.vector_load %arg5[%get3A_1890] {strides = array<i32>} : memref<16384xi32, #tpu.memory_space<vmem>>, vector<16xi32>,
      %add3A_1892 = arith.constant 24704 : i32
      %add3A_1893 = vector.broadcast %add3A_1892 : i32 to vector<16xi32>
      %add3A_1894 = arith.addi %mul3A_9, %add3A_1893 : vector<16xi32>
      %add3A_1895 = arith.addi %get3A_1891, %add3A_1894 : vector<16xi32>
      tpu.vector_store_idx %arg7[%add3A_1895], %broadcast_in_dim3A_10 : memref<32768xf32, #tpu.memory_space<vmem>>[vector<16xi32>], vector<16xf32>,
      %mul3A_1896 = arith.constant 512 : i32
      %mul3A_1897 = arith.muli %add3A_1224, %mul3A_1896 : i32
      %add3A_1898 = arith.constant 256 : i32
      %add3A_1899 = arith.addi %mul3A_1897, %add3A_1898 : i32
      %add3A_1900 = arith.constant 112 : i32
      %add3A_1901 = arith.addi %add3A_1899, %add3A_1900 : i32
      %get3A_1902 = arith.index_cast %add3A_1901 : i32 to index
      %get3A_1903 = tpu.vector_load %arg5[%get3A_1902] {strides = array<i32>} : memref<16384xi32, #tpu.memory_space<vmem>>, vector<16xi32>,
      %add3A_1904 = arith.constant 28800 : i32
      %add3A_1905 = vector.broadcast %add3A_1904 : i32 to vector<16xi32>
      %add3A_1906 = arith.addi %mul3A_9, %add3A_1905 : vector<16xi32>
      %add3A_1907 = arith.addi %get3A_1903, %add3A_1906 : vector<16xi32>
      tpu.vector_store_idx %arg7[%add3A_1907], %broadcast_in_dim3A_10 : memref<32768xf32, #tpu.memory_space<vmem>>[vector<16xi32>], vector<16xf32>,
      %mul3A_1908 = arith.constant 512 : i32
      %mul3A_1909 = arith.muli %add3A_1224, %mul3A_1908 : i32
      %add3A_1910 = arith.constant 384 : i32
      %add3A_1911 = arith.addi %mul3A_1909, %add3A_1910 : i32
      %add3A_1912 = arith.constant 0 : i32
      %add3A_1913 = arith.addi %add3A_1911, %add3A_1912 : i32
      %get3A_1914 = arith.index_cast %add3A_1913 : i32 to index
      %get3A_1915 = tpu.vector_load %arg5[%get3A_1914] {strides = array<i32>} : memref<16384xi32, #tpu.memory_space<vmem>>, vector<16xi32>,
      %add3A_1916 = arith.constant 192 : i32
      %add3A_1917 = vector.broadcast %add3A_1916 : i32 to vector<16xi32>
      %add3A_1918 = arith.addi %mul3A_9, %add3A_1917 : vector<16xi32>
      %add3A_1919 = arith.addi %get3A_1915, %add3A_1918 : vector<16xi32>
      tpu.vector_store_idx %arg7[%add3A_1919], %broadcast_in_dim3A_10 : memref<32768xf32, #tpu.memory_space<vmem>>[vector<16xi32>], vector<16xf32>,
      %mul3A_1920 = arith.constant 512 : i32
      %mul3A_1921 = arith.muli %add3A_1224, %mul3A_1920 : i32
      %add3A_1922 = arith.constant 384 : i32
      %add3A_1923 = arith.addi %mul3A_1921, %add3A_1922 : i32
      %add3A_1924 = arith.constant 16 : i32
      %add3A_1925 = arith.addi %add3A_1923, %add3A_1924 : i32
      %get3A_1926 = arith.index_cast %add3A_1925 : i32 to index
      %get3A_1927 = tpu.vector_load %arg5[%get3A_1926] {strides = array<i32>} : memref<16384xi32, #tpu.memory_space<vmem>>, vector<16xi32>,
      %add3A_1928 = arith.constant 4288 : i32
      %add3A_1929 = vector.broadcast %add3A_1928 : i32 to vector<16xi32>
      %add3A_1930 = arith.addi %mul3A_9, %add3A_1929 : vector<16xi32>
      %add3A_1931 = arith.addi %get3A_1927, %add3A_1930 : vector<16xi32>
      tpu.vector_store_idx %arg7[%add3A_1931], %broadcast_in_dim3A_10 : memref<32768xf32, #tpu.memory_space<vmem>>[vector<16xi32>], vector<16xf32>,
      %mul3A_1932 = arith.constant 512 : i32
      %mul3A_1933 = arith.muli %add3A_1224, %mul3A_1932 : i32
      %add3A_1934 = arith.constant 384 : i32
      %add3A_1935 = arith.addi %mul3A_1933, %add3A_1934 : i32
      %add3A_1936 = arith.constant 32 : i32
      %add3A_1937 = arith.addi %add3A_1935, %add3A_1936 : i32
      %get3A_1938 = arith.index_cast %add3A_1937 : i32 to index
      %get3A_1939 = tpu.vector_load %arg5[%get3A_1938] {strides = array<i32>} : memref<16384xi32, #tpu.memory_space<vmem>>, vector<16xi32>,
      %add3A_1940 = arith.constant 8384 : i32
      %add3A_1941 = vector.broadcast %add3A_1940 : i32 to vector<16xi32>
      %add3A_1942 = arith.addi %mul3A_9, %add3A_1941 : vector<16xi32>
      %add3A_1943 = arith.addi %get3A_1939, %add3A_1942 : vector<16xi32>
      tpu.vector_store_idx %arg7[%add3A_1943], %broadcast_in_dim3A_10 : memref<32768xf32, #tpu.memory_space<vmem>>[vector<16xi32>], vector<16xf32>,
      %mul3A_1944 = arith.constant 512 : i32
      %mul3A_1945 = arith.muli %add3A_1224, %mul3A_1944 : i32
      %add3A_1946 = arith.constant 384 : i32
      %add3A_1947 = arith.addi %mul3A_1945, %add3A_1946 : i32
      %add3A_1948 = arith.constant 48 : i32
      %add3A_1949 = arith.addi %add3A_1947, %add3A_1948 : i32
      %get3A_1950 = arith.index_cast %add3A_1949 : i32 to index
      %get3A_1951 = tpu.vector_load %arg5[%get3A_1950] {strides = array<i32>} : memref<16384xi32, #tpu.memory_space<vmem>>, vector<16xi32>,
      %add3A_1952 = arith.constant 12480 : i32
      %add3A_1953 = vector.broadcast %add3A_1952 : i32 to vector<16xi32>
      %add3A_1954 = arith.addi %mul3A_9, %add3A_1953 : vector<16xi32>
      %add3A_1955 = arith.addi %get3A_1951, %add3A_1954 : vector<16xi32>
      tpu.vector_store_idx %arg7[%add3A_1955], %broadcast_in_dim3A_10 : memref<32768xf32, #tpu.memory_space<vmem>>[vector<16xi32>], vector<16xf32>,
      %mul3A_1956 = arith.constant 512 : i32
      %mul3A_1957 = arith.muli %add3A_1224, %mul3A_1956 : i32
      %add3A_1958 = arith.constant 384 : i32
      %add3A_1959 = arith.addi %mul3A_1957, %add3A_1958 : i32
      %add3A_1960 = arith.constant 64 : i32
      %add3A_1961 = arith.addi %add3A_1959, %add3A_1960 : i32
      %get3A_1962 = arith.index_cast %add3A_1961 : i32 to index
      %get3A_1963 = tpu.vector_load %arg5[%get3A_1962] {strides = array<i32>} : memref<16384xi32, #tpu.memory_space<vmem>>, vector<16xi32>,
      %add3A_1964 = arith.constant 16576 : i32
      %add3A_1965 = vector.broadcast %add3A_1964 : i32 to vector<16xi32>
      %add3A_1966 = arith.addi %mul3A_9, %add3A_1965 : vector<16xi32>
      %add3A_1967 = arith.addi %get3A_1963, %add3A_1966 : vector<16xi32>
      tpu.vector_store_idx %arg7[%add3A_1967], %broadcast_in_dim3A_10 : memref<32768xf32, #tpu.memory_space<vmem>>[vector<16xi32>], vector<16xf32>,
      %mul3A_1968 = arith.constant 512 : i32
      %mul3A_1969 = arith.muli %add3A_1224, %mul3A_1968 : i32
      %add3A_1970 = arith.constant 384 : i32
      %add3A_1971 = arith.addi %mul3A_1969, %add3A_1970 : i32
      %add3A_1972 = arith.constant 80 : i32
      %add3A_1973 = arith.addi %add3A_1971, %add3A_1972 : i32
      %get3A_1974 = arith.index_cast %add3A_1973 : i32 to index
      %get3A_1975 = tpu.vector_load %arg5[%get3A_1974] {strides = array<i32>} : memref<16384xi32, #tpu.memory_space<vmem>>, vector<16xi32>,
      %add3A_1976 = arith.constant 20672 : i32
      %add3A_1977 = vector.broadcast %add3A_1976 : i32 to vector<16xi32>
      %add3A_1978 = arith.addi %mul3A_9, %add3A_1977 : vector<16xi32>
      %add3A_1979 = arith.addi %get3A_1975, %add3A_1978 : vector<16xi32>
      tpu.vector_store_idx %arg7[%add3A_1979], %broadcast_in_dim3A_10 : memref<32768xf32, #tpu.memory_space<vmem>>[vector<16xi32>], vector<16xf32>,
      %mul3A_1980 = arith.constant 512 : i32
      %mul3A_1981 = arith.muli %add3A_1224, %mul3A_1980 : i32
      %add3A_1982 = arith.constant 384 : i32
      %add3A_1983 = arith.addi %mul3A_1981, %add3A_1982 : i32
      %add3A_1984 = arith.constant 96 : i32
      %add3A_1985 = arith.addi %add3A_1983, %add3A_1984 : i32
      %get3A_1986 = arith.index_cast %add3A_1985 : i32 to index
      %get3A_1987 = tpu.vector_load %arg5[%get3A_1986] {strides = array<i32>} : memref<16384xi32, #tpu.memory_space<vmem>>, vector<16xi32>,
      %add3A_1988 = arith.constant 24768 : i32
      %add3A_1989 = vector.broadcast %add3A_1988 : i32 to vector<16xi32>
      %add3A_1990 = arith.addi %mul3A_9, %add3A_1989 : vector<16xi32>
      %add3A_1991 = arith.addi %get3A_1987, %add3A_1990 : vector<16xi32>
      tpu.vector_store_idx %arg7[%add3A_1991], %broadcast_in_dim3A_10 : memref<32768xf32, #tpu.memory_space<vmem>>[vector<16xi32>], vector<16xf32>,
      %mul3A_1992 = arith.constant 512 : i32
      %mul3A_1993 = arith.muli %add3A_1224, %mul3A_1992 : i32
      %add3A_1994 = arith.constant 384 : i32
      %add3A_1995 = arith.addi %mul3A_1993, %add3A_1994 : i32
      %add3A_1996 = arith.constant 112 : i32
      %add3A_1997 = arith.addi %add3A_1995, %add3A_1996 : i32
      %get3A_1998 = arith.index_cast %add3A_1997 : i32 to index
      %get3A_1999 = tpu.vector_load %arg5[%get3A_1998] {strides = array<i32>} : memref<16384xi32, #tpu.memory_space<vmem>>, vector<16xi32>,
      %add3A_2000 = arith.constant 28864 : i32
      %add3A_2001 = vector.broadcast %add3A_2000 : i32 to vector<16xi32>
      %add3A_2002 = arith.addi %mul3A_9, %add3A_2001 : vector<16xi32>
      %add3A_2003 = arith.addi %get3A_1999, %add3A_2002 : vector<16xi32>
      tpu.vector_store_idx %arg7[%add3A_2003], %broadcast_in_dim3A_10 : memref<32768xf32, #tpu.memory_space<vmem>>[vector<16xi32>], vector<16xf32>,
      %add3A_2004 = arith.addi %mul3A_2, %add3A_1224 : i32
      %dma_start3A_2005 = arith.constant 0 : i32
      %dma_start3A_2006 = tpu.memref_slice %arg4[%add3A_2004, %dma_start3A_2005] : memref<1024x32768xf32, #tpu.memory_space<hbm>> -> memref<1x32768xf32, #tpu.memory_space<hbm>>
      %dma_start3A_2007 = tpu.memref_squeeze %dma_start3A_2006 : memref<1x32768xf32, #tpu.memory_space<hbm>> -> memref<32768xf32, #tpu.memory_space<hbm>>
      %dma_start3A_2008 = arith.constant 0 : i32
      %dma_start3A_2009 = tpu.memref_slice %arg4[%add3A_2004, %dma_start3A_2008] : memref<1024x32768xf32, #tpu.memory_space<hbm>> -> memref<1x32768xf32, #tpu.memory_space<hbm>>
      %dma_start3A_2010 = tpu.memref_squeeze %dma_start3A_2009 : memref<1x32768xf32, #tpu.memory_space<hbm>> -> memref<32768xf32, #tpu.memory_space<hbm>>
      tpu.enqueue_dma source(%arg7 : memref<32768xf32, #tpu.memory_space<vmem>>) target(%dma_start3A_2010 : memref<32768xf32, #tpu.memory_space<hbm>>) target_semaphore(%arg9 : memref<!tpu.dma_semaphore, #tpu.memory_space<semaphore_mem>>)
    }
    %scan3A_416 = arith.constant 15 : i32
    %add3A_417 = arith.constant 30 : i32
    %add3A_418 = arith.addi %mul3A_2, %add3A_417 : i32
    %dma_wait3A_419 = arith.constant 0 : i32
    %dma_wait3A_420 = tpu.memref_slice %arg4[%add3A_418, %dma_wait3A_419] : memref<1024x32768xf32, #tpu.memory_space<hbm>> -> memref<1x32768xf32, #tpu.memory_space<hbm>>
    %dma_wait3A_421 = tpu.memref_squeeze %dma_wait3A_420 : memref<1x32768xf32, #tpu.memory_space<hbm>> -> memref<32768xf32, #tpu.memory_space<hbm>>
    %dma_wait3A_422 = arith.constant 0 : i32
    %dma_wait3A_423 = tpu.memref_slice %arg4[%add3A_418, %dma_wait3A_422] : memref<1024x32768xf32, #tpu.memory_space<hbm>> -> memref<1x32768xf32, #tpu.memory_space<hbm>>
    %dma_wait3A_424 = tpu.memref_squeeze %dma_wait3A_423 : memref<1x32768xf32, #tpu.memory_space<hbm>> -> memref<32768xf32, #tpu.memory_space<hbm>>
    tpu.wait_dma2 semaphore(%arg8 : memref<!tpu.dma_semaphore, #tpu.memory_space<semaphore_mem>>) src(%arg6 : memref<32768xf32, #tpu.memory_space<vmem>>) dst(%dma_wait3A_424 : memref<32768xf32, #tpu.memory_space<hbm>>)
    %add3A_425 = arith.constant 31 : i32
    %add3A_426 = arith.addi %mul3A_2, %add3A_425 : i32
    %dma_wait3A_427 = arith.constant 0 : i32
    %dma_wait3A_428 = tpu.memref_slice %arg4[%add3A_426, %dma_wait3A_427] : memref<1024x32768xf32, #tpu.memory_space<hbm>> -> memref<1x32768xf32, #tpu.memory_space<hbm>>
    %dma_wait3A_429 = tpu.memref_squeeze %dma_wait3A_428 : memref<1x32768xf32, #tpu.memory_space<hbm>> -> memref<32768xf32, #tpu.memory_space<hbm>>
    %dma_wait3A_430 = arith.constant 0 : i32
    %dma_wait3A_431 = tpu.memref_slice %arg4[%add3A_426, %dma_wait3A_430] : memref<1024x32768xf32, #tpu.memory_space<hbm>> -> memref<1x32768xf32, #tpu.memory_space<hbm>>
    %dma_wait3A_432 = tpu.memref_squeeze %dma_wait3A_431 : memref<1x32768xf32, #tpu.memory_space<hbm>> -> memref<32768xf32, #tpu.memory_space<hbm>>
    tpu.wait_dma2 semaphore(%arg9 : memref<!tpu.dma_semaphore, #tpu.memory_space<semaphore_mem>>) src(%arg7 : memref<32768xf32, #tpu.memory_space<vmem>>) dst(%dma_wait3A_432 : memref<32768xf32, #tpu.memory_space<hbm>>)
    return
  }
}

</mosaic_0001>

<sc_bundles>
// kernel: kernel.3.cloned.1.call-start
scs
__scs_entry_jumppad:
0x0: {  	(pc) =	sbr.rel $0x88, $3  }
0x1: {  	(tag) =	ssettag $0x0;
	lr =	simm.s32 $0x1  }
0x2: {  	[smem:$0x3FA0] =	sst lr;
	_ =	strace $0xD0000000  }
0x3: {  	_ = 	snop  }
0x4: {  	_ = 	snop  }
0x5: {  	_ = 	snop  }
0x6: {  	_ = 	snop  }
0x7: {  	_ = 	snop  }
__scs_overlays_trampoline_lowered:
0x8: {  	[smem:$0x3FAF] =	sst s0  }
0x9: {  	[smem:$0x3FB0] =	sst s1  }
0xa: {  	[smem:$0x3FB1] =	sst s2  }
0xb: {  	[smem:$0x3FB2] =	sst s3  }
0xc: {  	[smem:$0x3FB3] =	sst s4  }
0xd: {  	[smem:$0x3FB4] =	sst s5  }
0xe: {  	[smem:$0x3FB5] =	sst s6  }
0xf: {  	[smem:$0x3FB6] =	sst s7  }
0x10: {  	[smem:$0x3FB7] =	sst s8  }
0x11: {  	[smem:$0x3FB8] =	sst s9;
	s0 =	simm.s32 @!p0 $0x0  }
0x12: {  	s1 =	sld [smem:$0x3F9E];
	s0 =	simm.s32 @p0 $0x1  }
0x13: {  	[smem:$0x3FB9] =	sst s0;
	s0 =	simm.s32 @!p1 $0x0  }
0x14: {  	s2 =	sld [smem:$0x3F9D];
	s0 =	simm.s32 @p1 $0x1  }
0x15: {  	[smem:$0x3FBA] =	sst s0;
	s0 =	simm.s32 @!p2 $0x0  }
0x16: {  	s3 =	sld [smem:$0x3FDB];
	s0 =	simm.s32 @p2 $0x1  }
0x17: {  	s4 =	simm.s32 $0x1BF5;
	[smem:$0x3FBC] =	sst s0  }
0x18: {  	s0 =	sld [smem:$0x3F9F];
	_ =	swait.ge [sflag:s4], $0x0  }
0x19: {  	s7 =	sld [smem:$0x3FA0]  }
0x1a: {  	s8 =	sadd.s32 $0xFFFFE003, lr  }
0x1b: {  	s9 =	sadd.s32 $0xFFFFFEF7, lr;
	s5 =	simm.s32 $0xFFFFFFFF;
	p2 =	slt.u32 s8, $0xFFFFF086  }
0x1c: {  	p1 =	slt.u32 s9, $0xF7A;
	s5 =	simm.s32 @!p2 $0x0  }
0x1d: {  	s5 =	simm.s32 @p1 $0x1;
	p0 =	seq.s32 s7, s2  }
0x1e: {  	s7 =	smul.u32 @!p0 $0xF7A, s2;
	p2 =	seq.s32 @!p0 s5, $0x0  }
0x1f: {  	s9 =	smul.u32 $0xF7A, s1;
	s8 =	simm.s32 @!p0 $0x1BF5;
	p2 =	por !p2, p0  }
0x20: {  	[sflag:s8] =	ssyncset.s32 @!p0 $0xFFFFF086;
	s6 =	sadd.s32 @!p0 s3, s7;
	s7 =	simm.s32 @!p0 $0x108  }
0x21: {  	s3 =	sadd.s32 s3, s9;
	s6 =	sadd.s32 @!p0 $0x88, s6;
	s7 =	simm.s32 @p2 $0x1082  }
0x22: {  	[simem:s7], [sflag:s8] =	dma.local @!p0 [hbm:s6], $0xF7A  }
0x23: {  	s9 =	sor.u32 $0xD0000000, s2;
	s6 =	simm.s32 $0x108;
	_ =	swait.ge @!p0 [sflag:s8], $0x0  }
0x24: {  	s3 =	sadd.s32 $0x88, s3;
	s6 =	simm.s32 @!p1 $0x1082;
	[sflag:s4] =	ssyncset.s32 $0xFFFFF086  }
0x25: {  	[simem:s6], [sflag:s4] =	dma.local [hbm:s3], $0xF7A  }
0x26: {  	[smem:$0x3FA0] =	sst s1;
	(tag) =	ssettag s2;
	_ =	strace s9  }
0x27: {  	s1 =	sld [smem:$0x3FB0]  }
0x28: {  	s2 =	sld [smem:$0x3FB1]  }
0x29: {  	s4 =	sld [smem:$0x3FB3]  }
0x2a: {  	p0 =	seq.s32 s5, $0x0;
	s5 =	sld [smem:$0x3FB4]  }
0x2b: {  	s6 =	sld [smem:$0x3FB5]  }
0x2c: {  	s7 =	sld [smem:$0x3FB6]  }
0x2d: {  	s3 =	simm.s32 $0x108;
	s8 =	sld [smem:$0x3FB7]  }
0x2e: {  	s3 =	simm.s32 @!p0 $0x1082;
	s9 =	sld [smem:$0x3FB8]  }
0x2f: {  	lr =	sadd.s32 s0, s3;
	s0 =	sld [smem:$0x3FAF]  }
0x30: {  	s3 =	sld [smem:$0x3FB2]  }
0x31: {  	[smem:$0x3FBB] =	sst s10  }
0x32: {  	s10 =	sld [smem:$0x3FB9];
	_ =	sdelay $0x3  }
0x33: {  	p0 =	seq.s32 s10, $0x1;
	s10 =	sld [smem:$0x3FBB];
	_ =	sdelay $0x3  }
0x34: {  	[smem:$0x3FBB] =	sst s10  }
0x35: {  	s10 =	sld [smem:$0x3FBA];
	_ =	sdelay $0x3  }
0x36: {  	p1 =	seq.s32 s10, $0x1;
	s10 =	sld [smem:$0x3FBB];
	_ =	sdelay $0x3  }
0x37: {  	[smem:$0x3FBB] =	sst s10  }
0x38: {  	s10 =	sld [smem:$0x3FBC]  }
0x39: {  	_ = 	snop;
	(pc) =	sbr.ind lr, $3  }
0x3a: {  	_ = 	snop  }
0x3b: {  	_ = 	snop  }
0x3c: {  	p2 =	seq.s32 s10, $0x1;
	s10 =	sld [smem:$0x3FBB]  }
0x3d: {  	_ =	shalt  }
0x3e: {  	_ =	shalt  }
0x3f: {  	_ =	shalt  }
0x40: {  	_ =	shalt  }
0x41: {  	_ =	shalt  }
0x42: {  	_ =	shalt  }
0x43: {  	_ =	shalt  }
0x44: {  	_ =	shalt  }
0x45: {  	_ =	shalt  }
0x46: {  	_ =	shalt  }
0x47: {  	_ =	shalt  }
0x48: {  	_ =	shalt  }
0x49: {  	_ =	shalt  }
0x4a: {  	_ =	shalt  }
0x4b: {  	_ =	shalt  }
0x4c: {  	_ =	shalt  }
0x4d: {  	_ =	shalt  }
0x4e: {  	_ =	shalt  }
0x4f: {  	_ =	shalt  }
0x50: {  	_ =	shalt  }
0x51: {  	_ =	shalt  }
0x52: {  	_ =	shalt  }
0x53: {  	_ =	shalt  }
0x54: {  	_ =	shalt  }
0x55: {  	_ =	shalt  }
0x56: {  	_ =	shalt  }
0x57: {  	_ =	shalt  }
0x58: {  	_ =	shalt  }
0x59: {  	_ =	shalt  }
0x5a: {  	_ =	shalt  }
0x5b: {  	_ =	shalt  }
0x5c: {  	_ =	shalt  }
0x5d: {  	_ =	shalt  }
0x5e: {  	_ =	shalt  }
0x5f: {  	_ =	shalt  }
0x60: {  	_ =	shalt  }
0x61: {  	_ =	shalt  }
0x62: {  	_ =	shalt  }
0x63: {  	_ =	shalt  }
0x64: {  	_ =	shalt  }
0x65: {  	_ =	shalt  }
0x66: {  	_ =	shalt  }
0x67: {  	_ =	shalt  }
0x68: {  	_ =	shalt  }
0x69: {  	_ =	shalt  }
0x6a: {  	_ =	shalt  }
0x6b: {  	_ =	shalt  }
0x6c: {  	_ =	shalt  }
0x6d: {  	_ =	shalt  }
0x6e: {  	_ =	shalt  }
0x6f: {  	_ =	shalt  }
0x70: {  	_ =	shalt  }
0x71: {  	_ =	shalt  }
0x72: {  	_ =	shalt  }
0x73: {  	_ =	shalt  }
0x74: {  	_ =	shalt  }
0x75: {  	_ =	shalt  }
0x76: {  	_ =	shalt  }
0x77: {  	_ =	shalt  }
0x78: {  	_ =	shalt  }
0x79: {  	_ =	shalt  }
0x7a: {  	_ =	shalt  }
0x7b: {  	_ =	shalt  }
0x7c: {  	_ =	shalt  }
0x7d: {  	_ =	shalt  }
0x7e: {  	_ =	shalt  }
0x7f: {  	_ =	shalt  }
0x80: {  	_ =	shalt  }
0x81: {  	_ =	shalt  }
0x82: {  	_ =	shalt  }
0x83: {  	_ =	shalt  }
0x84: {  	_ =	shalt  }
0x85: {  	_ =	shalt  }
0x86: {  	_ =	shalt  }
0x87: {  	_ =	shalt  }
.Lfunc_end0:
.L_simem_size_0:
called_computation.1_lowered:
.L_overlay_start_0:
0x88: {  	s2 =	sld [smem:$0x3FD9]  }
0x89: {  	s3 =	sld [smem:$0x3FFE];
	_ =	sdelay $0x1  }
0x8a: {  	s1 =	srdreg.scid  }
0x8b: {  	s0 =	sand.u32 $0x1, s1  }
0x8c: {  	s17 =	sshll.u32 s0, $0xA;
	s2 =	sadd.s32 s3, s2  }
0x8d: {  	s2 =	sadd.s32 s2, s17  }
0x8e: {  	[smem:$0x3FC7] =	sst s2  }
0x8f: {  	_ = 	snop  }
0x90: {  	s2 =	sld [smem:$0x3FC9]  }
0x91: {  	s18 =	sld [smem:$0x3FD0];
	(tm) =	ssettm $0x1  }
0x92: {  	s4 =	sld [smem:$0x3FFB];
	_ =	sdelay $0x3  }
0x93: {  	_ =	strace s4  }
0x94: {  	s4 =	sld [smem:$0x3FFC];
	_ =	sdelay $0x3  }
0x95: {  	_ =	strace s4  }
0x96: {  	s4 =	sld [smem:$0x3FFD];
	_ =	sdelay $0x3  }
0x97: {  	_ =	strace s4  }
0x98: {  	_ =	strace $0x8FFFFFFF  }
0x99: {  	s19 =	sld [smem:$0x3FDB];
	_ =	sdelay $0x1  }
0x9a: {  	s5 =	simm.s32 $_scs_section_size  }
0x9b: {  	s6 =	simm.s32 $_size__tile_overlayer_lowered;
	s7 =	simm.s32 $_tile_overlayer_lowered  }
0x9c: {  	s22 =	simm.s32 $0x1BFF;
	s21 =	sshll.u32 s7, $0x1;
	s4 =	sadd.s32 s5, s19  }
0x9d: {  	s8 =	simm.s32 $0x0;
	s20 =	sshll.u32 s6, $0x1;
	s6 =	sadd.s32 s21, s4  }
0x9e: {  	[timem:s8], [sflag:s22] =	dma.local [hbm:s6], s20  }
0x9f: {  	_ =	swait.ge [sflag:s22], s20  }
0xa0: {  	s5 =	ssub.s32 $0x0, s20;
	[sflag:s22] =	ssyncset.done $0x0  }
0xa1: {  	[sflag:s22] =	ssyncadd.s32 s5;
	_ =	sdelay $0x1  }
0xa2: {  	s23 =	simm.s32 $0x1B8B  }
0xa3: {  	_ =	swait.ge [sflag:s23], $0x1  }
0xa4: {  	[sflag:s23] =	ssyncset.done $0x0  }
0xa5: {  	s25 =	simm.s32 $0x1B8E;
	s24 =	sld [smem:$0x3FFE];
	[sflag:s23] =	ssyncadd.s32 $0xFFFFFFFF  }
0xa6: {  	s26 =	simm.s32 $execute0_lowered;
	[smem:$0x3FD2] =	sst s25  }
0xa7: {  	s6 =	sshll.u32 s26, $0x1;
	_ =	strace $0x80000046;
	[dreg:$0x1] =	wrdreg $0xFFFFFFFF  }
0xa8: {  	s28 =	simm.s32 $_size_execute0_lowered;
	s4 =	sadd.s32 s4, s6;
	[dreg:$0x0] =	wrdreg $0x0  }
0xa9: {  	s6 =	sshll.u32 s28, $0x1;
	[dreg:$0x2] =	wrdreg s4  }
0xaa: {  	[dreg:$0x3] =	wrdreg s6  }
0xab: {  	[dreg:$0x4] =	wrdreg $0xC0  }
0xac: {  	_ =	task [dreg:s8], $0x5FFFF  }
0xad: {  	[dreg:$0x1] =	wrdreg $0xFFFFFFFF  }
0xae: {  	[dreg:$0x0] =	wrdreg $0x60  }
0xaf: {  	[dreg:$0x2] =	wrdreg s2  }
0xb0: {  	[dreg:$0x3] =	wrdreg s18  }
0xb1: {  	[dreg:$0x4] =	wrdreg s24  }
0xb2: {  	[dreg:$0x5] =	wrdreg $0x9  }
0xb3: {  	_ =	task.clear_ibuf [dreg:s8], $0x6FFFF;
	_ =	strace $0x90000046  }
0xb4: {  	s29 =	simm.s32 $0x9;
	_ =	strace $0x80000048  }
0xb5: {  	_ =	swait.ge [sflag:s29], $0x1  }
0xb6: {  	[sflag:s29] =	ssyncadd.s32 $0xFFFFFFFF  }
0xb7: {  	_ =	strace $0x90000048  }
0xb8: {  	_ =	sfence  }
0xb9: {  	s30 =	sld [smem:$0x0];
	_ =	sdelay $0x2  }
0xba: {  	s31 =	sshll.u32 s1, $0xD;
	s1 =	sshrl.u32 s1, $0x2  }
0xbb: {  	s3 =	sand.u32 $0x4000, s31;
	s1 =	sadd.s32 s1, s30  }
0xbc: {  	s0 =	sor.u32 s3, s0;
	s1 =	sshll.u32 s1, $0x11  }
0xbd: {  	s0 =	sor.u32 s1, s0  }
0xbe: {  	s0 =	sadd.s32 $0x8F2B, s0  }
0xbf: {  	[sflag:s0] =	ssyncadd.remote.s32 $0x1  }
0xc0: {  	_ =	sfence.sel $0xFFFF  }
0xc1: {  	[dreg:$0x0] =	wrdreg $0xFFFFFFFF;
	(pc) =	sbr.abs _section_cstart, $3  }
0xc2: {  	[dreg:$0x1] =	wrdreg $0xFFFFFFFF  }
0xc3: {  	_ =	task.clear_ibuf [dreg:s8], $0x2FFFF;
	_ =	strace $0x9FFFFFFF  }
0xc4: {  	(tm) =	ssettm $0x7FFFFFFF  }
0xc5: {  	_ =	shalt  }
tec
execute0_lowered:
.L_overlay_start_1:
0x0: {  	(tag) =	ssettag $0x1  }
0x1: {  	v0 =	vlaneseq.u32  }
0x2: {  	v0 =	vmul.u32 $0x100, v0  }
0x3: {  	s7 =	rddreg [dreg:$0x0]  }
0x4: {  	s1 =	rddreg [dreg:$0x1];
	v1 =	vimm.f32 $1.000000000e+00;
	v33 =	vimm.f32 $0.0e+00;
	v2 =	vor.u32 $0x1000, v0  }
0x5: {  	s4 =	rddreg [dreg:$0x2];
	v3 =	vor.u32 $0x2000, v0;
	v4 =	vor.u32 $0x3000, v0;
	v5 =	vor.u32 $0x4000, v0  }
0x6: {  	s0 =	rddreg [dreg:$0x3];
	s3 =	simm.s32 $0x0;
	s5 =	srdreg.scid;
	v6 =	vor.u32 $0x5000, v0;
	v7 =	vor.u32 $0x6000, v0;
	v8 =	vor.u32 $0x7000, v0  }
0x7: {  	s2 =	stileid.u32;
	s11 =	simm.s32 $0xC000;
	s12 =	simm.s32 $0x3;
	v9 =	vor.u32 $0x40, v0;
	v10 =	vor.u32 $0x1040, v0;
	v11 =	vor.u32 $0x2040, v0  }
0x8: {  	s13 =	simm.s32 $0x1;
	s14 =	simm.s32 $0x2;
	s15 =	simm.s32 $0x80;
	v12 =	vor.u32 $0x3040, v0;
	v13 =	vor.u32 $0x4040, v0;
	v14 =	vor.u32 $0x5040, v0  }
0x9: {  	s16 =	simm.s32 $0x400;
	s17 =	simm.s32 $0x0;
	[smem:$0x7FF] =	sst s3;
	v15 =	vor.u32 $0x6040, v0;
	v16 =	vor.u32 $0x7040, v0;
	v17 =	vor.u32 $0x80, v0  }
0xa: {  	s5 =	sand.u32 $0x1, s5;
	s6 =	sshll.u32 s2, $0x1;
	s4 =	sadd.s32 $0x800, s4;
	v18 =	vor.u32 $0x1080, v0;
	v19 =	vor.u32 $0x2080, v0;
	v20 =	vor.u32 $0x3080, v0  }
0xb: {  	_ =	strace $0x80000047;
	s6 =	sor.u32 s5, s6;
	s8 =	ssub.s32 $0x2, s5;
	v21 =	vor.u32 $0x4080, v0;
	v22 =	vor.u32 $0x5080, v0;
	v23 =	vor.u32 $0x6080, v0  }
0xc: {  	s5 =	sshll.u32 s6, $0x11;
	s9 =	sshrl.u32 s8, $0x1;
	s10 =	sshll.u32 s6, $0xB;
	v24 =	vor.u32 $0x7080, v0;
	v25 =	vor.u32 $0xC0, v0;
	v26 =	vor.u32 $0x10C0, v0  }
0xd: {  	v27 =	vor.u32 $0x20C0, v0;
	v28 =	vor.u32 $0x30C0, v0;
	v29 =	vor.u32 $0x40C0, v0;
	s6 =	sadd.s32 s4, s5;
	s9 =	ssub.s32 s8, s9;
	s7 =	sadd.s32 s7, s10  }
0xe: {  	v30 =	vor.u32 $0x50C0, v0;
	v31 =	vor.u32 $0x60C0, v0;
	v32 =	vor.u32 $0x70C0, v0;
	s10 =	simm.s32 $0x4000;
	s8 =	sadd.s32 $0x10, s6;
	s9 =	smax.u32 s9, $0x1  }
.LBB2_1:
0xf: {  	[tilespmem:s3], [sflag:$0x3] =	stream.linear.gather [hbm4b:s7+s3], $0x4000, $0x38;
	[tilespmem:$0x14000] =	vst v63  }
0x10: {  	_ = 	snop  }
0x11: {  	[tilespmem:s10], [sflag:$0x1] =	stream.linear.gather [hbm4b:s1+s3], $0x8000, $0x38;
	[tilespmem:$0x14000] =	vst v63  }
0x12: {  	_ = 	snop  }
0x13: {  	[tilespmem:s11], [sflag:$0x2] =	stream.linear.gather [hbm4b:s1+s3], $0x8000, $0x38;
	[tilespmem:$0x14000] =	vst v63  }
0x14: {  	_ =	swait.ge [sflag:s12], $0x4000  }
0x15: {  	[sflag:s12] =	ssyncset.done $0x0  }
0x16: {  	[sflag:s12] =	ssyncadd.s32 $0xFFFFC000  }
0x17: {  	_ =	swait.ge [sflag:s13], $0x8000  }
0x18: {  	[sflag:s13] =	ssyncset.done $0x0  }
0x19: {  	[sflag:s13] =	ssyncadd.s32 $0xFFFF8000  }
0x1a: {  	_ =	swait.ge [sflag:s14], $0x8000  }
0x1b: {  	[sflag:s14] =	ssyncset.done $0x0  }
0x1c: {  	[sflag:s14] =	ssyncadd.s32 $0xFFFF8000  }
0x1d: {  	v34 =	vld [tilespmem:$0x0];
	_ =	sdelay $0x4  }
0x1e: {  	v34 =	vadd.s32 v0, v34;
	_ =	sdelay $0x4  }
0x1f: {  	[tilespmem:v34+s10+$0x0] =	vst.idx.msk $0xffff, v1  }
0x20: {  	v34 =	vld [tilespmem:$0x10];
	_ =	sdelay $0x4  }
0x21: {  	v34 =	vadd.s32 v2, v34;
	_ =	sdelay $0x4  }
0x22: {  	[tilespmem:v34+s10+$0x0] =	vst.idx.msk $0xffff, v1  }
0x23: {  	v34 =	vld [tilespmem:$0x20];
	_ =	sdelay $0x4  }
0x24: {  	v34 =	vadd.s32 v3, v34;
	_ =	sdelay $0x4  }
0x25: {  	[tilespmem:v34+s10+$0x0] =	vst.idx.msk $0xffff, v1  }
0x26: {  	v34 =	vld [tilespmem:$0x30];
	_ =	sdelay $0x4  }
0x27: {  	v34 =	vadd.s32 v4, v34;
	_ =	sdelay $0x4  }
0x28: {  	[tilespmem:v34+s10+$0x0] =	vst.idx.msk $0xffff, v1  }
0x29: {  	v34 =	vld [tilespmem:$0x40];
	_ =	sdelay $0x4  }
0x2a: {  	v34 =	vadd.s32 v5, v34;
	_ =	sdelay $0x4  }
0x2b: {  	[tilespmem:v34+s10+$0x0] =	vst.idx.msk $0xffff, v1  }
0x2c: {  	v34 =	vld [tilespmem:$0x50];
	_ =	sdelay $0x4  }
0x2d: {  	v34 =	vadd.s32 v6, v34;
	_ =	sdelay $0x4  }
0x2e: {  	[tilespmem:v34+s10+$0x0] =	vst.idx.msk $0xffff, v1  }
0x2f: {  	v34 =	vld [tilespmem:$0x60];
	_ =	sdelay $0x4  }
0x30: {  	v34 =	vadd.s32 v7, v34;
	_ =	sdelay $0x4  }
0x31: {  	[tilespmem:v34+s10+$0x0] =	vst.idx.msk $0xffff, v1  }
0x32: {  	v34 =	vld [tilespmem:$0x70];
	_ =	sdelay $0x4  }
0x33: {  	v34 =	vadd.s32 v8, v34;
	_ =	sdelay $0x4  }
0x34: {  	[tilespmem:v34+s10+$0x0] =	vst.idx.msk $0xffff, v1  }
0x35: {  	v34 =	vld [tilespmem:$0x80];
	_ =	sdelay $0x4  }
0x36: {  	v34 =	vadd.s32 v9, v34;
	_ =	sdelay $0x4  }
0x37: {  	[tilespmem:v34+s10+$0x0] =	vst.idx.msk $0xffff, v1  }
0x38: {  	v34 =	vld [tilespmem:$0x90];
	_ =	sdelay $0x4  }
0x39: {  	v34 =	vadd.s32 v10, v34;
	_ =	sdelay $0x4  }
0x3a: {  	[tilespmem:v34+s10+$0x0] =	vst.idx.msk $0xffff, v1  }
0x3b: {  	v34 =	vld [tilespmem:$0xA0];
	_ =	sdelay $0x4  }
0x3c: {  	v34 =	vadd.s32 v11, v34;
	_ =	sdelay $0x4  }
0x3d: {  	[tilespmem:v34+s10+$0x0] =	vst.idx.msk $0xffff, v1  }
0x3e: {  	v34 =	vld [tilespmem:$0xB0];
	_ =	sdelay $0x4  }
0x3f: {  	v34 =	vadd.s32 v12, v34;
	_ =	sdelay $0x4  }
0x40: {  	[tilespmem:v34+s10+$0x0] =	vst.idx.msk $0xffff, v1  }
0x41: {  	v34 =	vld [tilespmem:$0xC0];
	_ =	sdelay $0x4  }
0x42: {  	v34 =	vadd.s32 v13, v34;
	_ =	sdelay $0x4  }
0x43: {  	[tilespmem:v34+s10+$0x0] =	vst.idx.msk $0xffff, v1  }
0x44: {  	v34 =	vld [tilespmem:$0xD0];
	_ =	sdelay $0x4  }
0x45: {  	v34 =	vadd.s32 v14, v34;
	_ =	sdelay $0x4  }
0x46: {  	[tilespmem:v34+s10+$0x0] =	vst.idx.msk $0xffff, v1  }
0x47: {  	v34 =	vld [tilespmem:$0xE0];
	_ =	sdelay $0x4  }
0x48: {  	v34 =	vadd.s32 v15, v34;
	_ =	sdelay $0x4  }
0x49: {  	[tilespmem:v34+s10+$0x0] =	vst.idx.msk $0xffff, v1  }
0x4a: {  	v34 =	vld [tilespmem:$0xF0];
	_ =	sdelay $0x4  }
0x4b: {  	v34 =	vadd.s32 v16, v34;
	_ =	sdelay $0x4  }
0x4c: {  	[tilespmem:v34+s10+$0x0] =	vst.idx.msk $0xffff, v1  }
0x4d: {  	v34 =	vld [tilespmem:$0x100];
	_ =	sdelay $0x4  }
0x4e: {  	v34 =	vadd.s32 v17, v34;
	_ =	sdelay $0x4  }
0x4f: {  	[tilespmem:v34+s10+$0x0] =	vst.idx.msk $0xffff, v1  }
0x50: {  	v34 =	vld [tilespmem:$0x110];
	_ =	sdelay $0x4  }
0x51: {  	v34 =	vadd.s32 v18, v34;
	_ =	sdelay $0x4  }
0x52: {  	[tilespmem:v34+s10+$0x0] =	vst.idx.msk $0xffff, v1  }
0x53: {  	v34 =	vld [tilespmem:$0x120];
	_ =	sdelay $0x4  }
0x54: {  	v34 =	vadd.s32 v19, v34;
	_ =	sdelay $0x4  }
0x55: {  	[tilespmem:v34+s10+$0x0] =	vst.idx.msk $0xffff, v1  }
0x56: {  	v34 =	vld [tilespmem:$0x130];
	_ =	sdelay $0x4  }
0x57: {  	v34 =	vadd.s32 v20, v34;
	_ =	sdelay $0x4  }
0x58: {  	[tilespmem:v34+s10+$0x0] =	vst.idx.msk $0xffff, v1  }
0x59: {  	v34 =	vld [tilespmem:$0x140];
	_ =	sdelay $0x4  }
0x5a: {  	v34 =	vadd.s32 v21, v34;
	_ =	sdelay $0x4  }
0x5b: {  	[tilespmem:v34+s10+$0x0] =	vst.idx.msk $0xffff, v1  }
0x5c: {  	v34 =	vld [tilespmem:$0x150];
	_ =	sdelay $0x4  }
0x5d: {  	v34 =	vadd.s32 v22, v34;
	_ =	sdelay $0x4  }
0x5e: {  	[tilespmem:v34+s10+$0x0] =	vst.idx.msk $0xffff, v1  }
0x5f: {  	v34 =	vld [tilespmem:$0x160];
	_ =	sdelay $0x4  }
0x60: {  	v34 =	vadd.s32 v23, v34;
	_ =	sdelay $0x4  }
0x61: {  	[tilespmem:v34+s10+$0x0] =	vst.idx.msk $0xffff, v1  }
0x62: {  	v34 =	vld [tilespmem:$0x170];
	_ =	sdelay $0x4  }
0x63: {  	v34 =	vadd.s32 v24, v34;
	_ =	sdelay $0x4  }
0x64: {  	[tilespmem:v34+s10+$0x0] =	vst.idx.msk $0xffff, v1  }
0x65: {  	v34 =	vld [tilespmem:$0x180];
	_ =	sdelay $0x4  }
0x66: {  	v34 =	vadd.s32 v25, v34;
	_ =	sdelay $0x4  }
0x67: {  	[tilespmem:v34+s10+$0x0] =	vst.idx.msk $0xffff, v1  }
0x68: {  	v34 =	vld [tilespmem:$0x190];
	_ =	sdelay $0x4  }
0x69: {  	v34 =	vadd.s32 v26, v34;
	_ =	sdelay $0x4  }
0x6a: {  	[tilespmem:v34+s10+$0x0] =	vst.idx.msk $0xffff, v1  }
0x6b: {  	v34 =	vld [tilespmem:$0x1A0];
	_ =	sdelay $0x4  }
0x6c: {  	v34 =	vadd.s32 v27, v34;
	_ =	sdelay $0x4  }
0x6d: {  	[tilespmem:v34+s10+$0x0] =	vst.idx.msk $0xffff, v1  }
0x6e: {  	v34 =	vld [tilespmem:$0x1B0];
	_ =	sdelay $0x4  }
0x6f: {  	v34 =	vadd.s32 v28, v34;
	_ =	sdelay $0x4  }
0x70: {  	[tilespmem:v34+s10+$0x0] =	vst.idx.msk $0xffff, v1  }
0x71: {  	v34 =	vld [tilespmem:$0x1C0];
	_ =	sdelay $0x4  }
0x72: {  	v34 =	vadd.s32 v29, v34;
	_ =	sdelay $0x4  }
0x73: {  	[tilespmem:v34+s10+$0x0] =	vst.idx.msk $0xffff, v1  }
0x74: {  	v34 =	vld [tilespmem:$0x1D0];
	_ =	sdelay $0x4  }
0x75: {  	v34 =	vadd.s32 v30, v34;
	_ =	sdelay $0x4  }
0x76: {  	[tilespmem:v34+s10+$0x0] =	vst.idx.msk $0xffff, v1  }
0x77: {  	v34 =	vld [tilespmem:$0x1E0];
	_ =	sdelay $0x4  }
0x78: {  	v34 =	vadd.s32 v31, v34;
	_ =	sdelay $0x4  }
0x79: {  	[tilespmem:v34+s10+$0x0] =	vst.idx.msk $0xffff, v1  }
0x7a: {  	v34 =	vld [tilespmem:$0x1F0];
	_ =	sdelay $0x4  }
0x7b: {  	v34 =	vadd.s32 v32, v34;
	_ =	sdelay $0x4  }
0x7c: {  	[tilespmem:v34+s10+$0x0] =	vst.idx.msk $0xffff, v1  }
0x7d: {  	[hbm4b:s6+s15] =	stream.strided.scatter [tilespmem:s10], [sflag:$0x1], $0x8000, s16, s15, $0x38;
	[tilespmem:$0x14000] =	vst v63  }
0x7e: {  	v34 =	vld [tilespmem:$0x200];
	_ =	sdelay $0x4  }
0x7f: {  	v34 =	vadd.s32 v0, v34;
	_ =	sdelay $0x4  }
0x80: {  	[tilespmem:v34+s11+$0x0] =	vst.idx.msk $0xffff, v1  }
0x81: {  	v34 =	vld [tilespmem:$0x210];
	_ =	sdelay $0x4  }
0x82: {  	v34 =	vadd.s32 v2, v34;
	_ =	sdelay $0x4  }
0x83: {  	[tilespmem:v34+s11+$0x0] =	vst.idx.msk $0xffff, v1  }
0x84: {  	v34 =	vld [tilespmem:$0x220];
	_ =	sdelay $0x4  }
0x85: {  	v34 =	vadd.s32 v3, v34;
	_ =	sdelay $0x4  }
0x86: {  	[tilespmem:v34+s11+$0x0] =	vst.idx.msk $0xffff, v1  }
0x87: {  	v34 =	vld [tilespmem:$0x230];
	_ =	sdelay $0x4  }
0x88: {  	v34 =	vadd.s32 v4, v34;
	_ =	sdelay $0x4  }
0x89: {  	[tilespmem:v34+s11+$0x0] =	vst.idx.msk $0xffff, v1  }
0x8a: {  	v34 =	vld [tilespmem:$0x240];
	_ =	sdelay $0x4  }
0x8b: {  	v34 =	vadd.s32 v5, v34;
	_ =	sdelay $0x4  }
0x8c: {  	[tilespmem:v34+s11+$0x0] =	vst.idx.msk $0xffff, v1  }
0x8d: {  	v34 =	vld [tilespmem:$0x250];
	_ =	sdelay $0x4  }
0x8e: {  	v34 =	vadd.s32 v6, v34;
	_ =	sdelay $0x4  }
0x8f: {  	[tilespmem:v34+s11+$0x0] =	vst.idx.msk $0xffff, v1  }
0x90: {  	v34 =	vld [tilespmem:$0x260];
	_ =	sdelay $0x4  }
0x91: {  	v34 =	vadd.s32 v7, v34;
	_ =	sdelay $0x4  }
0x92: {  	[tilespmem:v34+s11+$0x0] =	vst.idx.msk $0xffff, v1  }
0x93: {  	v34 =	vld [tilespmem:$0x270];
	_ =	sdelay $0x4  }
0x94: {  	v34 =	vadd.s32 v8, v34;
	_ =	sdelay $0x4  }
0x95: {  	[tilespmem:v34+s11+$0x0] =	vst.idx.msk $0xffff, v1  }
0x96: {  	v34 =	vld [tilespmem:$0x280];
	_ =	sdelay $0x4  }
0x97: {  	v34 =	vadd.s32 v9, v34;
	_ =	sdelay $0x4  }
0x98: {  	[tilespmem:v34+s11+$0x0] =	vst.idx.msk $0xffff, v1  }
0x99: {  	v34 =	vld [tilespmem:$0x290];
	_ =	sdelay $0x4  }
0x9a: {  	v34 =	vadd.s32 v10, v34;
	_ =	sdelay $0x4  }
0x9b: {  	[tilespmem:v34+s11+$0x0] =	vst.idx.msk $0xffff, v1  }
0x9c: {  	v34 =	vld [tilespmem:$0x2A0];
	_ =	sdelay $0x4  }
0x9d: {  	v34 =	vadd.s32 v11, v34;
	_ =	sdelay $0x4  }
0x9e: {  	[tilespmem:v34+s11+$0x0] =	vst.idx.msk $0xffff, v1  }
0x9f: {  	v34 =	vld [tilespmem:$0x2B0];
	_ =	sdelay $0x4  }
0xa0: {  	v34 =	vadd.s32 v12, v34;
	_ =	sdelay $0x4  }
0xa1: {  	[tilespmem:v34+s11+$0x0] =	vst.idx.msk $0xffff, v1  }
0xa2: {  	v34 =	vld [tilespmem:$0x2C0];
	_ =	sdelay $0x4  }
0xa3: {  	v34 =	vadd.s32 v13, v34;
	_ =	sdelay $0x4  }
0xa4: {  	[tilespmem:v34+s11+$0x0] =	vst.idx.msk $0xffff, v1  }
0xa5: {  	v34 =	vld [tilespmem:$0x2D0];
	_ =	sdelay $0x4  }
0xa6: {  	v34 =	vadd.s32 v14, v34;
	_ =	sdelay $0x4  }
0xa7: {  	[tilespmem:v34+s11+$0x0] =	vst.idx.msk $0xffff, v1  }
0xa8: {  	v34 =	vld [tilespmem:$0x2E0];
	_ =	sdelay $0x4  }
0xa9: {  	v34 =	vadd.s32 v15, v34;
	_ =	sdelay $0x4  }
0xaa: {  	[tilespmem:v34+s11+$0x0] =	vst.idx.msk $0xffff, v1  }
0xab: {  	v34 =	vld [tilespmem:$0x2F0];
	_ =	sdelay $0x4  }
0xac: {  	v34 =	vadd.s32 v16, v34;
	_ =	sdelay $0x4  }
0xad: {  	[tilespmem:v34+s11+$0x0] =	vst.idx.msk $0xffff, v1  }
0xae: {  	v34 =	vld [tilespmem:$0x300];
	_ =	sdelay $0x4  }
0xaf: {  	v34 =	vadd.s32 v17, v34;
	_ =	sdelay $0x4  }
0xb0: {  	[tilespmem:v34+s11+$0x0] =	vst.idx.msk $0xffff, v1  }
0xb1: {  	v34 =	vld [tilespmem:$0x310];
	_ =	sdelay $0x4  }
0xb2: {  	v34 =	vadd.s32 v18, v34;
	_ =	sdelay $0x4  }
0xb3: {  	[tilespmem:v34+s11+$0x0] =	vst.idx.msk $0xffff, v1  }
0xb4: {  	v34 =	vld [tilespmem:$0x320];
	_ =	sdelay $0x4  }
0xb5: {  	v34 =	vadd.s32 v19, v34;
	_ =	sdelay $0x4  }
0xb6: {  	[tilespmem:v34+s11+$0x0] =	vst.idx.msk $0xffff, v1  }
0xb7: {  	v34 =	vld [tilespmem:$0x330];
	_ =	sdelay $0x4  }
0xb8: {  	v34 =	vadd.s32 v20, v34;
	_ =	sdelay $0x4  }
0xb9: {  	[tilespmem:v34+s11+$0x0] =	vst.idx.msk $0xffff, v1  }
0xba: {  	v34 =	vld [tilespmem:$0x340];
	_ =	sdelay $0x4  }
0xbb: {  	v34 =	vadd.s32 v21, v34;
	_ =	sdelay $0x4  }
0xbc: {  	[tilespmem:v34+s11+$0x0] =	vst.idx.msk $0xffff, v1  }
0xbd: {  	v34 =	vld [tilespmem:$0x350];
	_ =	sdelay $0x4  }
0xbe: {  	v34 =	vadd.s32 v22, v34;
	_ =	sdelay $0x4  }
0xbf: {  	[tilespmem:v34+s11+$0x0] =	vst.idx.msk $0xffff, v1  }
0xc0: {  	v34 =	vld [tilespmem:$0x360];
	_ =	sdelay $0x4  }
0xc1: {  	v34 =	vadd.s32 v23, v34;
	_ =	sdelay $0x4  }
0xc2: {  	[tilespmem:v34+s11+$0x0] =	vst.idx.msk $0xffff, v1  }
0xc3: {  	v34 =	vld [tilespmem:$0x370];
	_ =	sdelay $0x4  }
0xc4: {  	v34 =	vadd.s32 v24, v34;
	_ =	sdelay $0x4  }
0xc5: {  	[tilespmem:v34+s11+$0x0] =	vst.idx.msk $0xffff, v1  }
0xc6: {  	v34 =	vld [tilespmem:$0x380];
	_ =	sdelay $0x4  }
0xc7: {  	v34 =	vadd.s32 v25, v34;
	_ =	sdelay $0x4  }
0xc8: {  	[tilespmem:v34+s11+$0x0] =	vst.idx.msk $0xffff, v1  }
0xc9: {  	v34 =	vld [tilespmem:$0x390];
	_ =	sdelay $0x4  }
0xca: {  	v34 =	vadd.s32 v26, v34;
	_ =	sdelay $0x4  }
0xcb: {  	[tilespmem:v34+s11+$0x0] =	vst.idx.msk $0xffff, v1  }
0xcc: {  	v34 =	vld [tilespmem:$0x3A0];
	_ =	sdelay $0x4  }
0xcd: {  	v34 =	vadd.s32 v27, v34;
	_ =	sdelay $0x4  }
0xce: {  	[tilespmem:v34+s11+$0x0] =	vst.idx.msk $0xffff, v1  }
0xcf: {  	v34 =	vld [tilespmem:$0x3B0];
	_ =	sdelay $0x4  }
0xd0: {  	v34 =	vadd.s32 v28, v34;
	_ =	sdelay $0x4  }
0xd1: {  	[tilespmem:v34+s11+$0x0] =	vst.idx.msk $0xffff, v1  }
0xd2: {  	v34 =	vld [tilespmem:$0x3C0];
	_ =	sdelay $0x4  }
0xd3: {  	v34 =	vadd.s32 v29, v34;
	_ =	sdelay $0x4  }
0xd4: {  	[tilespmem:v34+s11+$0x0] =	vst.idx.msk $0xffff, v1  }
0xd5: {  	v34 =	vld [tilespmem:$0x3D0];
	_ =	sdelay $0x4  }
0xd6: {  	v34 =	vadd.s32 v30, v34;
	_ =	sdelay $0x4  }
0xd7: {  	[tilespmem:v34+s11+$0x0] =	vst.idx.msk $0xffff, v1  }
0xd8: {  	v34 =	vld [tilespmem:$0x3E0];
	_ =	sdelay $0x4  }
0xd9: {  	v34 =	vadd.s32 v31, v34;
	_ =	sdelay $0x4  }
0xda: {  	[tilespmem:v34+s11+$0x0] =	vst.idx.msk $0xffff, v1  }
0xdb: {  	v34 =	vld [tilespmem:$0x3F0];
	_ =	sdelay $0x4  }
0xdc: {  	v34 =	vadd.s32 v32, v34;
	_ =	sdelay $0x4  }
0xdd: {  	s18 =	simm.s32 $0x2000;
	s19 =	simm.s32 $0x30;
	s20 =	simm.s32 $0x400;
	[tilespmem:v34+s11+$0x0] =	vst.idx.msk $0xffff, v1  }
0xde: {  	[hbm4b:s8+s15] =	stream.strided.scatter [tilespmem:s11], [sflag:$0x2], $0x8000, s16, s15, $0x38;
	[tilespmem:$0x14000] =	vst v63  }
.LBB2_2:
0xdf: {  	_ =	swait.ge [sflag:s13], $0x8000  }
0xe0: {  	[sflag:s13] =	ssyncset.done $0x0  }
0xe1: {  	[sflag:s13] =	ssyncadd.s32 $0xFFFF8000  }
0xe2: {  	v34 =	vld [tilespmem:s20+$0xFFFFFC00];
	_ =	sdelay $0x4  }
0xe3: {  	v34 =	vadd.s32 v0, v34;
	_ =	sdelay $0x4  }
0xe4: {  	[tilespmem:v34+s10+$0x0] =	vst.idx.msk $0xffff, v33  }
0xe5: {  	v34 =	vld [tilespmem:s20+$0xFFFFFC10];
	_ =	sdelay $0x4  }
0xe6: {  	v34 =	vadd.s32 v2, v34;
	_ =	sdelay $0x4  }
0xe7: {  	[tilespmem:v34+s10+$0x0] =	vst.idx.msk $0xffff, v33  }
0xe8: {  	v34 =	vld [tilespmem:s20+$0xFFFFFC20];
	_ =	sdelay $0x4  }
0xe9: {  	v34 =	vadd.s32 v3, v34;
	_ =	sdelay $0x4  }
0xea: {  	[tilespmem:v34+s10+$0x0] =	vst.idx.msk $0xffff, v33  }
0xeb: {  	v34 =	vld [tilespmem:s20+$0xFFFFFC30];
	_ =	sdelay $0x4  }
0xec: {  	v34 =	vadd.s32 v4, v34;
	_ =	sdelay $0x4  }
0xed: {  	[tilespmem:v34+s10+$0x0] =	vst.idx.msk $0xffff, v33  }
0xee: {  	v34 =	vld [tilespmem:s20+$0xFFFFFC40];
	_ =	sdelay $0x4  }
0xef: {  	v34 =	vadd.s32 v5, v34;
	_ =	sdelay $0x4  }
0xf0: {  	[tilespmem:v34+s10+$0x0] =	vst.idx.msk $0xffff, v33  }
0xf1: {  	v34 =	vld [tilespmem:s20+$0xFFFFFC50];
	_ =	sdelay $0x4  }
0xf2: {  	v34 =	vadd.s32 v6, v34;
	_ =	sdelay $0x4  }
0xf3: {  	[tilespmem:v34+s10+$0x0] =	vst.idx.msk $0xffff, v33  }
0xf4: {  	v34 =	vld [tilespmem:s20+$0xFFFFFC60];
	_ =	sdelay $0x4  }
0xf5: {  	v34 =	vadd.s32 v7, v34;
	_ =	sdelay $0x4  }
0xf6: {  	[tilespmem:v34+s10+$0x0] =	vst.idx.msk $0xffff, v33  }
0xf7: {  	v34 =	vld [tilespmem:s20+$0xFFFFFC70];
	_ =	sdelay $0x4  }
0xf8: {  	v34 =	vadd.s32 v8, v34;
	_ =	sdelay $0x4  }
0xf9: {  	[tilespmem:v34+s10+$0x0] =	vst.idx.msk $0xffff, v33  }
0xfa: {  	v34 =	vld [tilespmem:s20+$0xFFFFFC80];
	_ =	sdelay $0x4  }
0xfb: {  	v34 =	vadd.s32 v9, v34;
	_ =	sdelay $0x4  }
0xfc: {  	[tilespmem:v34+s10+$0x0] =	vst.idx.msk $0xffff, v33  }
0xfd: {  	v34 =	vld [tilespmem:s20+$0xFFFFFC90];
	_ =	sdelay $0x4  }
0xfe: {  	v34 =	vadd.s32 v10, v34;
	_ =	sdelay $0x4  }
0xff: {  	[tilespmem:v34+s10+$0x0] =	vst.idx.msk $0xffff, v33  }
0x100: {  	v34 =	vld [tilespmem:s20+$0xFFFFFCA0];
	_ =	sdelay $0x4  }
0x101: {  	v34 =	vadd.s32 v11, v34;
	_ =	sdelay $0x4  }
0x102: {  	[tilespmem:v34+s10+$0x0] =	vst.idx.msk $0xffff, v33  }
0x103: {  	v34 =	vld [tilespmem:s20+$0xFFFFFCB0];
	_ =	sdelay $0x4  }
0x104: {  	v34 =	vadd.s32 v12, v34;
	_ =	sdelay $0x4  }
0x105: {  	[tilespmem:v34+s10+$0x0] =	vst.idx.msk $0xffff, v33  }
0x106: {  	v34 =	vld [tilespmem:s20+$0xFFFFFCC0];
	_ =	sdelay $0x4  }
0x107: {  	v34 =	vadd.s32 v13, v34;
	_ =	sdelay $0x4  }
0x108: {  	[tilespmem:v34+s10+$0x0] =	vst.idx.msk $0xffff, v33  }
0x109: {  	v34 =	vld [tilespmem:s20+$0xFFFFFCD0];
	_ =	sdelay $0x4  }
0x10a: {  	v34 =	vadd.s32 v14, v34;
	_ =	sdelay $0x4  }
0x10b: {  	[tilespmem:v34+s10+$0x0] =	vst.idx.msk $0xffff, v33  }
0x10c: {  	v34 =	vld [tilespmem:s20+$0xFFFFFCE0];
	_ =	sdelay $0x4  }
0x10d: {  	v34 =	vadd.s32 v15, v34;
	_ =	sdelay $0x4  }
0x10e: {  	[tilespmem:v34+s10+$0x0] =	vst.idx.msk $0xffff, v33  }
0x10f: {  	v34 =	vld [tilespmem:s20+$0xFFFFFCF0];
	_ =	sdelay $0x4  }
0x110: {  	v34 =	vadd.s32 v16, v34;
	_ =	sdelay $0x4  }
0x111: {  	[tilespmem:v34+s10+$0x0] =	vst.idx.msk $0xffff, v33  }
0x112: {  	v34 =	vld [tilespmem:s20+$0xFFFFFD00];
	_ =	sdelay $0x4  }
0x113: {  	v34 =	vadd.s32 v17, v34;
	_ =	sdelay $0x4  }
0x114: {  	[tilespmem:v34+s10+$0x0] =	vst.idx.msk $0xffff, v33  }
0x115: {  	v34 =	vld [tilespmem:s20+$0xFFFFFD10];
	_ =	sdelay $0x4  }
0x116: {  	v34 =	vadd.s32 v18, v34;
	_ =	sdelay $0x4  }
0x117: {  	[tilespmem:v34+s10+$0x0] =	vst.idx.msk $0xffff, v33  }
0x118: {  	v34 =	vld [tilespmem:s20+$0xFFFFFD20];
	_ =	sdelay $0x4  }
0x119: {  	v34 =	vadd.s32 v19, v34;
	_ =	sdelay $0x4  }
0x11a: {  	[tilespmem:v34+s10+$0x0] =	vst.idx.msk $0xffff, v33  }
0x11b: {  	v34 =	vld [tilespmem:s20+$0xFFFFFD30];
	_ =	sdelay $0x4  }
0x11c: {  	v34 =	vadd.s32 v20, v34;
	_ =	sdelay $0x4  }
0x11d: {  	[tilespmem:v34+s10+$0x0] =	vst.idx.msk $0xffff, v33  }
0x11e: {  	v34 =	vld [tilespmem:s20+$0xFFFFFD40];
	_ =	sdelay $0x4  }
0x11f: {  	v34 =	vadd.s32 v21, v34;
	_ =	sdelay $0x4  }
0x120: {  	[tilespmem:v34+s10+$0x0] =	vst.idx.msk $0xffff, v33  }
0x121: {  	v34 =	vld [tilespmem:s20+$0xFFFFFD50];
	_ =	sdelay $0x4  }
0x122: {  	v34 =	vadd.s32 v22, v34;
	_ =	sdelay $0x4  }
0x123: {  	[tilespmem:v34+s10+$0x0] =	vst.idx.msk $0xffff, v33  }
0x124: {  	v34 =	vld [tilespmem:s20+$0xFFFFFD60];
	_ =	sdelay $0x4  }
0x125: {  	v34 =	vadd.s32 v23, v34;
	_ =	sdelay $0x4  }
0x126: {  	[tilespmem:v34+s10+$0x0] =	vst.idx.msk $0xffff, v33  }
0x127: {  	v34 =	vld [tilespmem:s20+$0xFFFFFD70];
	_ =	sdelay $0x4  }
0x128: {  	v34 =	vadd.s32 v24, v34;
	_ =	sdelay $0x4  }
0x129: {  	[tilespmem:v34+s10+$0x0] =	vst.idx.msk $0xffff, v33  }
0x12a: {  	v34 =	vld [tilespmem:s20+$0xFFFFFD80];
	_ =	sdelay $0x4  }
0x12b: {  	v34 =	vadd.s32 v25, v34;
	_ =	sdelay $0x4  }
0x12c: {  	[tilespmem:v34+s10+$0x0] =	vst.idx.msk $0xffff, v33  }
0x12d: {  	v34 =	vld [tilespmem:s20+$0xFFFFFD90];
	_ =	sdelay $0x4  }
0x12e: {  	v34 =	vadd.s32 v26, v34;
	_ =	sdelay $0x4  }
0x12f: {  	[tilespmem:v34+s10+$0x0] =	vst.idx.msk $0xffff, v33  }
0x130: {  	v34 =	vld [tilespmem:s20+$0xFFFFFDA0];
	_ =	sdelay $0x4  }
0x131: {  	v34 =	vadd.s32 v27, v34;
	_ =	sdelay $0x4  }
0x132: {  	[tilespmem:v34+s10+$0x0] =	vst.idx.msk $0xffff, v33  }
0x133: {  	v34 =	vld [tilespmem:s20+$0xFFFFFDB0];
	_ =	sdelay $0x4  }
0x134: {  	v34 =	vadd.s32 v28, v34;
	_ =	sdelay $0x4  }
0x135: {  	[tilespmem:v34+s10+$0x0] =	vst.idx.msk $0xffff, v33  }
0x136: {  	v34 =	vld [tilespmem:s20+$0xFFFFFDC0];
	_ =	sdelay $0x4  }
0x137: {  	v34 =	vadd.s32 v29, v34;
	_ =	sdelay $0x4  }
0x138: {  	[tilespmem:v34+s10+$0x0] =	vst.idx.msk $0xffff, v33  }
0x139: {  	v34 =	vld [tilespmem:s20+$0xFFFFFDD0];
	_ =	sdelay $0x4  }
0x13a: {  	v34 =	vadd.s32 v30, v34;
	_ =	sdelay $0x4  }
0x13b: {  	[tilespmem:v34+s10+$0x0] =	vst.idx.msk $0xffff, v33  }
0x13c: {  	v34 =	vld [tilespmem:s20+$0xFFFFFDE0];
	_ =	sdelay $0x4  }
0x13d: {  	v34 =	vadd.s32 v31, v34;
	_ =	sdelay $0x4  }
0x13e: {  	[tilespmem:v34+s10+$0x0] =	vst.idx.msk $0xffff, v33  }
0x13f: {  	v34 =	vld [tilespmem:s20+$0xFFFFFDF0];
	_ =	sdelay $0x4  }
0x140: {  	v34 =	vadd.s32 v32, v34;
	_ =	sdelay $0x4  }
0x141: {  	[tilespmem:v34+s10+$0x0] =	vst.idx.msk $0xffff, v33  }
0x142: {  	v34 =	vld [tilespmem:s20+$0x0];
	_ =	sdelay $0x4  }
0x143: {  	v34 =	vadd.s32 v0, v34;
	_ =	sdelay $0x4  }
0x144: {  	[tilespmem:v34+s10+$0x0] =	vst.idx.msk $0xffff, v1  }
0x145: {  	v34 =	vld [tilespmem:s20+$0x10];
	_ =	sdelay $0x4  }
0x146: {  	v34 =	vadd.s32 v2, v34;
	_ =	sdelay $0x4  }
0x147: {  	[tilespmem:v34+s10+$0x0] =	vst.idx.msk $0xffff, v1  }
0x148: {  	v34 =	vld [tilespmem:s20+$0x20];
	_ =	sdelay $0x4  }
0x149: {  	v34 =	vadd.s32 v3, v34;
	_ =	sdelay $0x4  }
0x14a: {  	[tilespmem:v34+s10+$0x0] =	vst.idx.msk $0xffff, v1  }
0x14b: {  	v34 =	vld [tilespmem:s20+$0x30];
	_ =	sdelay $0x4  }
0x14c: {  	v34 =	vadd.s32 v4, v34;
	_ =	sdelay $0x4  }
0x14d: {  	[tilespmem:v34+s10+$0x0] =	vst.idx.msk $0xffff, v1  }
0x14e: {  	v34 =	vld [tilespmem:s20+$0x40];
	_ =	sdelay $0x4  }
0x14f: {  	v34 =	vadd.s32 v5, v34;
	_ =	sdelay $0x4  }
0x150: {  	[tilespmem:v34+s10+$0x0] =	vst.idx.msk $0xffff, v1  }
0x151: {  	v34 =	vld [tilespmem:s20+$0x50];
	_ =	sdelay $0x4  }
0x152: {  	v34 =	vadd.s32 v6, v34;
	_ =	sdelay $0x4  }
0x153: {  	[tilespmem:v34+s10+$0x0] =	vst.idx.msk $0xffff, v1  }
0x154: {  	v34 =	vld [tilespmem:s20+$0x60];
	_ =	sdelay $0x4  }
0x155: {  	v34 =	vadd.s32 v7, v34;
	_ =	sdelay $0x4  }
0x156: {  	[tilespmem:v34+s10+$0x0] =	vst.idx.msk $0xffff, v1  }
0x157: {  	v34 =	vld [tilespmem:s20+$0x70];
	_ =	sdelay $0x4  }
0x158: {  	v34 =	vadd.s32 v8, v34;
	_ =	sdelay $0x4  }
0x159: {  	[tilespmem:v34+s10+$0x0] =	vst.idx.msk $0xffff, v1  }
0x15a: {  	v34 =	vld [tilespmem:s20+$0x80];
	_ =	sdelay $0x4  }
0x15b: {  	v34 =	vadd.s32 v9, v34;
	_ =	sdelay $0x4  }
0x15c: {  	[tilespmem:v34+s10+$0x0] =	vst.idx.msk $0xffff, v1  }
0x15d: {  	v34 =	vld [tilespmem:s20+$0x90];
	_ =	sdelay $0x4  }
0x15e: {  	v34 =	vadd.s32 v10, v34;
	_ =	sdelay $0x4  }
0x15f: {  	[tilespmem:v34+s10+$0x0] =	vst.idx.msk $0xffff, v1  }
0x160: {  	v34 =	vld [tilespmem:s20+$0xA0];
	_ =	sdelay $0x4  }
0x161: {  	v34 =	vadd.s32 v11, v34;
	_ =	sdelay $0x4  }
0x162: {  	[tilespmem:v34+s10+$0x0] =	vst.idx.msk $0xffff, v1  }
0x163: {  	v34 =	vld [tilespmem:s20+$0xB0];
	_ =	sdelay $0x4  }
0x164: {  	v34 =	vadd.s32 v12, v34;
	_ =	sdelay $0x4  }
0x165: {  	[tilespmem:v34+s10+$0x0] =	vst.idx.msk $0xffff, v1  }
0x166: {  	v34 =	vld [tilespmem:s20+$0xC0];
	_ =	sdelay $0x4  }
0x167: {  	v34 =	vadd.s32 v13, v34;
	_ =	sdelay $0x4  }
0x168: {  	[tilespmem:v34+s10+$0x0] =	vst.idx.msk $0xffff, v1  }
0x169: {  	v34 =	vld [tilespmem:s20+$0xD0];
	_ =	sdelay $0x4  }
0x16a: {  	v34 =	vadd.s32 v14, v34;
	_ =	sdelay $0x4  }
0x16b: {  	[tilespmem:v34+s10+$0x0] =	vst.idx.msk $0xffff, v1  }
0x16c: {  	v34 =	vld [tilespmem:s20+$0xE0];
	_ =	sdelay $0x4  }
0x16d: {  	v34 =	vadd.s32 v15, v34;
	_ =	sdelay $0x4  }
0x16e: {  	[tilespmem:v34+s10+$0x0] =	vst.idx.msk $0xffff, v1  }
0x16f: {  	v34 =	vld [tilespmem:s20+$0xF0];
	_ =	sdelay $0x4  }
0x170: {  	v34 =	vadd.s32 v16, v34;
	_ =	sdelay $0x4  }
0x171: {  	[tilespmem:v34+s10+$0x0] =	vst.idx.msk $0xffff, v1  }
0x172: {  	v34 =	vld [tilespmem:s20+$0x100];
	_ =	sdelay $0x4  }
0x173: {  	v34 =	vadd.s32 v17, v34;
	_ =	sdelay $0x4  }
0x174: {  	[tilespmem:v34+s10+$0x0] =	vst.idx.msk $0xffff, v1  }
0x175: {  	v34 =	vld [tilespmem:s20+$0x110];
	_ =	sdelay $0x4  }
0x176: {  	v34 =	vadd.s32 v18, v34;
	_ =	sdelay $0x4  }
0x177: {  	[tilespmem:v34+s10+$0x0] =	vst.idx.msk $0xffff, v1  }
0x178: {  	v34 =	vld [tilespmem:s20+$0x120];
	_ =	sdelay $0x4  }
0x179: {  	v34 =	vadd.s32 v19, v34;
	_ =	sdelay $0x4  }
0x17a: {  	[tilespmem:v34+s10+$0x0] =	vst.idx.msk $0xffff, v1  }
0x17b: {  	v34 =	vld [tilespmem:s20+$0x130];
	_ =	sdelay $0x4  }
0x17c: {  	v34 =	vadd.s32 v20, v34;
	_ =	sdelay $0x4  }
0x17d: {  	[tilespmem:v34+s10+$0x0] =	vst.idx.msk $0xffff, v1  }
0x17e: {  	v34 =	vld [tilespmem:s20+$0x140];
	_ =	sdelay $0x4  }
0x17f: {  	v34 =	vadd.s32 v21, v34;
	_ =	sdelay $0x4  }
0x180: {  	[tilespmem:v34+s10+$0x0] =	vst.idx.msk $0xffff, v1  }
0x181: {  	v34 =	vld [tilespmem:s20+$0x150];
	_ =	sdelay $0x4  }
0x182: {  	v34 =	vadd.s32 v22, v34;
	_ =	sdelay $0x4  }
0x183: {  	[tilespmem:v34+s10+$0x0] =	vst.idx.msk $0xffff, v1  }
0x184: {  	v34 =	vld [tilespmem:s20+$0x160];
	_ =	sdelay $0x4  }
0x185: {  	v34 =	vadd.s32 v23, v34;
	_ =	sdelay $0x4  }
0x186: {  	[tilespmem:v34+s10+$0x0] =	vst.idx.msk $0xffff, v1  }
0x187: {  	v34 =	vld [tilespmem:s20+$0x170];
	_ =	sdelay $0x4  }
0x188: {  	v34 =	vadd.s32 v24, v34;
	_ =	sdelay $0x4  }
0x189: {  	[tilespmem:v34+s10+$0x0] =	vst.idx.msk $0xffff, v1  }
0x18a: {  	v34 =	vld [tilespmem:s20+$0x180];
	_ =	sdelay $0x4  }
0x18b: {  	v34 =	vadd.s32 v25, v34;
	_ =	sdelay $0x4  }
0x18c: {  	[tilespmem:v34+s10+$0x0] =	vst.idx.msk $0xffff, v1  }
0x18d: {  	v34 =	vld [tilespmem:s20+$0x190];
	_ =	sdelay $0x4  }
0x18e: {  	v34 =	vadd.s32 v26, v34;
	_ =	sdelay $0x4  }
0x18f: {  	[tilespmem:v34+s10+$0x0] =	vst.idx.msk $0xffff, v1  }
0x190: {  	v34 =	vld [tilespmem:s20+$0x1A0];
	_ =	sdelay $0x4  }
0x191: {  	v34 =	vadd.s32 v27, v34;
	_ =	sdelay $0x4  }
0x192: {  	[tilespmem:v34+s10+$0x0] =	vst.idx.msk $0xffff, v1  }
0x193: {  	v34 =	vld [tilespmem:s20+$0x1B0];
	_ =	sdelay $0x4  }
0x194: {  	v34 =	vadd.s32 v28, v34;
	_ =	sdelay $0x4  }
0x195: {  	[tilespmem:v34+s10+$0x0] =	vst.idx.msk $0xffff, v1  }
0x196: {  	v34 =	vld [tilespmem:s20+$0x1C0];
	_ =	sdelay $0x4  }
0x197: {  	v34 =	vadd.s32 v29, v34;
	_ =	sdelay $0x4  }
0x198: {  	[tilespmem:v34+s10+$0x0] =	vst.idx.msk $0xffff, v1  }
0x199: {  	v34 =	vld [tilespmem:s20+$0x1D0];
	_ =	sdelay $0x4  }
0x19a: {  	v34 =	vadd.s32 v30, v34;
	_ =	sdelay $0x4  }
0x19b: {  	[tilespmem:v34+s10+$0x0] =	vst.idx.msk $0xffff, v1  }
0x19c: {  	v34 =	vld [tilespmem:s20+$0x1E0];
	_ =	sdelay $0x4  }
0x19d: {  	v34 =	vadd.s32 v31, v34;
	_ =	sdelay $0x4  }
0x19e: {  	[tilespmem:v34+s10+$0x0] =	vst.idx.msk $0xffff, v1  }
0x19f: {  	v34 =	vld [tilespmem:s20+$0x1F0];
	_ =	sdelay $0x4  }
0x1a0: {  	v34 =	vadd.s32 v32, v34;
	_ =	sdelay $0x1  }
0x1a1: {  	s21 =	sadd.s32 $0xFFFFFFF0, s19  }
0x1a2: {  	s22 =	sand.u32 $0x18000, s18;
	s23 =	sand.u32 $0x60, s21  }
0x1a3: {  	s29 =	sor.u32 s5, s22;
	s30 =	sadd.s32 s4, s23  }
0x1a4: {  	s22 =	sadd.s32 s29, s30;
	[tilespmem:v34+s10+$0x0] =	vst.idx.msk $0xffff, v1  }
0x1a5: {  	[hbm4b:s22+s15] =	stream.strided.scatter [tilespmem:s10], [sflag:$0x1], $0x8000, s16, s15, $0x38;
	[tilespmem:$0x14000] =	vst v63  }
0x1a6: {  	_ =	swait.ge [sflag:s14], $0x8000  }
0x1a7: {  	[sflag:s14] =	ssyncset.done $0x0  }
0x1a8: {  	[sflag:s14] =	ssyncadd.s32 $0xFFFF8000  }
0x1a9: {  	v63 =	vld [tilespmem:s20+$0xFFFFFE00];
	_ =	sdelay $0x4  }
0x1aa: {  	v34 =	vadd.s32 v0, v63;
	_ =	sdelay $0x4  }
0x1ab: {  	[tilespmem:v34+s11+$0x0] =	vst.idx.msk $0xffff, v33  }
0x1ac: {  	v34 =	vld [tilespmem:s20+$0xFFFFFE10];
	_ =	sdelay $0x4  }
0x1ad: {  	v34 =	vadd.s32 v2, v34;
	_ =	sdelay $0x4  }
0x1ae: {  	[tilespmem:v34+s11+$0x0] =	vst.idx.msk $0xffff, v33  }
0x1af: {  	v34 =	vld [tilespmem:s20+$0xFFFFFE20];
	_ =	sdelay $0x4  }
0x1b0: {  	v34 =	vadd.s32 v3, v34;
	_ =	sdelay $0x4  }
0x1b1: {  	[tilespmem:v34+s11+$0x0] =	vst.idx.msk $0xffff, v33  }
0x1b2: {  	v34 =	vld [tilespmem:s20+$0xFFFFFE30];
	_ =	sdelay $0x4  }
0x1b3: {  	v34 =	vadd.s32 v4, v34;
	_ =	sdelay $0x4  }
0x1b4: {  	[tilespmem:v34+s11+$0x0] =	vst.idx.msk $0xffff, v33  }
0x1b5: {  	v34 =	vld [tilespmem:s20+$0xFFFFFE40];
	_ =	sdelay $0x4  }
0x1b6: {  	v34 =	vadd.s32 v5, v34;
	_ =	sdelay $0x4  }
0x1b7: {  	[tilespmem:v34+s11+$0x0] =	vst.idx.msk $0xffff, v33  }
0x1b8: {  	v34 =	vld [tilespmem:s20+$0xFFFFFE50];
	_ =	sdelay $0x4  }
0x1b9: {  	v34 =	vadd.s32 v6, v34;
	_ =	sdelay $0x4  }
0x1ba: {  	[tilespmem:v34+s11+$0x0] =	vst.idx.msk $0xffff, v33  }
0x1bb: {  	v34 =	vld [tilespmem:s20+$0xFFFFFE60];
	_ =	sdelay $0x4  }
0x1bc: {  	v34 =	vadd.s32 v7, v34;
	_ =	sdelay $0x4  }
0x1bd: {  	[tilespmem:v34+s11+$0x0] =	vst.idx.msk $0xffff, v33  }
0x1be: {  	v34 =	vld [tilespmem:s20+$0xFFFFFE70];
	_ =	sdelay $0x4  }
0x1bf: {  	v34 =	vadd.s32 v8, v34;
	_ =	sdelay $0x4  }
0x1c0: {  	[tilespmem:v34+s11+$0x0] =	vst.idx.msk $0xffff, v33  }
0x1c1: {  	v34 =	vld [tilespmem:s20+$0xFFFFFE80];
	_ =	sdelay $0x4  }
0x1c2: {  	v34 =	vadd.s32 v9, v34;
	_ =	sdelay $0x4  }
0x1c3: {  	[tilespmem:v34+s11+$0x0] =	vst.idx.msk $0xffff, v33  }
0x1c4: {  	v34 =	vld [tilespmem:s20+$0xFFFFFE90];
	_ =	sdelay $0x4  }
0x1c5: {  	v34 =	vadd.s32 v10, v34;
	_ =	sdelay $0x4  }
0x1c6: {  	[tilespmem:v34+s11+$0x0] =	vst.idx.msk $0xffff, v33  }
0x1c7: {  	v34 =	vld [tilespmem:s20+$0xFFFFFEA0];
	_ =	sdelay $0x4  }
0x1c8: {  	v34 =	vadd.s32 v11, v34;
	_ =	sdelay $0x4  }
0x1c9: {  	[tilespmem:v34+s11+$0x0] =	vst.idx.msk $0xffff, v33  }
0x1ca: {  	v34 =	vld [tilespmem:s20+$0xFFFFFEB0];
	_ =	sdelay $0x4  }
0x1cb: {  	v34 =	vadd.s32 v12, v34;
	_ =	sdelay $0x4  }
0x1cc: {  	[tilespmem:v34+s11+$0x0] =	vst.idx.msk $0xffff, v33  }
0x1cd: {  	v34 =	vld [tilespmem:s20+$0xFFFFFEC0];
	_ =	sdelay $0x4  }
0x1ce: {  	v34 =	vadd.s32 v13, v34;
	_ =	sdelay $0x4  }
0x1cf: {  	[tilespmem:v34+s11+$0x0] =	vst.idx.msk $0xffff, v33  }
0x1d0: {  	v34 =	vld [tilespmem:s20+$0xFFFFFED0];
	_ =	sdelay $0x4  }
0x1d1: {  	v34 =	vadd.s32 v14, v34;
	_ =	sdelay $0x4  }
0x1d2: {  	[tilespmem:v34+s11+$0x0] =	vst.idx.msk $0xffff, v33  }
0x1d3: {  	v34 =	vld [tilespmem:s20+$0xFFFFFEE0];
	_ =	sdelay $0x4  }
0x1d4: {  	v34 =	vadd.s32 v15, v34;
	_ =	sdelay $0x4  }
0x1d5: {  	[tilespmem:v34+s11+$0x0] =	vst.idx.msk $0xffff, v33  }
0x1d6: {  	v34 =	vld [tilespmem:s20+$0xFFFFFEF0];
	_ =	sdelay $0x4  }
0x1d7: {  	v34 =	vadd.s32 v16, v34;
	_ =	sdelay $0x4  }
0x1d8: {  	[tilespmem:v34+s11+$0x0] =	vst.idx.msk $0xffff, v33  }
0x1d9: {  	v34 =	vld [tilespmem:s20+$0xFFFFFF00];
	_ =	sdelay $0x4  }
0x1da: {  	v34 =	vadd.s32 v17, v34;
	_ =	sdelay $0x4  }
0x1db: {  	[tilespmem:v34+s11+$0x0] =	vst.idx.msk $0xffff, v33  }
0x1dc: {  	v34 =	vld [tilespmem:s20+$0xFFFFFF10];
	_ =	sdelay $0x4  }
0x1dd: {  	v34 =	vadd.s32 v18, v34;
	_ =	sdelay $0x4  }
0x1de: {  	[tilespmem:v34+s11+$0x0] =	vst.idx.msk $0xffff, v33  }
0x1df: {  	v34 =	vld [tilespmem:s20+$0xFFFFFF20];
	_ =	sdelay $0x4  }
0x1e0: {  	v34 =	vadd.s32 v19, v34;
	_ =	sdelay $0x4  }
0x1e1: {  	[tilespmem:v34+s11+$0x0] =	vst.idx.msk $0xffff, v33  }
0x1e2: {  	v34 =	vld [tilespmem:s20+$0xFFFFFF30];
	_ =	sdelay $0x4  }
0x1e3: {  	v34 =	vadd.s32 v20, v34;
	_ =	sdelay $0x4  }
0x1e4: {  	[tilespmem:v34+s11+$0x0] =	vst.idx.msk $0xffff, v33  }
0x1e5: {  	v34 =	vld [tilespmem:s20+$0xFFFFFF40];
	_ =	sdelay $0x4  }
0x1e6: {  	v34 =	vadd.s32 v21, v34;
	_ =	sdelay $0x4  }
0x1e7: {  	[tilespmem:v34+s11+$0x0] =	vst.idx.msk $0xffff, v33  }
0x1e8: {  	v34 =	vld [tilespmem:s20+$0xFFFFFF50];
	_ =	sdelay $0x4  }
0x1e9: {  	v34 =	vadd.s32 v22, v34;
	_ =	sdelay $0x4  }
0x1ea: {  	[tilespmem:v34+s11+$0x0] =	vst.idx.msk $0xffff, v33  }
0x1eb: {  	v34 =	vld [tilespmem:s20+$0xFFFFFF60];
	_ =	sdelay $0x4  }
0x1ec: {  	v34 =	vadd.s32 v23, v34;
	_ =	sdelay $0x4  }
0x1ed: {  	[tilespmem:v34+s11+$0x0] =	vst.idx.msk $0xffff, v33  }
0x1ee: {  	v34 =	vld [tilespmem:s20+$0xFFFFFF70];
	_ =	sdelay $0x4  }
0x1ef: {  	v34 =	vadd.s32 v24, v34;
	_ =	sdelay $0x4  }
0x1f0: {  	[tilespmem:v34+s11+$0x0] =	vst.idx.msk $0xffff, v33  }
0x1f1: {  	v34 =	vld [tilespmem:s20+$0xFFFFFF80];
	_ =	sdelay $0x4  }
0x1f2: {  	v34 =	vadd.s32 v25, v34;
	_ =	sdelay $0x4  }
0x1f3: {  	[tilespmem:v34+s11+$0x0] =	vst.idx.msk $0xffff, v33  }
0x1f4: {  	v34 =	vld [tilespmem:s20+$0xFFFFFF90];
	_ =	sdelay $0x4  }
0x1f5: {  	v34 =	vadd.s32 v26, v34;
	_ =	sdelay $0x4  }
0x1f6: {  	[tilespmem:v34+s11+$0x0] =	vst.idx.msk $0xffff, v33  }
0x1f7: {  	v34 =	vld [tilespmem:s20+$0xFFFFFFA0];
	_ =	sdelay $0x4  }
0x1f8: {  	v34 =	vadd.s32 v27, v34;
	_ =	sdelay $0x4  }
0x1f9: {  	[tilespmem:v34+s11+$0x0] =	vst.idx.msk $0xffff, v33  }
0x1fa: {  	v34 =	vld [tilespmem:s20+$0xFFFFFFB0];
	_ =	sdelay $0x4  }
0x1fb: {  	v34 =	vadd.s32 v28, v34;
	_ =	sdelay $0x4  }
0x1fc: {  	[tilespmem:v34+s11+$0x0] =	vst.idx.msk $0xffff, v33  }
0x1fd: {  	v34 =	vld [tilespmem:s20+$0xFFFFFFC0];
	_ =	sdelay $0x4  }
0x1fe: {  	v34 =	vadd.s32 v29, v34;
	_ =	sdelay $0x4  }
0x1ff: {  	[tilespmem:v34+s11+$0x0] =	vst.idx.msk $0xffff, v33  }
0x200: {  	v34 =	vld [tilespmem:s20+$0xFFFFFFD0];
	_ =	sdelay $0x4  }
0x201: {  	v34 =	vadd.s32 v30, v34;
	_ =	sdelay $0x4  }
0x202: {  	[tilespmem:v34+s11+$0x0] =	vst.idx.msk $0xffff, v33  }
0x203: {  	v34 =	vld [tilespmem:s20+$0xFFFFFFE0];
	_ =	sdelay $0x4  }
0x204: {  	v34 =	vadd.s32 v31, v34;
	_ =	sdelay $0x4  }
0x205: {  	[tilespmem:v34+s11+$0x0] =	vst.idx.msk $0xffff, v33  }
0x206: {  	v34 =	vld [tilespmem:s20+$0xFFFFFFF0];
	_ =	sdelay $0x4  }
0x207: {  	v34 =	vadd.s32 v32, v34;
	_ =	sdelay $0x4  }
0x208: {  	[tilespmem:v34+s11+$0x0] =	vst.idx.msk $0xffff, v33  }
0x209: {  	v34 =	vld [tilespmem:s20+$0x200];
	_ =	sdelay $0x4  }
0x20a: {  	v34 =	vadd.s32 v0, v34;
	_ =	sdelay $0x4  }
0x20b: {  	[tilespmem:v34+s11+$0x0] =	vst.idx.msk $0xffff, v1  }
0x20c: {  	v34 =	vld [tilespmem:s20+$0x210];
	_ =	sdelay $0x4  }
0x20d: {  	v34 =	vadd.s32 v2, v34;
	_ =	sdelay $0x4  }
0x20e: {  	[tilespmem:v34+s11+$0x0] =	vst.idx.msk $0xffff, v1  }
0x20f: {  	v34 =	vld [tilespmem:s20+$0x220];
	_ =	sdelay $0x4  }
0x210: {  	v34 =	vadd.s32 v3, v34;
	_ =	sdelay $0x4  }
0x211: {  	[tilespmem:v34+s11+$0x0] =	vst.idx.msk $0xffff, v1  }
0x212: {  	v34 =	vld [tilespmem:s20+$0x230];
	_ =	sdelay $0x4  }
0x213: {  	v34 =	vadd.s32 v4, v34;
	_ =	sdelay $0x4  }
0x214: {  	[tilespmem:v34+s11+$0x0] =	vst.idx.msk $0xffff, v1  }
0x215: {  	v34 =	vld [tilespmem:s20+$0x240];
	_ =	sdelay $0x4  }
0x216: {  	v34 =	vadd.s32 v5, v34;
	_ =	sdelay $0x4  }
0x217: {  	[tilespmem:v34+s11+$0x0] =	vst.idx.msk $0xffff, v1  }
0x218: {  	v34 =	vld [tilespmem:s20+$0x250];
	_ =	sdelay $0x4  }
0x219: {  	v34 =	vadd.s32 v6, v34;
	_ =	sdelay $0x4  }
0x21a: {  	[tilespmem:v34+s11+$0x0] =	vst.idx.msk $0xffff, v1  }
0x21b: {  	v34 =	vld [tilespmem:s20+$0x260];
	_ =	sdelay $0x4  }
0x21c: {  	v34 =	vadd.s32 v7, v34;
	_ =	sdelay $0x4  }
0x21d: {  	[tilespmem:v34+s11+$0x0] =	vst.idx.msk $0xffff, v1  }
0x21e: {  	v34 =	vld [tilespmem:s20+$0x270];
	_ =	sdelay $0x4  }
0x21f: {  	v34 =	vadd.s32 v8, v34;
	_ =	sdelay $0x4  }
0x220: {  	[tilespmem:v34+s11+$0x0] =	vst.idx.msk $0xffff, v1  }
0x221: {  	v34 =	vld [tilespmem:s20+$0x280];
	_ =	sdelay $0x4  }
0x222: {  	v34 =	vadd.s32 v9, v34;
	_ =	sdelay $0x4  }
0x223: {  	[tilespmem:v34+s11+$0x0] =	vst.idx.msk $0xffff, v1  }
0x224: {  	v34 =	vld [tilespmem:s20+$0x290];
	_ =	sdelay $0x4  }
0x225: {  	v34 =	vadd.s32 v10, v34;
	_ =	sdelay $0x4  }
0x226: {  	[tilespmem:v34+s11+$0x0] =	vst.idx.msk $0xffff, v1  }
0x227: {  	v34 =	vld [tilespmem:s20+$0x2A0];
	_ =	sdelay $0x4  }
0x228: {  	v34 =	vadd.s32 v11, v34;
	_ =	sdelay $0x4  }
0x229: {  	[tilespmem:v34+s11+$0x0] =	vst.idx.msk $0xffff, v1  }
0x22a: {  	v34 =	vld [tilespmem:s20+$0x2B0];
	_ =	sdelay $0x4  }
0x22b: {  	v34 =	vadd.s32 v12, v34;
	_ =	sdelay $0x4  }
0x22c: {  	[tilespmem:v34+s11+$0x0] =	vst.idx.msk $0xffff, v1  }
0x22d: {  	v34 =	vld [tilespmem:s20+$0x2C0];
	_ =	sdelay $0x4  }
0x22e: {  	v34 =	vadd.s32 v13, v34;
	_ =	sdelay $0x4  }
0x22f: {  	[tilespmem:v34+s11+$0x0] =	vst.idx.msk $0xffff, v1  }
0x230: {  	v34 =	vld [tilespmem:s20+$0x2D0];
	_ =	sdelay $0x4  }
0x231: {  	v34 =	vadd.s32 v14, v34;
	_ =	sdelay $0x4  }
0x232: {  	[tilespmem:v34+s11+$0x0] =	vst.idx.msk $0xffff, v1  }
0x233: {  	v34 =	vld [tilespmem:s20+$0x2E0];
	_ =	sdelay $0x4  }
0x234: {  	v34 =	vadd.s32 v15, v34;
	_ =	sdelay $0x4  }
0x235: {  	[tilespmem:v34+s11+$0x0] =	vst.idx.msk $0xffff, v1  }
0x236: {  	v34 =	vld [tilespmem:s20+$0x2F0];
	_ =	sdelay $0x4  }
0x237: {  	v34 =	vadd.s32 v16, v34;
	_ =	sdelay $0x4  }
0x238: {  	[tilespmem:v34+s11+$0x0] =	vst.idx.msk $0xffff, v1  }
0x239: {  	v34 =	vld [tilespmem:s20+$0x300];
	_ =	sdelay $0x4  }
0x23a: {  	v34 =	vadd.s32 v17, v34;
	_ =	sdelay $0x4  }
0x23b: {  	[tilespmem:v34+s11+$0x0] =	vst.idx.msk $0xffff, v1  }
0x23c: {  	v34 =	vld [tilespmem:s20+$0x310];
	_ =	sdelay $0x4  }
0x23d: {  	v34 =	vadd.s32 v18, v34;
	_ =	sdelay $0x4  }
0x23e: {  	[tilespmem:v34+s11+$0x0] =	vst.idx.msk $0xffff, v1  }
0x23f: {  	v34 =	vld [tilespmem:s20+$0x320];
	_ =	sdelay $0x4  }
0x240: {  	v34 =	vadd.s32 v19, v34;
	_ =	sdelay $0x4  }
0x241: {  	[tilespmem:v34+s11+$0x0] =	vst.idx.msk $0xffff, v1  }
0x242: {  	v34 =	vld [tilespmem:s20+$0x330];
	_ =	sdelay $0x4  }
0x243: {  	v34 =	vadd.s32 v20, v34;
	_ =	sdelay $0x4  }
0x244: {  	[tilespmem:v34+s11+$0x0] =	vst.idx.msk $0xffff, v1  }
0x245: {  	v34 =	vld [tilespmem:s20+$0x340];
	_ =	sdelay $0x4  }
0x246: {  	v34 =	vadd.s32 v21, v34;
	_ =	sdelay $0x4  }
0x247: {  	[tilespmem:v34+s11+$0x0] =	vst.idx.msk $0xffff, v1  }
0x248: {  	v34 =	vld [tilespmem:s20+$0x350];
	_ =	sdelay $0x4  }
0x249: {  	v34 =	vadd.s32 v22, v34;
	_ =	sdelay $0x4  }
0x24a: {  	[tilespmem:v34+s11+$0x0] =	vst.idx.msk $0xffff, v1  }
0x24b: {  	v34 =	vld [tilespmem:s20+$0x360];
	_ =	sdelay $0x4  }
0x24c: {  	v34 =	vadd.s32 v23, v34;
	_ =	sdelay $0x4  }
0x24d: {  	[tilespmem:v34+s11+$0x0] =	vst.idx.msk $0xffff, v1  }
0x24e: {  	v34 =	vld [tilespmem:s20+$0x370];
	_ =	sdelay $0x4  }
0x24f: {  	v34 =	vadd.s32 v24, v34;
	_ =	sdelay $0x4  }
0x250: {  	[tilespmem:v34+s11+$0x0] =	vst.idx.msk $0xffff, v1  }
0x251: {  	v34 =	vld [tilespmem:s20+$0x380];
	_ =	sdelay $0x4  }
0x252: {  	v34 =	vadd.s32 v25, v34;
	_ =	sdelay $0x4  }
0x253: {  	[tilespmem:v34+s11+$0x0] =	vst.idx.msk $0xffff, v1  }
0x254: {  	v34 =	vld [tilespmem:s20+$0x390];
	_ =	sdelay $0x4  }
0x255: {  	v34 =	vadd.s32 v26, v34;
	_ =	sdelay $0x4  }
0x256: {  	[tilespmem:v34+s11+$0x0] =	vst.idx.msk $0xffff, v1  }
0x257: {  	v34 =	vld [tilespmem:s20+$0x3A0];
	_ =	sdelay $0x4  }
0x258: {  	v34 =	vadd.s32 v27, v34;
	_ =	sdelay $0x4  }
0x259: {  	[tilespmem:v34+s11+$0x0] =	vst.idx.msk $0xffff, v1  }
0x25a: {  	v34 =	vld [tilespmem:s20+$0x3B0];
	_ =	sdelay $0x4  }
0x25b: {  	v34 =	vadd.s32 v28, v34;
	_ =	sdelay $0x4  }
0x25c: {  	[tilespmem:v34+s11+$0x0] =	vst.idx.msk $0xffff, v1  }
0x25d: {  	v34 =	vld [tilespmem:s20+$0x3C0];
	_ =	sdelay $0x4  }
0x25e: {  	v34 =	vadd.s32 v29, v34;
	_ =	sdelay $0x4  }
0x25f: {  	[tilespmem:v34+s11+$0x0] =	vst.idx.msk $0xffff, v1  }
0x260: {  	v34 =	vld [tilespmem:s20+$0x3D0];
	_ =	sdelay $0x4  }
0x261: {  	v34 =	vadd.s32 v30, v34;
	_ =	sdelay $0x4  }
0x262: {  	[tilespmem:v34+s11+$0x0] =	vst.idx.msk $0xffff, v1  }
0x263: {  	v34 =	vld [tilespmem:s20+$0x3E0];
	_ =	sdelay $0x4  }
0x264: {  	v34 =	vadd.s32 v31, v34;
	_ =	sdelay $0x4  }
0x265: {  	[tilespmem:v34+s11+$0x0] =	vst.idx.msk $0xffff, v1  }
0x266: {  	v34 =	vld [tilespmem:s20+$0x3F0];
	_ =	sdelay $0x4  }
0x267: {  	v34 =	vadd.s32 v32, v34  }
0x268: {  	p0 =	sne.s32 s18, $0x1E000  }
.Ltmp0:
0x269: {  	_ = 	snop;
	(pc) =	sbr.rel @p0 .LBB2_2-.Ltmp0, $4  }
0x26a: {  	_ = 	snop  }
0x26b: {  	s31 =	sand.u32 $0x70, s19;
	s19 =	sadd.s32 $0x20, s19;
	s21 =	sadd.s32 s4, s29  }
0x26c: {  	s18 =	sadd.s32 $0x2000, s18;
	s21 =	sadd.s32 s31, s21;
	s20 =	sadd.s32 $0x400, s20;
	[tilespmem:v34+s11+$0x0] =	vst.idx.msk $0xffff, v1  }
0x26d: {  	[hbm4b:s21+s15] =	stream.strided.scatter [tilespmem:s11], [sflag:$0x2], $0x8000, s16, s15, $0x38;
	[tilespmem:$0x14000] =	vst v63  }
0x26e: {  	s17 =	sadd.s32 $0x1, s17  }
0x26f: {  	_ =	swait.ge [sflag:s13], $0x8000;
	p0 =	sne.s32 s17, s9  }
.Ltmp1:
0x270: {  	[sflag:s13] =	ssyncset.done $0x0;
	(pc) =	sbr.rel @p0 .LBB2_1-.Ltmp1, $4  }
0x271: {  	[sflag:s13] =	ssyncadd.s32 $0xFFFF8000  }
0x272: {  	_ =	swait.ge [sflag:s14], $0x8000  }
0x273: {  	[sflag:s14] =	ssyncset.done $0x0  }
0x274: {  	[sflag:s14] =	ssyncadd.s32 $0xFFFF8000  }
0x275: {  	_ =	sfence.sel $0x180000  }
0x276: {  	[bflag:$0x0] =	sbarrier.arrive $0xFFFF  }
0x277: {  	p0 =	sne.s32 s2, $0x0;
	_ =	strace $0x90000047  }
0x278: {  	s0 =	sadd.s32 @!p0 $0x100000, s0;
	[bflag:$0x2] =	sbarrier.arrive $0xFFFF  }
0x279: {  	[sflag:s0] =	ssyncadd.tile.s32 @!p0 $0x1;
	_ =	shalt  }
.Lfunc_end2:
_tile_overlayer_lowered:
.L_overlay_start_2:
0x27a: {  	(tag) =	ssettag $0x2  }
0x27b: {  	s0 =	rddreg [dreg:$0x0];
	s2 =	stileid.u32  }
0x27c: {  	s1 =	rddreg [dreg:$0x1];
	p0 =	sne.s32 s2, $0x0  }
0x27d: {  	s3 =	rddreg [dreg:$0x2];
	[bflag:$0x3] =	sbarrier.arrive $0xFFFF;
	s2 =	simm.s32 @!p0 $0x1C04  }
0x27e: {  	[timem:s3], [sflag:s2] =	dma.local @!p0 [hbm:s0], s1  }
0x27f: {  	s0 =	simm.s32 @!p0 $0x4  }
0x280: {  	_ =	swait.ge @!p0 [sflag:s0], s1  }
0x281: {  	s1 =	ssub.s32 @!p0 $0x0, s1;
	[sflag:s0] =	ssyncset.done @!p0 $0x0  }
0x282: {  	[sflag:s0] =	ssyncadd.s32 @!p0 s1  }
0x283: {  	[bflag:$0x3] =	sbarrier.arrive $0xFFFF  }
0x284: {  	_ =	shalt  }

// kernel: sparse-core-data-format-call.cloned.1.call-start
scs
called_computation_lowered:
.L_overlay_start_0:
0x0: {  	s2 =	sld [smem:$0x3FD9]  }
0x1: {  	s3 =	sld [smem:$0x3FFE];
	_ =	sdelay $0x1  }
0x2: {  	s1 =	srdreg.scid  }
0x3: {  	s0 =	sand.u32 $0x1, s1  }
0x4: {  	s18 =	sshll.u32 s0, $0xA;
	s2 =	sadd.s32 s3, s2  }
0x5: {  	s2 =	sadd.s32 s2, s18  }
0x6: {  	[smem:$0x3FC7] =	sst s2  }
0x7: {  	_ = 	snop  }
0x8: {  	s2 =	sld [smem:$0x3FD0];
	(tm) =	ssettm $0x1  }
0x9: {  	s19 =	sld [smem:$0x3FFB];
	_ =	sdelay $0x3  }
0xa: {  	_ =	strace s19  }
0xb: {  	s3 =	sld [smem:$0x3FFC];
	_ =	sdelay $0x3  }
0xc: {  	_ =	strace s3  }
0xd: {  	s3 =	sld [smem:$0x3FFD];
	_ =	sdelay $0x3  }
0xe: {  	_ =	strace s3  }
0xf: {  	_ =	strace $0x8FFFFFFF  }
0x10: {  	s20 =	sld [smem:$0x3FDB];
	_ =	sdelay $0x1  }
0x11: {  	s4 =	simm.s32 $_scs_section_size  }
0x12: {  	s5 =	simm.s32 $_size__tile_overlayer_lowered;
	s6 =	simm.s32 $_tile_overlayer_lowered  }
0x13: {  	s23 =	simm.s32 $0x1BFF;
	s22 =	sshll.u32 s6, $0x1;
	s3 =	sadd.s32 s4, s20  }
0x14: {  	s7 =	simm.s32 $0x0;
	s21 =	sshll.u32 s5, $0x1;
	s5 =	sadd.s32 s22, s3  }
0x15: {  	[timem:s7], [sflag:s23] =	dma.local [hbm:s5], s21  }
0x16: {  	_ =	swait.ge [sflag:s23], s21  }
0x17: {  	s4 =	ssub.s32 $0x0, s21;
	[sflag:s23] =	ssyncset.done $0x0  }
0x18: {  	[sflag:s23] =	ssyncadd.s32 s4;
	_ =	sdelay $0x1  }
0x19: {  	s24 =	simm.s32 $0x1B8B  }
0x1a: {  	_ =	swait.ge [sflag:s24], $0x1  }
0x1b: {  	[sflag:s24] =	ssyncset.done $0x0  }
0x1c: {  	s26 =	simm.s32 $0x1B8E;
	s25 =	sld [smem:$0x3FFE];
	[sflag:s24] =	ssyncadd.s32 $0xFFFFFFFF  }
0x1d: {  	s27 =	simm.s32 $execute0_lowered;
	[smem:$0x3FD2] =	sst s26  }
0x1e: {  	s5 =	sshll.u32 s27, $0x1;
	_ =	strace $0x80000049;
	[dreg:$0x1] =	wrdreg $0xFFFFFFFF  }
0x1f: {  	s28 =	simm.s32 $_size_execute0_lowered;
	s3 =	sadd.s32 s3, s5;
	[dreg:$0x0] =	wrdreg $0x0  }
0x20: {  	s5 =	sshll.u32 s28, $0x1;
	[dreg:$0x2] =	wrdreg s3  }
0x21: {  	[dreg:$0x3] =	wrdreg s5  }
0x22: {  	[dreg:$0x4] =	wrdreg $0xC0  }
0x23: {  	_ =	task [dreg:s7], $0x5FFFF  }
0x24: {  	[dreg:$0x1] =	wrdreg $0xFFFFFFFF  }
0x25: {  	[dreg:$0x0] =	wrdreg $0x60  }
0x26: {  	[dreg:$0x2] =	wrdreg s25  }
0x27: {  	[dreg:$0x3] =	wrdreg s2  }
0x28: {  	[dreg:$0x4] =	wrdreg $0x9  }
0x29: {  	_ =	task.clear_ibuf [dreg:s7], $0x5FFFF;
	_ =	strace $0x90000049  }
0x2a: {  	s29 =	simm.s32 $0x9;
	_ =	strace $0x8000004B  }
0x2b: {  	_ =	swait.ge [sflag:s29], $0x1  }
0x2c: {  	[sflag:s29] =	ssyncadd.s32 $0xFFFFFFFF  }
0x2d: {  	_ =	strace $0x9000004B  }
0x2e: {  	_ =	sfence  }
0x2f: {  	s30 =	sld [smem:$0x0];
	_ =	sdelay $0x2  }
0x30: {  	s31 =	sshll.u32 s1, $0xD;
	s1 =	sshrl.u32 s1, $0x2  }
0x31: {  	s3 =	sand.u32 $0x4000, s31;
	s1 =	sadd.s32 s1, s30  }
0x32: {  	s0 =	sor.u32 s3, s0;
	s1 =	sshll.u32 s1, $0x11  }
0x33: {  	s0 =	sor.u32 s1, s0  }
0x34: {  	s0 =	sadd.s32 $0x8F2B, s0  }
0x35: {  	[sflag:s0] =	ssyncadd.remote.s32 $0x1  }
0x36: {  	_ =	sfence.sel $0xFFFF  }
0x37: {  	[dreg:$0x0] =	wrdreg $0xFFFFFFFF;
	(pc) =	sbr.abs _section_cstart, $3  }
0x38: {  	[dreg:$0x1] =	wrdreg $0xFFFFFFFF  }
0x39: {  	_ =	task.clear_ibuf [dreg:s7], $0x2FFFF;
	_ =	strace $0x9FFFFFFF  }
0x3a: {  	(tm) =	ssettm $0x7FFFFFFF  }
0x3b: {  	_ =	shalt  }
tec
execute0_lowered:
.L_overlay_start_1:
0x0: {  	(tag) =	ssettag $0x1  }
0x1: {  	s1 =	rddreg [dreg:$0x0]  }
0x2: {  	s2 =	rddreg [dreg:$0x1]  }
0x3: {  	s0 =	rddreg [dreg:$0x2]  }
0x4: {  	_ =	strace $0x8000004A;
	s4 =	srdreg.scid;
	s6 =	simm.s32 $0x2  }
0x5: {  	s11 =	simm.s32 $0x0;
	p0 =	por $0x0, $0x0;
	s7 =	simm.s32 $0x8000  }
.Ltmp0:
0x6: {  	s12 =	simm.s32 $0x0;
	s9 =	simm.s32 $0x0;
	(pc) =	sbr.rel .LBB1_1-.Ltmp0, $4  }
0x7: {  	s8 =	simm.s32 $0x0;
	s3 =	sadd.s32 $0x800, s1;
	s5 =	sshll.u32 s4, $0x4  }
0x8: {  	s1 =	stileid.u32;
	s4 =	simm.s32 $0x1;
	s5 =	sand.u32 $0x10, s5  }
0x9: {  	s18 =	simm.s32 $0x0;
	[sflag:s4] =	ssyncpa.u1 $0x0;
	s5 =	sor.u32 s1, s5  }
0xa: {  	[sflag:s6] =	ssyncpa.u1 $0x0;
	s6 =	simm.s32 $0x800;
	s10 =	smov.u32 s5  }
.LBB1_7:
0xb: {  	s13 =	sadd.s32 $0x8, s9  }
0xc: {  	s11 =	sadd.s32 $0x20, s10;
	s15 =	smov.u32 s10;
	p2 =	sgt.s32 s13, $0x7F  }
0xd: {  	p1 =	slt.u32 s8, $0x2;
	s15 =	smov.u32 @p2 s11  }
0xe: {  	s8 =	sadd.s32 $0x1, s8;
	s13 =	simm.s32 @p2 $0x0;
	p2 =	sgt.s32 s15, $0x7F  }
0xf: {  	s15 =	smov.u32 @p2 s5;
	p2 =	sne.s32 s8, $0x42  }
.Ltmp1:
0x10: {  	_ = 	snop;
	(pc) =	sbr.rel @!p2 .LBB1_8-.Ltmp1, $4  }
0x11: {  	s14 =	simm.s32 @!p1 $0x2  }
0x12: {  	s12 =	smov.u32 s10;
	_ =	swait.ge @!p1 [sflag:s14], $0x4000  }
0x13: {  	p0 =	por !p0, !p0;
	s11 =	smov.u32 s9;
	[sflag:s14] =	ssyncset.done @!p1 $0x0  }
0x14: {  	s9 =	smov.u32 s13;
	[sflag:s14] =	ssyncadd.s32 @!p1 $0xFFFFC000;
	s10 =	smov.u32 s15  }
.LBB1_1:
0x15: {  	p1 =	sgt.u32 s8, $0x3F  }
0x16: {  	s13 =	sxor.u32 @!p1 $0xFFFFFFFF, s8;
	s14 =	sshll.u32 @!p1 s10, $0xF  }
0x17: {  	s15 =	sshll.u32 @!p1 s9, $0x8;
	s13 =	sshll.u32 @!p1 s13, $0xE;
	s14 =	sadd.s32 @!p1 s3, s14  }
0x18: {  	s13 =	sand.u32 @!p1 $0x4000, s13;
	s14 =	sadd.s32 @!p1 s15, s14;
	s15 =	simm.s32 @!p1 $0x0  }
0x19: {  	[tilespmem:s13], [sflag:$0x1] =	stream.linear.gather @!p1 [hbm4b:s14+s15], $0x4000, $0x38;
	[tilespmem:$0x10000] =	vst v63  }
0x1a: {  	p1 =	seq.s32 s8, $0x0  }
0x1b: {  	p2 =	seq.s32 @!p1 s8, $0x41  }
0x1c: {  	p1 =	por p1, p2  }
.Ltmp2:
0x1d: {  	_ = 	snop;
	(pc) =	sbr.rel @p1 .LBB1_7-.Ltmp2, $1  }
0x1e: {  	_ =	sdelay $0x3  }
0x1f: {  	s13 =	simm.s32 $0x1  }
0x20: {  	_ =	swait.ge [sflag:s4], $0x4000;
	s31 =	sshll.u32 s8, $0xE;
	p1 =	por $0x0, $0x0  }
0x21: {  	s19 =	simm.s32 $0x0;
	s20 =	simm.s32 $0x0;
	s13 =	simm.s32 @!p0 $0x0  }
0x22: {  	[sflag:s4] =	ssyncset.done $0x0;
	s16 =	sand.u32 $0x4000, s31;
	s13 =	sshll.u32 s13, $0x10  }
0x23: {  	[sflag:s4] =	ssyncadd.s32 $0xFFFFC000;
	s17 =	sshrl.u32 s13, $0x2;
	s13 =	sor.u32 $0x8000, s16  }
0x24: {  	s14 =	sor.u32 $0x40, s17;
	s15 =	sor.u32 $0x8410, s17;
	s17 =	sadd.s32 $0x8400, s17  }
.LBB1_3:
0x25: {  	v1 =	vld [tilespmem:s14+$0xFFFFFFD0]  }
0x26: {  	v2 =	vld [tilespmem:s14+$0x430]  }
0x27: {  	s21 =	sshll.u32 s20, $0xB;
	v4 =	vld [tilespmem:s14+$0xFFFFFFE0]  }
0x28: {  	v7 =	vld [tilespmem:s14+$0xFFFFFFF0];
	v0 =	vmov s21  }
0x29: {  	v8 =	vld [tilespmem:s14+$0x0]  }
0x2a: {  	s30 =	sand.u32 $0x300, s18;
	v9 =	vld [tilespmem:s14+$0x10]  }
0x2b: {  	s22 =	sand.u32 $0x80, s18;
	v10 =	vld [tilespmem:s14+$0x20];
	s21 =	sadd.s32 s30, s16  }
0x2c: {  	v11 =	vld [tilespmem:s14+$0x30];
	s21 =	sadd.s32 s22, s21;
	s22 =	simm.s32 $0x1;
	[tilespmem:s15+$0x60] =	vst v2  }
0x2d: {  	s31 =	sshll.u32 s19, $0x2;
	s22 =	simm.s32 @!p1 $0x0;
	[tilespmem:s15+$0xFFFFFC00] =	vst v1;
	v3 =	vld.idx.msk [tilespmem:v0+s21+$0x400 ss:$0x1], $0xffff  }
0x2e: {  	v6 =	vld [tilespmem:s14+$0x3D0];
	s22 =	sshll.u32 s22, $0x9;
	[tilespmem:s15+$0xFFFFFC10] =	vst v4;
	s21 =	sand.u32 $0xFFFFFC00, s31  }
0x2f: {  	v5 =	vld [tilespmem:s14+$0x3E0];
	[tilespmem:s15+$0xFFFFFC20] =	vst v7;
	s21 =	sor.u32 s22, s21  }
0x30: {  	[tilespmem:s15+$0xFFFFFC30] =	vst v8;
	v4 =	vld [tilespmem:s14+$0x400];
	s21 =	sshrl.u32 s21, $0x2  }
0x31: {  	[tilespmem:s15+$0xFFFFFC40] =	vst v9;
	v1 =	vld [tilespmem:s14+$0x410];
	s21 =	sadd.s32 s21, s17  }
0x32: {  	[tilespmem:s21+$0x0] =	vst v3;
	v3 =	vld [tilespmem:s14+$0x3F0]  }
0x33: {  	s25 =	simm.s32 $0x80;
	s24 =	simm.s32 $0x100;
	[tilespmem:s15+$0xFFFFFC50] =	vst v10;
	v2 =	vld [tilespmem:s14+$0x420]  }
0x34: {  	s23 =	smov.u32 s15;
	s26 =	sand.u32 $0x300, s25;
	v7 =	vld [tilespmem:s14+$0xFFFFFFC0];
	[tilespmem:s15+$0xFFFFFC60] =	vst v11;
	s22 =	sadd.s32 $0x80, s14  }
.LBB1_4:
0x35: {  	p2 =	sne.s32 s24, $0x380;
	v8 =	vld [tilespmem:s22+$0xFFFFFFD0];
	s25 =	sand.u32 $0x80, s25;
	s26 =	sadd.s32 s26, s16;
	[tilespmem:s23+$0x0] =	vst v6  }
0x36: {  	s26 =	sadd.s32 s25, s26;
	v6 =	vld [tilespmem:s22+$0x430];
	[tilespmem:s23+$0x10] =	vst v5;
	s25 =	smov.u32 s24  }
0x37: {  	v5 =	vld.idx.msk [tilespmem:v0+s26+$0x400 ss:$0x1], $0xffff;
	[tilespmem:s23+$0x20] =	vst v3  }
0x38: {  	v3 =	vld [tilespmem:s22+$0xFFFFFFE0];
	[tilespmem:s23+$0x30] =	vst v4  }
0x39: {  	v4 =	vld [tilespmem:s22+$0xFFFFFFF0];
	[tilespmem:s23+$0xFFFFFBF0] =	vst v7  }
0x3a: {  	v7 =	vld [tilespmem:s22+$0x0];
	[tilespmem:s23+$0x40] =	vst v1  }
0x3b: {  	v1 =	vld [tilespmem:s22+$0x10];
	[tilespmem:s23+$0x50] =	vst v2;
	s23 =	sadd.s32 $0x800, s23  }
0x3c: {  	s21 =	sadd.s32 $0x800, s21;
	v2 =	vld [tilespmem:s22+$0x20];
	[tilespmem:s23+$0x60] =	vst v6  }
0x3d: {  	v9 =	vld [tilespmem:s22+$0x30];
	[tilespmem:s21+$0x0] =	vst v5  }
0x3e: {  	[tilespmem:s23+$0xFFFFFC00] =	vst v8;
	v6 =	vld [tilespmem:s22+$0x3D0]  }
0x3f: {  	[tilespmem:s23+$0xFFFFFC10] =	vst v3;
	v5 =	vld [tilespmem:s22+$0x3E0]  }
.Ltmp3:
0x40: {  	[tilespmem:s23+$0xFFFFFC20] =	vst v4;
	v3 =	vld [tilespmem:s22+$0x3F0];
	(pc) =	sbr.rel @p2 .LBB1_4-.Ltmp3, $4  }
0x41: {  	[tilespmem:s23+$0xFFFFFC30] =	vst v7;
	v4 =	vld [tilespmem:s22+$0x400]  }
0x42: {  	[tilespmem:s23+$0xFFFFFC40] =	vst v1;
	v1 =	vld [tilespmem:s22+$0x410]  }
0x43: {  	[tilespmem:s23+$0xFFFFFC50] =	vst v2;
	v2 =	vld [tilespmem:s22+$0x420]  }
0x44: {  	s24 =	sadd.s32 $0x80, s24;
	s26 =	sand.u32 $0x300, s25;
	v7 =	vld [tilespmem:s22+$0xFFFFFFC0];
	[tilespmem:s23+$0xFFFFFC60] =	vst v9;
	s22 =	sadd.s32 $0x80, s22  }
0x45: {  	[tilespmem:s23+$0x0] =	vst v6  }
0x46: {  	[tilespmem:s23+$0x10] =	vst v5  }
0x47: {  	v49 =	vld [tilespmem:s22+$0x430];
	[tilespmem:s23+$0x20] =	vst v3  }
0x48: {  	v50 =	vld [tilespmem:s22+$0xFFFFFFD0];
	[tilespmem:s23+$0x30] =	vst v4  }
0x49: {  	v51 =	vld [tilespmem:s22+$0xFFFFFFE0];
	[tilespmem:s23+$0x40] =	vst v1  }
0x4a: {  	v52 =	vld [tilespmem:s22+$0xFFFFFFF0];
	[tilespmem:s23+$0x50] =	vst v2  }
0x4b: {  	s31 =	sadd.s32 $0x800, s23;
	v53 =	vld [tilespmem:s22+$0x0];
	[tilespmem:s23+$0xFFFFFBF0] =	vst v7  }
0x4c: {  	v54 =	vld [tilespmem:s22+$0x10];
	[tilespmem:s31+$0x60] =	vst v49  }
0x4d: {  	v55 =	vld [tilespmem:s22+$0x20];
	[tilespmem:s31+$0xFFFFFC00] =	vst v50  }
0x4e: {  	v56 =	vld [tilespmem:s22+$0x30];
	[tilespmem:s31+$0xFFFFFC10] =	vst v51  }
0x4f: {  	v57 =	vld [tilespmem:s22+$0x3D0];
	[tilespmem:s31+$0xFFFFFC20] =	vst v52  }
0x50: {  	v58 =	vld [tilespmem:s22+$0x3E0];
	[tilespmem:s31+$0xFFFFFC30] =	vst v53  }
0x51: {  	v59 =	vld [tilespmem:s22+$0x3F0];
	[tilespmem:s31+$0xFFFFFC40] =	vst v54  }
0x52: {  	v60 =	vld [tilespmem:s22+$0x400];
	[tilespmem:s31+$0xFFFFFC50] =	vst v55  }
0x53: {  	v61 =	vld [tilespmem:s22+$0xFFFFFFC0];
	[tilespmem:s31+$0xFFFFFC60] =	vst v56  }
0x54: {  	s24 =	sand.u32 $0x80, s25;
	s30 =	sadd.s32 s26, s16;
	v62 =	vld [tilespmem:s22+$0x410];
	[tilespmem:s31+$0x0] =	vst v57  }
0x55: {  	v63 =	vld [tilespmem:s22+$0x420];
	s20 =	sadd.s32 $0x1, s20;
	s24 =	sadd.s32 s24, s30;
	[tilespmem:s31+$0x10] =	vst v58  }
0x56: {  	p2 =	sne.s32 s20, $0x8;
	v0 =	vld.idx.msk [tilespmem:v0+s24+$0x400 ss:$0x1], $0xffff;
	[tilespmem:s31+$0x20] =	vst v59  }
.Ltmp4:
0x57: {  	[tilespmem:s31+$0x30] =	vst v60;
	(pc) =	sbr.rel @p2 .LBB1_3-.Ltmp4, $4  }
0x58: {  	[tilespmem:s31+$0xFFFFFBF0] =	vst v61  }
0x59: {  	[tilespmem:s31+$0x40] =	vst v62  }
0x5a: {  	s21 =	sadd.s32 $0x800, s21;
	s14 =	sadd.s32 $0x800, s14;
	[tilespmem:s31+$0x50] =	vst v63  }
0x5b: {  	s19 =	sadd.s32 $0x80, s19;
	p1 =	por !p1, !p1;
	s15 =	sadd.s32 $0x80, s15;
	[tilespmem:s21+$0x0] =	vst v0  }
0x5c: {  	s14 =	sshll.u32 s11, $0x8;
	s31 =	sshll.u32 s11, $0x7  }
.Ltmp5:
0x5d: {  	s14 =	sand.u32 $0x7800, s14;
	s11 =	sand.u32 $0x380, s31;
	(pc) =	sbr.rel .LBB1_7-.Ltmp5, $4  }
0x5e: {  	s12 =	sshll.u32 s12, $0xF;
	s11 =	sor.u32 s11, s14  }
0x5f: {  	s12 =	sadd.s32 s2, s12;
	s11 =	sshrl.u32 s11, $0x3  }
0x60: {  	s11 =	sadd.s32 s11, s12  }
0x61: {  	[hbm4b:s11+s6] =	stream.strided.scatter [tilespmem:s13], [sflag:$0x2], $0x4000, s7, s6, $0x38;
	[tilespmem:$0x10000] =	vst v63  }
.LBB1_8:
0x62: {  	_ =	sfence.sel $0x180000  }
0x63: {  	s2 =	simm.s32 $0x1;
	[bflag:$0x0] =	sbarrier.arrive $0xFFFF  }
0x64: {  	s31 =	simm.s32 $0x2;
	[sflag:s2] =	ssyncpa.u1 $0x1  }
0x65: {  	[sflag:s31] =	ssyncpa.u1 $0x1  }
0x66: {  	p0 =	sne.s32 s1, $0x0;
	_ =	strace $0x9000004A  }
0x67: {  	s0 =	sadd.s32 @!p0 $0x100000, s0;
	[bflag:$0x2] =	sbarrier.arrive $0xFFFF  }
0x68: {  	[sflag:s0] =	ssyncadd.tile.s32 @!p0 $0x1;
	_ =	shalt  }
.Lfunc_end1:
_tile_overlayer_lowered:
.L_overlay_start_2:
0x69: {  	(tag) =	ssettag $0x2  }
0x6a: {  	s0 =	rddreg [dreg:$0x0];
	s2 =	stileid.u32  }
0x6b: {  	s1 =	rddreg [dreg:$0x1];
	p0 =	sne.s32 s2, $0x0  }
0x6c: {  	s3 =	rddreg [dreg:$0x2];
	[bflag:$0x3] =	sbarrier.arrive $0xFFFF;
	s2 =	simm.s32 @!p0 $0x1C01  }
0x6d: {  	[timem:s3], [sflag:s2] =	dma.local @!p0 [hbm:s0], s1  }
0x6e: {  	s0 =	simm.s32 @!p0 $0x1  }
0x6f: {  	_ =	swait.ge @!p0 [sflag:s0], s1  }
0x70: {  	s1 =	ssub.s32 @!p0 $0x0, s1;
	[sflag:s0] =	ssyncset.done @!p0 $0x0  }
0x71: {  	[sflag:s0] =	ssyncadd.s32 @!p0 s1  }
0x72: {  	[bflag:$0x3] =	sbarrier.arrive $0xFFFF  }
0x73: {  	_ =	shalt  }

</sc_bundles>
